<compile_context>
chip_gen: v7x
topology: tpu7x:2x2x1
jax: 0.10.2.dev20260603
libtpu: 0.0.44.dev20260713+nightly
codegen_flags: <defaults>
</compile_context>

<pallas_src>
import dataclasses
import functools

import jax
import jax.numpy as jnp
from jax.experimental import pallas as pl
from jax.experimental.pallas import tpu as pltpu
from jax.experimental.pallas import tpu_sc as plsc

N = 4096
D = 32
K = 16
KP1 = K + 1
NH = N // 2
BR = 512
CH = 512
GROUPS = CH // K


def _knn_body(emb_r_ref, embt_ref, knn_d_ref, knn_i_ref, *, row_base):
    emb_r = emb_r_ref[...]
    embt = embt_ref[...]
    sq_col = jnp.sum(emb_r * emb_r, axis=1, keepdims=True)
    sq_row = jnp.sum(embt * embt, axis=0, keepdims=True)
    dots = jax.lax.dot_general(
        emb_r, embt, (((1,), (0,)), ((), ())),
        preferred_element_type=jnp.float32)
    d2 = jnp.maximum(sq_col + sq_row - 2.0 * dots, 0.0)

    iota = jax.lax.broadcasted_iota(jnp.int32, (BR, N), 1)
    vmask = jnp.int32(-4096)
    maxi = jnp.int32(0x7FFFFFFF)
    row_id = (row_base + pl.program_id(0) * BR
              + jax.lax.broadcasted_iota(jnp.int32, (BR, N), 0))
    key = (jax.lax.bitcast_convert_type(d2, jnp.int32) & vmask) | iota
    key = jnp.where(iota == row_id, maxi, key)
    q = N // 4
    qa, qb = key[:, :q], key[:, q:2 * q]
    qc, qd = key[:, 2 * q:3 * q], key[:, 3 * q:]
    m1, x1 = jnp.minimum(qa, qb), jnp.maximum(qa, qb)
    m2, x2 = jnp.minimum(qc, qd), jnp.maximum(qc, qd)
    r4 = jnp.minimum(m1, m2)
    s4 = jnp.where(m1 < m2, jnp.minimum(m2, x1), jnp.minimum(m1, x2))
    e = N // 8
    ra, rb = r4[:, :e], r4[:, e:]
    sa, sb = s4[:, :e], s4[:, e:]
    r8 = jnp.minimum(ra, rb)
    s8 = jnp.where(ra < rb, jnp.minimum(rb, sa), jnp.minimum(ra, sb))
    e2 = N // 16
    ra2, rb2 = r8[:, :e2], r8[:, e2:]
    sa2, sb2 = s8[:, :e2], s8[:, e2:]
    r16 = jnp.minimum(ra2, rb2)
    s16 = jnp.where(ra2 < rb2, jnp.minimum(rb2, sa2), jnp.minimum(ra2, sb2))
    e3 = N // 32
    ra3, rb3 = r16[:, :e3], r16[:, e3:]
    sa3, sb3 = s16[:, :e3], s16[:, e3:]
    r32 = jnp.minimum(ra3, rb3)
    s32 = jnp.where(ra3 < rb3, jnp.minimum(rb3, sa3), jnp.minimum(ra3, sb3))
    e4 = N // 64
    ra4, rb4 = r32[:, :e4], r32[:, e4:]
    sa4, sb4 = s32[:, :e4], s32[:, e4:]
    r = jnp.minimum(ra4, rb4)
    s = jnp.where(ra4 < rb4, jnp.minimum(rb4, sa4), jnp.minimum(ra4, sb4))
    for t in range(K):
        m = jnp.min(r, axis=1, keepdims=True)
        knn_d_ref[:, t:t + 1] = jax.lax.bitcast_convert_type(
            m & vmask, jnp.float32)
        knn_i_ref[:, t:t + 1] = m & jnp.int32(0xFFF)
        if t < K - 1:
            r = jnp.where(r == m, jnp.where(s == m, maxi, s), r)


def _knn_call(emb_half, embt, row_base):
    return pl.pallas_call(
        functools.partial(_knn_body, row_base=row_base),
        grid=(NH // BR,),
        in_specs=[
            pl.BlockSpec((BR, D), lambda i: (i, 0)),
            pl.BlockSpec((D, N), lambda i: (0, 0)),
        ],
        out_specs=[
            pl.BlockSpec((BR, K), lambda i: (i, 0)),
            pl.BlockSpec((BR, K), lambda i: (i, 0)),
        ],
        out_shape=[
            jax.ShapeDtypeStruct((NH, K), jnp.float32),
            jax.ShapeDtypeStruct((NH, K), jnp.int32),
        ],
    )(emb_half, embt)


_GATHER_W = 256
DPAD = 128


def _sc_gather(emb_pad, idx_flat):
    mesh = plsc.VectorSubcoreMesh(core_axis_name="core",
                                  subcore_axis_name="subcore")
    cp = pltpu.CompilerParams()
    if "needs_layout_passes" in pltpu.CompilerParams.__dataclass_fields__:
        cp = dataclasses.replace(cp, needs_layout_passes=False)

    @functools.partial(
        pl.kernel,
        out_type=jax.ShapeDtypeStruct((NH * K, DPAD), jnp.float32),
        mesh=mesh,
        compiler_params=cp,
    )
    def gather_kernel(x_hbm, i_hbm, o_hbm):
        def body(i_vmem, o_vmem):
            pltpu.sync_copy(x_hbm.at[i_vmem.at[0]], o_vmem)

        pltpu.emit_pipeline(
            body,
            grid=(NH * K // _GATHER_W,),
            in_specs=[pl.BlockSpec((1, _GATHER_W), index_map=lambda i: (0, i))],
            out_specs=[pl.BlockSpec((_GATHER_W, DPAD), index_map=lambda i: (i, 0))],
            core_axis_name=("core", "subcore"),
            dimension_semantics=(pltpu.PARALLEL,),
        )(i_hbm, o_hbm)

    return gather_kernel(emb_pad, idx_flat)


def _inter_body(g_ref, knn_d_ref, refc_ref, refd_ref,
                curv_ref, knnsum_ref, refdsum_ref):
    step = pl.program_id(0)

    @pl.when(step == 0)
    def _init():
        curv_ref[...] = jnp.zeros_like(curv_ref)
        knnsum_ref[...] = jnp.zeros_like(knnsum_ref)
        refdsum_ref[...] = jnp.zeros_like(refdsum_ref)

    knn_d = jnp.sqrt(knn_d_ref[...] + 1e-12)
    a = jnp.mean(knn_d, axis=1, keepdims=True)
    refc = refc_ref[...]

    ri = jax.lax.broadcasted_iota(jnp.int32, (CH, CH), 0)
    ci = jax.lax.broadcasted_iota(jnp.int32, (CH, CH), 1)
    mask = (ri // K == ci // K) & (ci > ri)
    gi = jax.lax.broadcasted_iota(jnp.int32, (GROUPS, CH), 0)
    gf = jax.lax.broadcasted_iota(jnp.int32, (GROUPS, CH), 1)
    pmat = (gf // K == gi).astype(jnp.float32)

    denom = K * (K - 1) / 2.0
    ones_row = jnp.ones((1, D), jnp.float32)
    partial = jnp.zeros((1, 1), jnp.float32)
    for j in range(BR * K // CH):
        sub = g_ref[j * CH:(j + 1) * CH, :D]
        sub2 = sub * sub
        sq_col = jnp.sum(sub2, axis=1, keepdims=True)
        sq_row = jax.lax.dot_general(
            ones_row, sub2, (((1,), (1,)), ((), ())),
            preferred_element_type=jnp.float32)
        dots = jax.lax.dot_general(
            sub, sub, (((1,), (1,)), ((), ())),
            preferred_element_type=jnp.float32)
        d2 = sq_col + sq_row - 2.0 * dots
        dist = jnp.sqrt(jnp.maximum(d2, 0.0) + 1e-12)
        msum = jnp.sum(jnp.where(mask, dist, 0.0), axis=1, keepdims=True)
        gs = jax.lax.dot_general(
            pmat, msum, (((1,), (0,)), ((), ())),
            preferred_element_type=jnp.float32)
        b = gs / denom
        a_j = a[j * GROUPS:(j + 1) * GROUPS, :]
        refc_j = refc[j * GROUPS:(j + 1) * GROUPS, :]
        diff = b / (a_j + 1e-8) - refc_j
        partial = partial + jnp.sum(diff * diff, keepdims=True)

    curv_ref[...] += partial
    knnsum_ref[...] += jnp.sum(knn_d, keepdims=True)
    refdsum_ref[...] += jnp.sum(refd_ref[...], keepdims=True)


def _inter_call(gathered, knn_d, refc, refd):
    return pl.pallas_call(
        _inter_body,
        grid=(NH // BR,),
        in_specs=[
            pl.BlockSpec((BR * K, DPAD), lambda i: (i, 0)),
            pl.BlockSpec((BR, K), lambda i: (i, 0)),
            pl.BlockSpec((BR, 1), lambda i: (i, 0)),
            pl.BlockSpec((BR, K), lambda i: (i, 0)),
        ],
        out_specs=[
            pl.BlockSpec((1, 1), lambda i: (0, 0)),
            pl.BlockSpec((1, 1), lambda i: (0, 0)),
            pl.BlockSpec((1, 1), lambda i: (0, 0)),
        ],
        out_shape=[
            jax.ShapeDtypeStruct((1, 1), jnp.float32),
            jax.ShapeDtypeStruct((1, 1), jnp.float32),
            jax.ShapeDtypeStruct((1, 1), jnp.float32),
        ],
    )(gathered, knn_d, refc, refd)


def kernel(embeddings, ref_curvature, ref_distances):
    emb = embeddings.astype(jnp.float32)
    embt = jnp.transpose(emb)
    emb_pad = jnp.pad(emb, ((0, 0), (0, DPAD - D)))
    refc = ref_curvature.reshape(N, 1)

    knn = [_knn_call(emb[h * NH:(h + 1) * NH], embt, h * NH) for h in range(2)]
    gathered = [_sc_gather(emb_pad, knn[h][1].reshape(1, NH * K))
                for h in range(2)]
    curv_sq = jnp.float32(0.0)
    knn_sum = jnp.float32(0.0)
    refd_sum = jnp.float32(0.0)
    for h in range(2):
        c, ks, rs = _inter_call(
            gathered[h], knn[h][0], refc[h * NH:(h + 1) * NH],
            ref_distances[h * NH:(h + 1) * NH])
        curv_sq = curv_sq + c[0, 0]
        knn_sum = knn_sum + ks[0, 0]
        refd_sum = refd_sum + rs[0, 0]

    curvature_loss = curv_sq / N
    scale_loss = (knn_sum / (N * K) - refd_sum / (N * K)) ** 2
    return curvature_loss + 0.1 * scale_loss

# --- scband reference (transcript-rebuilt; emitter-appended) ---
"""Pipeline reference for scband-ricci-flow-regularizer-73005854097894 (READ-ONLY COPY).

The authoritative reference and input builder live on the scoring server;
editing this copy changes nothing except your own understanding.
"""

import jax, jax.numpy as jnp
import numpy as np

N = 4096
D = 32
K_NEIGHBORS = 16

def _pairwise_dists(a):
    # emulates torch.cdist(a, a, p=2) with a numerically-safe sqrt
    sq = jnp.sum(a * a, axis=-1)
    d2 = sq[..., :, None] + sq[..., None, :] - 2.0 * jnp.matmul(a, jnp.swapaxes(a, -1, -2))
    d2 = jnp.maximum(d2, 0.0)
    return jnp.sqrt(d2 + 1e-12)

def _curvature_proxy(emb, k):
    dists = _pairwise_dists(emb)  # [n, n]
    neg_vals, knn_idx = jax.lax.top_k(-dists, k + 1)  # smallest k+1 (includes self)
    knn_dists = -neg_vals[:, 1:]   # [n, k]
    knn_indices = knn_idx[:, 1:]   # [n, k]
    avg_dist_to_neighbors = knn_dists.mean(axis=1)  # [n]
    neighbor_emb = emb[knn_indices]                 # gather -> [n, k, d]
    inter = _pairwise_dists(neighbor_emb)           # [n, k, k]
    mask = jnp.triu(jnp.ones((k, k), dtype=bool), k=1)
    denom = k * (k - 1) / 2.0
    avg_dist_between_neighbors = jnp.where(mask[None, :, :], inter, 0.0).sum(axis=(1, 2)) / denom
    curvature_proxy = avg_dist_between_neighbors / (avg_dist_to_neighbors + 1e-08)
    return curvature_proxy, knn_dists

def setup_inputs(seed: int = 0) -> dict:
    key = jax.random.key(seed)
    k1, k2 = jax.random.split(key)
    embeddings = jax.random.normal(k1, (N, D), dtype=jnp.float32)
    # materialize reference_structure (normally produced by set_reference; detached buffers)
    ref_emb = jax.random.normal(k2, (N, D), dtype=jnp.float32)
    ref_curvature, ref_distances = _curvature_proxy(ref_emb, K_NEIGHBORS)
    return {
        "embeddings": embeddings,
        "ref_curvature": jax.lax.stop_gradient(ref_curvature),
        "ref_distances": jax.lax.stop_gradient(ref_distances),
    }

def reference(embeddings, ref_curvature, ref_distances):
    curr_curvature, curr_distances = _curvature_proxy(embeddings, K_NEIGHBORS)
    curvature_loss = jnp.mean((curr_curvature - ref_curvature) ** 2)
    scale_loss = (curr_distances.mean() - ref_distances.mean()) ** 2
    return curvature_loss + 0.1 * scale_loss

if __name__ == "__main__":
    import jax
    _d = setup_inputs()
    print(jax.jit(kernel)(*tuple(_d.values())))

</pallas_src>

<mosaic_0001>
#map = affine_map<(d0, d1) -> (0, 0)>
module attributes {stable_mosaic.version = 14 : i64} {
  func.func @gather_kernel(%arg0: i32, %arg1: i32, %arg2: memref<4096x128xf32, #tpu.memory_space<hbm>>, %arg3: memref<1x32768xi32, #tpu.memory_space<hbm>>, %arg4: memref<32768x128xf32, #tpu.memory_space<hbm>>) attributes {dimension_semantics = [#tpu.dimension_semantics<core_parallel>, #tpu.dimension_semantics<subcore_parallel>], iteration_bounds = array<i64: 2, 16>, scalar_prefetch = 0 : i64, scratch_operands = 0 : i64, tpu.core_type = #tpu.core_type<sc_vector_subcore>, window_params = [{transform_indices = #map}, {transform_indices = #map}, {transform_indices = #map}]} {
    %mul3A = arith.constant 1 : i32
    %mul3A_0 = arith.muli %arg1, %mul3A : i32
    %add3A = arith.constant 0 : i32
    %add3A_1 = arith.addi %add3A, %mul3A_0 : i32
    %mul3A_2 = arith.constant 16 : i32
    %mul3A_3 = arith.muli %arg0, %mul3A_2 : i32
    %add3A_4 = arith.addi %add3A_1, %mul3A_3 : i32
    %mul3A_5 = arith.constant 4 : i32
    %mul3A_6 = arith.muli %add3A_4, %mul3A_5 : i32
    "tpu.region"() ({
      %run_scoped3A = memref.alloca() : memref<2x1x256xi32, #tpu.memory_space<vmem>>
      %run_scoped3A_7 = tpu.sem_alloc : memref<2x!tpu.dma_semaphore, #tpu.memory_space<semaphore_mem>>
      %run_scoped3A_8 = memref.alloca() : memref<2x256x128xf32, #tpu.memory_space<vmem>>
      %run_scoped3A_9 = tpu.sem_alloc : memref<2x!tpu.dma_semaphore, #tpu.memory_space<semaphore_mem>>
      %add3A_10 = arith.constant 0 : i32
      %add3A_11 = arith.addi %add3A_10, %mul3A_6 : i32
      %select_n3A = arith.constant true
      %select_n3A_12 = arith.constant 0 : i32
      %select_n3A_13 = arith.constant -1 : i32
      %select_n3A_14 = arith.select %select_n3A, %select_n3A_13, %select_n3A_12 : i32
      %eq3A = arith.constant -1 : i32
      %eq3A_15 = arith.cmpi eq, %select_n3A_14, %eq3A : i32
      %select_n3A_16 = arith.constant 3 : i32
      %select_n3A_17 = arith.select %eq3A_15, %select_n3A_16, %select_n3A_14 : i32
      %add3A_18 = arith.addi %select_n3A_17, %mul3A_6 : i32
      %select_n3A_19 = arith.constant true
      %select_n3A_20 = arith.constant 0 : i32
      %select_n3A_21 = arith.constant 1 : i32
      %select_n3A_22 = arith.select %select_n3A_19, %select_n3A_21, %select_n3A_20 : i32
      %eq3A_23 = arith.constant 4 : i32
      %eq3A_24 = arith.cmpi eq, %select_n3A_22, %eq3A_23 : i32
      %select_n3A_25 = arith.constant 0 : i32
      %select_n3A_26 = arith.select %eq3A_24, %select_n3A_25, %select_n3A_22 : i32
      %add3A_27 = arith.addi %select_n3A_26, %mul3A_6 : i32
      %add3A_28 = arith.constant 1 : i32
      %add3A_29 = arith.addi %select_n3A_26, %add3A_28 : i32
      %select_n3A_30 = arith.constant true
      %select_n3A_31 = arith.select %select_n3A_30, %add3A_29, %select_n3A_26 : i32
      %eq3A_32 = arith.constant 4 : i32
      %eq3A_33 = arith.cmpi eq, %select_n3A_31, %eq3A_32 : i32
      %select_n3A_34 = arith.constant 0 : i32
      %select_n3A_35 = arith.select %eq3A_33, %select_n3A_34, %select_n3A_31 : i32
      %add3A_36 = arith.addi %select_n3A_35, %mul3A_6 : i32
      "tpu.trace_start"() <{level = 10 : i32, message = "ep_initialize_0"}> : () -> ()
      %rem3A = arith.constant 0 : i32
      %rem3A_37 = arith.constant 2 : i32
      %rem3A_38 = arith.remui %rem3A, %rem3A_37 : i32
      %mul3A_39 = arith.constant 256 : i32
      %mul3A_40 = arith.muli %mul3A_39, %add3A_11 : i32
      %dma_start3A = arith.constant 0 : i32
      %dma_start3A_41 = arith.constant 0 : i32
      %dma_start3A_42 = tpu.memref_slice %run_scoped3A[%rem3A_38, %dma_start3A, %dma_start3A_41] : memref<2x1x256xi32, #tpu.memory_space<vmem>> -> memref<1x1x256xi32, #tpu.memory_space<vmem>>
      %dma_start3A_43 = tpu.memref_squeeze %dma_start3A_42 : memref<1x1x256xi32, #tpu.memory_space<vmem>> -> memref<1x256xi32, #tpu.memory_space<vmem>>
      %dma_start3A_44 = arith.constant 0 : i32
      %dma_start3A_45 = tpu.memref_slice %arg3[%dma_start3A_44, %mul3A_40] : memref<1x32768xi32, #tpu.memory_space<hbm>> -> memref<1x256xi32, #tpu.memory_space<hbm>>
      %dma_start3A_46 = tpu.memref_slice %run_scoped3A_7[%rem3A_38] : memref<2x!tpu.dma_semaphore, #tpu.memory_space<semaphore_mem>> -> memref<1x!tpu.dma_semaphore, #tpu.memory_space<semaphore_mem>>
      %dma_start3A_47 = tpu.memref_squeeze %dma_start3A_46 : memref<1x!tpu.dma_semaphore, #tpu.memory_space<semaphore_mem>> -> memref<!tpu.dma_semaphore, #tpu.memory_space<semaphore_mem>>
      %dma_start3A_48 = arith.constant 0 : i32
      %dma_start3A_49 = arith.constant 0 : i32
      %dma_start3A_50 = tpu.memref_slice %run_scoped3A[%rem3A_38, %dma_start3A_48, %dma_start3A_49] : memref<2x1x256xi32, #tpu.memory_space<vmem>> -> memref<1x1x256xi32, #tpu.memory_space<vmem>>
      %dma_start3A_51 = tpu.memref_squeeze %dma_start3A_50 : memref<1x1x256xi32, #tpu.memory_space<vmem>> -> memref<1x256xi32, #tpu.memory_space<vmem>>
      %dma_start3A_52 = arith.constant 0 : i32
      %dma_start3A_53 = tpu.memref_slice %arg3[%dma_start3A_52, %mul3A_40] : memref<1x32768xi32, #tpu.memory_space<hbm>> -> memref<1x256xi32, #tpu.memory_space<hbm>>
      tpu.enqueue_dma source(%dma_start3A_53 : memref<1x256xi32, #tpu.memory_space<hbm>>) target(%dma_start3A_51 : memref<1x256xi32, #tpu.memory_space<vmem>>) target_semaphore(%dma_start3A_47 : memref<!tpu.dma_semaphore, #tpu.memory_space<semaphore_mem>>)
      %add3A_54 = arith.constant 0 : i32
      %add3A_55 = arith.constant 1 : i32
      %add3A_56 = arith.addi %add3A_54, %add3A_55 : i32
      %select_n3A_57 = arith.constant true
      %select_n3A_58 = arith.constant 0 : i32
      %select_n3A_59 = arith.select %select_n3A_57, %add3A_56, %select_n3A_58 : i32
      "tpu.trace_stop"() : () -> ()
      %scan3A = arith.constant 0 : i32
      %scan3A_60 = arith.constant 0 : i32
      %scan3A_61 = arith.constant 0 : i32
      %scan3A_62 = arith.constant 0 : i32
      %scan3A_63 = arith.constant 0 : i32
      %scan3A_64 = arith.constant 4 : i32
      %scan3A_65 = arith.addi %scan3A_63, %scan3A_64 : i32
      %scan3A_66 = arith.constant 1 : i32
      %scan3A_67:5 = scf.for %scan3A_121 = %scan3A_63 to %scan3A_65 step %scan3A_66 iter_args(%scan3A_122 = %select_n3A_59, %scan3A_123 = %scan3A, %scan3A_124 = %scan3A_60, %scan3A_125 = %scan3A_61, %scan3A_126 = %scan3A_62) -> (i32, i32, i32, i32, i32)  : i32 {
        %eq3A_127 = arith.constant 0 : i32
        %eq3A_128 = arith.cmpi eq, %scan3A_121, %eq3A_127 : i32
        %eq3A_129 = arith.constant 3 : i32
        %eq3A_130 = arith.cmpi eq, %scan3A_121, %eq3A_129 : i32
        %add3A_131 = arith.addi %scan3A_126, %mul3A_6 : i32
        %sub3A_132 = arith.constant 1 : i32
        %sub3A_133 = arith.subi %scan3A_126, %sub3A_132 : i32
        %select_n3A_134 = arith.constant true
        %select_n3A_135 = arith.select %select_n3A_134, %sub3A_133, %scan3A_126 : i32
        %eq3A_136 = arith.constant -1 : i32
        %eq3A_137 = arith.cmpi eq, %select_n3A_135, %eq3A_136 : i32
        %select_n3A_138 = arith.constant 3 : i32
        %select_n3A_139 = arith.select %eq3A_137, %select_n3A_138, %select_n3A_135 : i32
        %add3A_140 = arith.addi %select_n3A_139, %mul3A_6 : i32
        %add3A_141 = arith.constant 1 : i32
        %add3A_142 = arith.addi %scan3A_126, %add3A_141 : i32
        %select_n3A_143 = arith.constant true
        %select_n3A_144 = arith.select %select_n3A_143, %add3A_142, %scan3A_126 : i32
        %eq3A_145 = arith.constant 4 : i32
        %eq3A_146 = arith.cmpi eq, %select_n3A_144, %eq3A_145 : i32
        %select_n3A_147 = arith.constant 0 : i32
        %select_n3A_148 = arith.select %eq3A_146, %select_n3A_147, %select_n3A_144 : i32
        %add3A_149 = arith.addi %select_n3A_148, %mul3A_6 : i32
        %add3A_150 = arith.constant 1 : i32
        %add3A_151 = arith.addi %select_n3A_148, %add3A_150 : i32
        %select_n3A_152 = arith.constant true
        %select_n3A_153 = arith.select %select_n3A_152, %add3A_151, %select_n3A_148 : i32
        %eq3A_154 = arith.constant 4 : i32
        %eq3A_155 = arith.cmpi eq, %select_n3A_153, %eq3A_154 : i32
        %select_n3A_156 = arith.constant 0 : i32
        %select_n3A_157 = arith.select %eq3A_155, %select_n3A_156, %select_n3A_153 : i32
        %add3A_158 = arith.addi %select_n3A_157, %mul3A_6 : i32
        %ne3A = arith.cmpi ne, %add3A_131, %add3A_149 : i32
        %or3A = arith.constant false
        %or3A_159 = arith.ori %or3A, %ne3A : i1
        %ge3A = arith.constant 3 : i32
        %ge3A_160 = arith.cmpi sge, %scan3A_121, %ge3A : i32
        %not3A = arith.constant true
        %not3A_161 = arith.xori %ge3A_160, %not3A : i1
        %and3A = arith.andi %or3A_159, %not3A_161 : i1
        %convert_element_type3A = arith.extui %and3A : i1 to i32
        %cond3A = arith.constant 0 : i32
        %cond3A_162 = arith.cmpi ne, %convert_element_type3A, %cond3A : i32
        scf.if %cond3A_162 {
          "tpu.trace_start"() <{level = 10 : i32, message = "ep_copy_in"}> : () -> ()
          %rem3A_264 = arith.constant 2 : i32
          %rem3A_265 = arith.remui %scan3A_122, %rem3A_264 : i32
          %mul3A_266 = arith.constant 256 : i32
          %mul3A_267 = arith.muli %mul3A_266, %add3A_149 : i32
          %dma_start3A_268 = arith.constant 0 : i32
          %dma_start3A_269 = arith.constant 0 : i32
          %dma_start3A_270 = tpu.memref_slice %run_scoped3A[%rem3A_265, %dma_start3A_268, %dma_start3A_269] : memref<2x1x256xi32, #tpu.memory_space<vmem>> -> memref<1x1x256xi32, #tpu.memory_space<vmem>>
          %dma_start3A_271 = tpu.memref_squeeze %dma_start3A_270 : memref<1x1x256xi32, #tpu.memory_space<vmem>> -> memref<1x256xi32, #tpu.memory_space<vmem>>
          %dma_start3A_272 = arith.constant 0 : i32
          %dma_start3A_273 = tpu.memref_slice %arg3[%dma_start3A_272, %mul3A_267] : memref<1x32768xi32, #tpu.memory_space<hbm>> -> memref<1x256xi32, #tpu.memory_space<hbm>>
          %dma_start3A_274 = tpu.memref_slice %run_scoped3A_7[%rem3A_265] : memref<2x!tpu.dma_semaphore, #tpu.memory_space<semaphore_mem>> -> memref<1x!tpu.dma_semaphore, #tpu.memory_space<semaphore_mem>>
          %dma_start3A_275 = tpu.memref_squeeze %dma_start3A_274 : memref<1x!tpu.dma_semaphore, #tpu.memory_space<semaphore_mem>> -> memref<!tpu.dma_semaphore, #tpu.memory_space<semaphore_mem>>
          %dma_start3A_276 = arith.constant 0 : i32
          %dma_start3A_277 = arith.constant 0 : i32
          %dma_start3A_278 = tpu.memref_slice %run_scoped3A[%rem3A_265, %dma_start3A_276, %dma_start3A_277] : memref<2x1x256xi32, #tpu.memory_space<vmem>> -> memref<1x1x256xi32, #tpu.memory_space<vmem>>
          %dma_start3A_279 = tpu.memref_squeeze %dma_start3A_278 : memref<1x1x256xi32, #tpu.memory_space<vmem>> -> memref<1x256xi32, #tpu.memory_space<vmem>>
          %dma_start3A_280 = arith.constant 0 : i32
          %dma_start3A_281 = tpu.memref_slice %arg3[%dma_start3A_280, %mul3A_267] : memref<1x32768xi32, #tpu.memory_space<hbm>> -> memref<1x256xi32, #tpu.memory_space<hbm>>
          tpu.enqueue_dma source(%dma_start3A_281 : memref<1x256xi32, #tpu.memory_space<hbm>>) target(%dma_start3A_279 : memref<1x256xi32, #tpu.memory_space<vmem>>) target_semaphore(%dma_start3A_275 : memref<!tpu.dma_semaphore, #tpu.memory_space<semaphore_mem>>)
          "tpu.trace_stop"() : () -> ()
        } else {
        }
        %and3A_163 = arith.constant true
        %and3A_164 = arith.andi %and3A, %and3A_163 : i1
        %add3A_165 = arith.constant 1 : i32
        %add3A_166 = arith.addi %scan3A_122, %add3A_165 : i32
        %select_n3A_167 = arith.select %and3A_164, %add3A_166, %scan3A_122 : i32
        %ne3A_168 = arith.cmpi ne, %add3A_131, %add3A_149 : i32
        %or3A_169 = arith.constant false
        %or3A_170 = arith.ori %or3A_169, %ne3A_168 : i1
        %or3A_171 = arith.constant false
        %or3A_172 = arith.ori %or3A_170, %or3A_171 : i1
        %ge3A_173 = arith.constant 3 : i32
        %ge3A_174 = arith.cmpi sge, %scan3A_121, %ge3A_173 : i32
        %not3A_175 = arith.constant true
        %not3A_176 = arith.xori %ge3A_174, %not3A_175 : i1
        %and3A_177 = arith.andi %or3A_172, %not3A_176 : i1
        %ne3A_178 = arith.cmpi ne, %add3A_131, %add3A_140 : i32
        %or3A_179 = arith.constant false
        %or3A_180 = arith.ori %or3A_179, %ne3A_178 : i1
        %or3A_181 = arith.ori %or3A_180, %eq3A_128 : i1
        %convert_element_type3A_182 = arith.extui %or3A_181 : i1 to i32
        %cond3A_183 = arith.constant 0 : i32
        %cond3A_184 = arith.cmpi ne, %convert_element_type3A_182, %cond3A_183 : i32
        scf.if %cond3A_184 {
          "tpu.trace_start"() <{level = 10 : i32, message = "ep_wait_in"}> : () -> ()
          %mul3A_264 = arith.constant 256 : i32
          %mul3A_265 = arith.muli %mul3A_264, %add3A_131 : i32
          %rem3A_266 = arith.constant 2 : i32
          %rem3A_267 = arith.remui %scan3A_123, %rem3A_266 : i32
          %dma_wait3A_268 = arith.constant 0 : i32
          %dma_wait3A_269 = arith.constant 0 : i32
          %dma_wait3A_270 = tpu.memref_slice %run_scoped3A[%rem3A_267, %dma_wait3A_268, %dma_wait3A_269] : memref<2x1x256xi32, #tpu.memory_space<vmem>> -> memref<1x1x256xi32, #tpu.memory_space<vmem>>
          %dma_wait3A_271 = tpu.memref_squeeze %dma_wait3A_270 : memref<1x1x256xi32, #tpu.memory_space<vmem>> -> memref<1x256xi32, #tpu.memory_space<vmem>>
          %dma_wait3A_272 = arith.constant 0 : i32
          %dma_wait3A_273 = tpu.memref_slice %arg3[%dma_wait3A_272, %mul3A_265] : memref<1x32768xi32, #tpu.memory_space<hbm>> -> memref<1x256xi32, #tpu.memory_space<hbm>>
          %dma_wait3A_274 = tpu.memref_slice %run_scoped3A_7[%rem3A_267] : memref<2x!tpu.dma_semaphore, #tpu.memory_space<semaphore_mem>> -> memref<1x!tpu.dma_semaphore, #tpu.memory_space<semaphore_mem>>
          %dma_wait3A_275 = tpu.memref_squeeze %dma_wait3A_274 : memref<1x!tpu.dma_semaphore, #tpu.memory_space<semaphore_mem>> -> memref<!tpu.dma_semaphore, #tpu.memory_space<semaphore_mem>>
          %dma_wait3A_276 = arith.constant 0 : i32
          %dma_wait3A_277 = arith.constant 0 : i32
          %dma_wait3A_278 = tpu.memref_slice %run_scoped3A[%rem3A_267, %dma_wait3A_276, %dma_wait3A_277] : memref<2x1x256xi32, #tpu.memory_space<vmem>> -> memref<1x1x256xi32, #tpu.memory_space<vmem>>
          %dma_wait3A_279 = tpu.memref_squeeze %dma_wait3A_278 : memref<1x1x256xi32, #tpu.memory_space<vmem>> -> memref<1x256xi32, #tpu.memory_space<vmem>>
          %dma_wait3A_280 = arith.constant 0 : i32
          %dma_wait3A_281 = tpu.memref_slice %arg3[%dma_wait3A_280, %mul3A_265] : memref<1x32768xi32, #tpu.memory_space<hbm>> -> memref<1x256xi32, #tpu.memory_space<hbm>>
          tpu.wait_dma2 semaphore(%dma_wait3A_275 : memref<!tpu.dma_semaphore, #tpu.memory_space<semaphore_mem>>) src(%dma_wait3A_281 : memref<1x256xi32, #tpu.memory_space<hbm>>) dst(%dma_wait3A_279 : memref<1x256xi32, #tpu.memory_space<vmem>>)
          "tpu.trace_stop"() : () -> ()
        } else {
        }
        %ne3A_185 = arith.cmpi ne, %add3A_131, %add3A_140 : i32
        %or3A_186 = arith.constant false
        %or3A_187 = arith.ori %or3A_186, %ne3A_185 : i1
        %or3A_188 = arith.constant false
        %or3A_189 = arith.ori %or3A_187, %or3A_188 : i1
        %or3A_190 = arith.ori %or3A_189, %eq3A_128 : i1
        %convert_element_type3A_191 = arith.extui %or3A_190 : i1 to i32
        %cond3A_192 = arith.constant 0 : i32
        %cond3A_193 = arith.cmpi ne, %convert_element_type3A_191, %cond3A_192 : i32
        scf.if %cond3A_193 {
        } else {
        }
        %rem3A_194 = arith.constant 2 : i32
        %rem3A_195 = arith.remui %scan3A_123, %rem3A_194 : i32
        %rem3A_196 = arith.constant 2 : i32
        %rem3A_197 = arith.remui %scan3A_124, %rem3A_196 : i32
        %run_scoped3A_198 = arith.constant 0 : i32
        "tpu.trace_start"() <{level = 10 : i32, message = "ep_run_kernel"}> : () -> ()
        "tpu.region"() ({
          %run_scoped3A_264 = tpu.sem_alloc : memref<!tpu.dma_semaphore, #tpu.memory_space<semaphore_mem>>
          %dma_start3A_265 = arith.constant 0 : i32
          %dma_start3A_266 = arith.constant 0 : i32
          %dma_start3A_267 = tpu.memref_slice %run_scoped3A_8[%rem3A_197, %dma_start3A_265, %dma_start3A_266] : memref<2x256x128xf32, #tpu.memory_space<vmem>> -> memref<1x256x128xf32, #tpu.memory_space<vmem>>
          %dma_start3A_268 = tpu.memref_squeeze %dma_start3A_267 : memref<1x256x128xf32, #tpu.memory_space<vmem>> -> memref<256x128xf32, #tpu.memory_space<vmem>>
          %dma_start3A_269 = arith.constant 0 : i32
          %dma_start3A_270 = arith.constant 0 : i32
          %dma_start3A_271 = tpu.memref_slice %run_scoped3A[%rem3A_195, %dma_start3A_269, %dma_start3A_270] : memref<2x1x256xi32, #tpu.memory_space<vmem>> -> memref<1x1x256xi32, #tpu.memory_space<vmem>>
          %dma_start3A_272 = tpu.memref_squeeze %dma_start3A_271 : memref<1x1x256xi32, #tpu.memory_space<vmem>> -> memref<1x256xi32, #tpu.memory_space<vmem>>
          %dma_start3A_273 = arith.constant 0 : i32
          %dma_start3A_274 = tpu.memref_slice %dma_start3A_272[%run_scoped3A_198, %dma_start3A_273] : memref<1x256xi32, #tpu.memory_space<vmem>> -> memref<1x256xi32, #tpu.memory_space<vmem>>
          %dma_start3A_275 = tpu.memref_squeeze %dma_start3A_274 : memref<1x256xi32, #tpu.memory_space<vmem>> -> memref<256xi32, #tpu.memory_space<vmem>>
          %dma_start3A_276 = arith.constant 0 : i32
          %dma_start3A_277 = arith.constant 0 : i32
          %dma_start3A_278 = tpu.memref_slice %arg2[%dma_start3A_276, %dma_start3A_277] : memref<4096x128xf32, #tpu.memory_space<hbm>> -> memref<4096x128xf32, #tpu.memory_space<hbm>>
          tpu.enqueue_indirect_dma source(%dma_start3A_278 : memref<4096x128xf32, #tpu.memory_space<hbm>>) target(%dma_start3A_268 : memref<256x128xf32, #tpu.memory_space<vmem>>) offsets(%dma_start3A_275 : memref<256xi32, #tpu.memory_space<vmem>>) semaphore(%run_scoped3A_264 : memref<!tpu.dma_semaphore, #tpu.memory_space<semaphore_mem>>)
          %dma_wait3A_279 = arith.constant 0 : i32
          %dma_wait3A_280 = arith.constant 0 : i32
          %dma_wait3A_281 = tpu.memref_slice %run_scoped3A_8[%rem3A_197, %dma_wait3A_279, %dma_wait3A_280] : memref<2x256x128xf32, #tpu.memory_space<vmem>> -> memref<1x256x128xf32, #tpu.memory_space<vmem>>
          %dma_wait3A_282 = tpu.memref_squeeze %dma_wait3A_281 : memref<1x256x128xf32, #tpu.memory_space<vmem>> -> memref<256x128xf32, #tpu.memory_space<vmem>>
          %dma_wait3A_283 = arith.constant 0 : i32
          %dma_wait3A_284 = arith.constant 0 : i32
          %dma_wait3A_285 = tpu.memref_slice %run_scoped3A[%rem3A_195, %dma_wait3A_283, %dma_wait3A_284] : memref<2x1x256xi32, #tpu.memory_space<vmem>> -> memref<1x1x256xi32, #tpu.memory_space<vmem>>
          %dma_wait3A_286 = tpu.memref_squeeze %dma_wait3A_285 : memref<1x1x256xi32, #tpu.memory_space<vmem>> -> memref<1x256xi32, #tpu.memory_space<vmem>>
          %dma_wait3A_287 = arith.constant 0 : i32
          %dma_wait3A_288 = tpu.memref_slice %dma_wait3A_286[%run_scoped3A_198, %dma_wait3A_287] : memref<1x256xi32, #tpu.memory_space<vmem>> -> memref<1x256xi32, #tpu.memory_space<vmem>>
          %dma_wait3A_289 = tpu.memref_squeeze %dma_wait3A_288 : memref<1x256xi32, #tpu.memory_space<vmem>> -> memref<256xi32, #tpu.memory_space<vmem>>
          %dma_wait3A_290 = arith.constant 0 : i32
          %dma_wait3A_291 = arith.constant 0 : i32
          %dma_wait3A_292 = tpu.memref_slice %arg2[%dma_wait3A_290, %dma_wait3A_291] : memref<4096x128xf32, #tpu.memory_space<hbm>> -> memref<4096x128xf32, #tpu.memory_space<hbm>>
          tpu.wait_indirect_dma semaphore(%run_scoped3A_264 : memref<!tpu.dma_semaphore, #tpu.memory_space<semaphore_mem>>) src(%dma_wait3A_292 : memref<4096x128xf32, #tpu.memory_space<hbm>>) dst(%dma_wait3A_282 : memref<256x128xf32, #tpu.memory_space<vmem>>)
          tpu.yield
        }) : () -> ()
        "tpu.trace_stop"() : () -> ()
        %ne3A_199 = arith.cmpi ne, %add3A_131, %add3A_149 : i32
        %or3A_200 = arith.constant false
        %or3A_201 = arith.ori %or3A_200, %ne3A_199 : i1
        %or3A_202 = arith.ori %or3A_201, %eq3A_130 : i1
        %convert_element_type3A_203 = arith.extui %or3A_202 : i1 to i32
        %cond3A_204 = arith.constant 0 : i32
        %cond3A_205 = arith.cmpi ne, %convert_element_type3A_203, %cond3A_204 : i32
        scf.if %cond3A_205 {
        } else {
        }
        %and3A_206 = arith.constant false
        %and3A_207 = arith.andi %or3A_202, %and3A_206 : i1
        %ne3A_208 = arith.cmpi ne, %add3A_131, %add3A_149 : i32
        %or3A_209 = arith.constant false
        %or3A_210 = arith.ori %or3A_209, %ne3A_208 : i1
        %or3A_211 = arith.constant false
        %or3A_212 = arith.ori %or3A_210, %or3A_211 : i1
        %or3A_213 = arith.ori %or3A_212, %eq3A_130 : i1
        %convert_element_type3A_214 = arith.extui %or3A_213 : i1 to i32
        %cond3A_215 = arith.constant 0 : i32
        %cond3A_216 = arith.cmpi ne, %convert_element_type3A_214, %cond3A_215 : i32
        scf.if %cond3A_216 {
          "tpu.trace_start"() <{level = 10 : i32, message = "ep_copy_out"}> : () -> ()
          %rem3A_264 = arith.constant 2 : i32
          %rem3A_265 = arith.remui %scan3A_124, %rem3A_264 : i32
          %mul3A_266 = arith.constant 256 : i32
          %mul3A_267 = arith.muli %mul3A_266, %add3A_131 : i32
          %dma_start3A_268 = arith.constant 0 : i32
          %dma_start3A_269 = arith.constant 0 : i32
          %dma_start3A_270 = tpu.memref_slice %run_scoped3A_8[%rem3A_265, %dma_start3A_268, %dma_start3A_269] : memref<2x256x128xf32, #tpu.memory_space<vmem>> -> memref<1x256x128xf32, #tpu.memory_space<vmem>>
          %dma_start3A_271 = tpu.memref_squeeze %dma_start3A_270 : memref<1x256x128xf32, #tpu.memory_space<vmem>> -> memref<256x128xf32, #tpu.memory_space<vmem>>
          %dma_start3A_272 = arith.constant 0 : i32
          %dma_start3A_273 = tpu.memref_slice %arg4[%mul3A_267, %dma_start3A_272] : memref<32768x128xf32, #tpu.memory_space<hbm>> -> memref<256x128xf32, #tpu.memory_space<hbm>>
          %dma_start3A_274 = tpu.memref_slice %run_scoped3A_9[%rem3A_265] : memref<2x!tpu.dma_semaphore, #tpu.memory_space<semaphore_mem>> -> memref<1x!tpu.dma_semaphore, #tpu.memory_space<semaphore_mem>>
          %dma_start3A_275 = tpu.memref_squeeze %dma_start3A_274 : memref<1x!tpu.dma_semaphore, #tpu.memory_space<semaphore_mem>> -> memref<!tpu.dma_semaphore, #tpu.memory_space<semaphore_mem>>
          %dma_start3A_276 = arith.constant 0 : i32
          %dma_start3A_277 = tpu.memref_slice %arg4[%mul3A_267, %dma_start3A_276] : memref<32768x128xf32, #tpu.memory_space<hbm>> -> memref<256x128xf32, #tpu.memory_space<hbm>>
          %dma_start3A_278 = arith.constant 0 : i32
          %dma_start3A_279 = arith.constant 0 : i32
          %dma_start3A_280 = tpu.memref_slice %run_scoped3A_8[%rem3A_265, %dma_start3A_278, %dma_start3A_279] : memref<2x256x128xf32, #tpu.memory_space<vmem>> -> memref<1x256x128xf32, #tpu.memory_space<vmem>>
          %dma_start3A_281 = tpu.memref_squeeze %dma_start3A_280 : memref<1x256x128xf32, #tpu.memory_space<vmem>> -> memref<256x128xf32, #tpu.memory_space<vmem>>
          tpu.enqueue_dma source(%dma_start3A_281 : memref<256x128xf32, #tpu.memory_space<vmem>>) target(%dma_start3A_277 : memref<256x128xf32, #tpu.memory_space<hbm>>) target_semaphore(%dma_start3A_275 : memref<!tpu.dma_semaphore, #tpu.memory_space<semaphore_mem>>)
          "tpu.trace_stop"() : () -> ()
        } else {
        }
        %and3A_217 = arith.constant true
        %and3A_218 = arith.andi %or3A_213, %and3A_217 : i1
        %add3A_219 = arith.constant 1 : i32
        %add3A_220 = arith.addi %scan3A_124, %add3A_219 : i32
        %select_n3A_221 = arith.select %and3A_218, %add3A_220, %scan3A_124 : i32
        %ne3A_222 = arith.cmpi ne, %add3A_131, %add3A_140 : i32
        %or3A_223 = arith.constant false
        %or3A_224 = arith.ori %or3A_223, %ne3A_222 : i1
        %not3A_225 = arith.constant true
        %not3A_226 = arith.xori %eq3A_128, %not3A_225 : i1
        %and3A_227 = arith.andi %or3A_224, %not3A_226 : i1
        %convert_element_type3A_228 = arith.extui %and3A_227 : i1 to i32
        %cond3A_229 = arith.constant 0 : i32
        %cond3A_230 = arith.cmpi ne, %convert_element_type3A_228, %cond3A_229 : i32
        scf.if %cond3A_230 {
        } else {
        }
        %and3A_231 = arith.constant false
        %and3A_232 = arith.andi %and3A_227, %and3A_231 : i1
        %ne3A_233 = arith.cmpi ne, %add3A_131, %add3A_140 : i32
        %or3A_234 = arith.constant false
        %or3A_235 = arith.ori %or3A_234, %ne3A_233 : i1
        %or3A_236 = arith.constant false
        %or3A_237 = arith.ori %or3A_235, %or3A_236 : i1
        %not3A_238 = arith.constant true
        %not3A_239 = arith.xori %eq3A_128, %not3A_238 : i1
        %and3A_240 = arith.andi %or3A_237, %not3A_239 : i1
        %convert_element_type3A_241 = arith.extui %and3A_240 : i1 to i32
        %cond3A_242 = arith.constant 0 : i32
        %cond3A_243 = arith.cmpi ne, %convert_element_type3A_241, %cond3A_242 : i32
        scf.if %cond3A_243 {
          "tpu.trace_start"() <{level = 10 : i32, message = "ep_wait_out"}> : () -> ()
          %rem3A_264 = arith.constant 2 : i32
          %rem3A_265 = arith.remui %scan3A_125, %rem3A_264 : i32
          %mul3A_266 = arith.constant 256 : i32
          %mul3A_267 = arith.muli %mul3A_266, %add3A_140 : i32
          %dma_wait3A_268 = arith.constant 0 : i32
          %dma_wait3A_269 = arith.constant 0 : i32
          %dma_wait3A_270 = tpu.memref_slice %run_scoped3A_8[%rem3A_265, %dma_wait3A_268, %dma_wait3A_269] : memref<2x256x128xf32, #tpu.memory_space<vmem>> -> memref<1x256x128xf32, #tpu.memory_space<vmem>>
          %dma_wait3A_271 = tpu.memref_squeeze %dma_wait3A_270 : memref<1x256x128xf32, #tpu.memory_space<vmem>> -> memref<256x128xf32, #tpu.memory_space<vmem>>
          %dma_wait3A_272 = arith.constant 0 : i32
          %dma_wait3A_273 = tpu.memref_slice %arg4[%mul3A_267, %dma_wait3A_272] : memref<32768x128xf32, #tpu.memory_space<hbm>> -> memref<256x128xf32, #tpu.memory_space<hbm>>
          %dma_wait3A_274 = tpu.memref_slice %run_scoped3A_9[%rem3A_265] : memref<2x!tpu.dma_semaphore, #tpu.memory_space<semaphore_mem>> -> memref<1x!tpu.dma_semaphore, #tpu.memory_space<semaphore_mem>>
          %dma_wait3A_275 = tpu.memref_squeeze %dma_wait3A_274 : memref<1x!tpu.dma_semaphore, #tpu.memory_space<semaphore_mem>> -> memref<!tpu.dma_semaphore, #tpu.memory_space<semaphore_mem>>
          %dma_wait3A_276 = arith.constant 0 : i32
          %dma_wait3A_277 = tpu.memref_slice %arg4[%mul3A_267, %dma_wait3A_276] : memref<32768x128xf32, #tpu.memory_space<hbm>> -> memref<256x128xf32, #tpu.memory_space<hbm>>
          %dma_wait3A_278 = arith.constant 0 : i32
          %dma_wait3A_279 = arith.constant 0 : i32
          %dma_wait3A_280 = tpu.memref_slice %run_scoped3A_8[%rem3A_265, %dma_wait3A_278, %dma_wait3A_279] : memref<2x256x128xf32, #tpu.memory_space<vmem>> -> memref<1x256x128xf32, #tpu.memory_space<vmem>>
          %dma_wait3A_281 = tpu.memref_squeeze %dma_wait3A_280 : memref<1x256x128xf32, #tpu.memory_space<vmem>> -> memref<256x128xf32, #tpu.memory_space<vmem>>
          tpu.wait_dma2 semaphore(%dma_wait3A_275 : memref<!tpu.dma_semaphore, #tpu.memory_space<semaphore_mem>>) src(%dma_wait3A_281 : memref<256x128xf32, #tpu.memory_space<vmem>>) dst(%dma_wait3A_277 : memref<256x128xf32, #tpu.memory_space<hbm>>)
          "tpu.trace_stop"() : () -> ()
        } else {
        }
        %and3A_244 = arith.constant true
        %and3A_245 = arith.andi %and3A_240, %and3A_244 : i1
        %add3A_246 = arith.constant 1 : i32
        %add3A_247 = arith.addi %scan3A_125, %add3A_246 : i32
        %select_n3A_248 = arith.select %and3A_245, %add3A_247, %scan3A_125 : i32
        %ne3A_249 = arith.cmpi ne, %add3A_131, %add3A_149 : i32
        %or3A_250 = arith.constant false
        %or3A_251 = arith.ori %or3A_250, %ne3A_249 : i1
        %or3A_252 = arith.ori %or3A_251, %eq3A_130 : i1
        %add3A_253 = arith.constant 1 : i32
        %add3A_254 = arith.addi %scan3A_123, %add3A_253 : i32
        %select_n3A_255 = arith.select %or3A_252, %add3A_254, %scan3A_123 : i32
        %add3A_256 = arith.constant 1 : i32
        %add3A_257 = arith.addi %scan3A_126, %add3A_256 : i32
        %select_n3A_258 = arith.constant true
        %select_n3A_259 = arith.select %select_n3A_258, %add3A_257, %scan3A_126 : i32
        %eq3A_260 = arith.constant 4 : i32
        %eq3A_261 = arith.cmpi eq, %select_n3A_259, %eq3A_260 : i32
        %select_n3A_262 = arith.constant 0 : i32
        %select_n3A_263 = arith.select %eq3A_261, %select_n3A_262, %select_n3A_259 : i32
        scf.yield %select_n3A_167, %select_n3A_255, %select_n3A_221, %select_n3A_248, %select_n3A_263 : i32, i32, i32, i32, i32
      }
      %scan3A_68 = arith.constant 4 : i32
      %sub3A = arith.constant 1 : i32
      %sub3A_69 = arith.subi %scan3A_67#4, %sub3A : i32
      %select_n3A_70 = arith.constant true
      %select_n3A_71 = arith.select %select_n3A_70, %sub3A_69, %scan3A_67#4 : i32
      %eq3A_72 = arith.constant -1 : i32
      %eq3A_73 = arith.cmpi eq, %select_n3A_71, %eq3A_72 : i32
      %select_n3A_74 = arith.constant 3 : i32
      %select_n3A_75 = arith.select %eq3A_73, %select_n3A_74, %select_n3A_71 : i32
      %add3A_76 = arith.addi %select_n3A_75, %mul3A_6 : i32
      %sub3A_77 = arith.constant 1 : i32
      %sub3A_78 = arith.subi %select_n3A_75, %sub3A_77 : i32
      %select_n3A_79 = arith.constant true
      %select_n3A_80 = arith.select %select_n3A_79, %sub3A_78, %select_n3A_75 : i32
      %eq3A_81 = arith.constant -1 : i32
      %eq3A_82 = arith.cmpi eq, %select_n3A_80, %eq3A_81 : i32
      %select_n3A_83 = arith.constant 3 : i32
      %select_n3A_84 = arith.select %eq3A_82, %select_n3A_83, %select_n3A_80 : i32
      %add3A_85 = arith.addi %select_n3A_84, %mul3A_6 : i32
      %add3A_86 = arith.constant 1 : i32
      %add3A_87 = arith.addi %select_n3A_75, %add3A_86 : i32
      %select_n3A_88 = arith.constant true
      %select_n3A_89 = arith.select %select_n3A_88, %add3A_87, %select_n3A_75 : i32
      %eq3A_90 = arith.constant 4 : i32
      %eq3A_91 = arith.cmpi eq, %select_n3A_89, %eq3A_90 : i32
      %select_n3A_92 = arith.constant 0 : i32
      %select_n3A_93 = arith.select %eq3A_91, %select_n3A_92, %select_n3A_89 : i32
      %add3A_94 = arith.addi %select_n3A_93, %mul3A_6 : i32
      %add3A_95 = arith.constant 1 : i32
      %add3A_96 = arith.addi %select_n3A_93, %add3A_95 : i32
      %select_n3A_97 = arith.constant true
      %select_n3A_98 = arith.select %select_n3A_97, %add3A_96, %select_n3A_93 : i32
      %eq3A_99 = arith.constant 4 : i32
      %eq3A_100 = arith.cmpi eq, %select_n3A_98, %eq3A_99 : i32
      %select_n3A_101 = arith.constant 0 : i32
      %select_n3A_102 = arith.select %eq3A_100, %select_n3A_101, %select_n3A_98 : i32
      %add3A_103 = arith.addi %select_n3A_102, %mul3A_6 : i32
      "tpu.trace_start"() <{level = 10 : i32, message = "ep_finalize"}> : () -> ()
      %rem3A_104 = arith.constant 2 : i32
      %rem3A_105 = arith.remui %scan3A_67#3, %rem3A_104 : i32
      %mul3A_106 = arith.constant 256 : i32
      %mul3A_107 = arith.muli %mul3A_106, %add3A_76 : i32
      %dma_wait3A = arith.constant 0 : i32
      %dma_wait3A_108 = arith.constant 0 : i32
      %dma_wait3A_109 = tpu.memref_slice %run_scoped3A_8[%rem3A_105, %dma_wait3A, %dma_wait3A_108] : memref<2x256x128xf32, #tpu.memory_space<vmem>> -> memref<1x256x128xf32, #tpu.memory_space<vmem>>
      %dma_wait3A_110 = tpu.memref_squeeze %dma_wait3A_109 : memref<1x256x128xf32, #tpu.memory_space<vmem>> -> memref<256x128xf32, #tpu.memory_space<vmem>>
      %dma_wait3A_111 = arith.constant 0 : i32
      %dma_wait3A_112 = tpu.memref_slice %arg4[%mul3A_107, %dma_wait3A_111] : memref<32768x128xf32, #tpu.memory_space<hbm>> -> memref<256x128xf32, #tpu.memory_space<hbm>>
      %dma_wait3A_113 = tpu.memref_slice %run_scoped3A_9[%rem3A_105] : memref<2x!tpu.dma_semaphore, #tpu.memory_space<semaphore_mem>> -> memref<1x!tpu.dma_semaphore, #tpu.memory_space<semaphore_mem>>
      %dma_wait3A_114 = tpu.memref_squeeze %dma_wait3A_113 : memref<1x!tpu.dma_semaphore, #tpu.memory_space<semaphore_mem>> -> memref<!tpu.dma_semaphore, #tpu.memory_space<semaphore_mem>>
      %dma_wait3A_115 = arith.constant 0 : i32
      %dma_wait3A_116 = tpu.memref_slice %arg4[%mul3A_107, %dma_wait3A_115] : memref<32768x128xf32, #tpu.memory_space<hbm>> -> memref<256x128xf32, #tpu.memory_space<hbm>>
      %dma_wait3A_117 = arith.constant 0 : i32
      %dma_wait3A_118 = arith.constant 0 : i32
      %dma_wait3A_119 = tpu.memref_slice %run_scoped3A_8[%rem3A_105, %dma_wait3A_117, %dma_wait3A_118] : memref<2x256x128xf32, #tpu.memory_space<vmem>> -> memref<1x256x128xf32, #tpu.memory_space<vmem>>
      %dma_wait3A_120 = tpu.memref_squeeze %dma_wait3A_119 : memref<1x256x128xf32, #tpu.memory_space<vmem>> -> memref<256x128xf32, #tpu.memory_space<vmem>>
      tpu.wait_dma2 semaphore(%dma_wait3A_114 : memref<!tpu.dma_semaphore, #tpu.memory_space<semaphore_mem>>) src(%dma_wait3A_120 : memref<256x128xf32, #tpu.memory_space<vmem>>) dst(%dma_wait3A_116 : memref<256x128xf32, #tpu.memory_space<hbm>>)
      "tpu.trace_stop"() : () -> ()
      tpu.yield
    }) : () -> ()
    return
  }
}

#map = affine_map<(d0, d1) -> (0, 0)>
module attributes {stable_mosaic.version = 14 : i64} {
  func.func @gather_kernel(%arg0: i32, %arg1: i32, %arg2: memref<4096x128xf32, #tpu.memory_space<hbm>>, %arg3: memref<1x32768xi32, #tpu.memory_space<hbm>>, %arg4: memref<32768x128xf32, #tpu.memory_space<hbm>>) attributes {dimension_semantics = [#tpu.dimension_semantics<core_parallel>, #tpu.dimension_semantics<subcore_parallel>], iteration_bounds = array<i64: 2, 16>, scalar_prefetch = 0 : i64, scratch_operands = 0 : i64, tpu.core_type = #tpu.core_type<sc_vector_subcore>, window_params = [{transform_indices = #map}, {transform_indices = #map}, {transform_indices = #map}]} {
    %mul3A = arith.constant 1 : i32
    %mul3A_0 = arith.muli %arg1, %mul3A : i32
    %add3A = arith.constant 0 : i32
    %add3A_1 = arith.addi %add3A, %mul3A_0 : i32
    %mul3A_2 = arith.constant 16 : i32
    %mul3A_3 = arith.muli %arg0, %mul3A_2 : i32
    %add3A_4 = arith.addi %add3A_1, %mul3A_3 : i32
    %mul3A_5 = arith.constant 4 : i32
    %mul3A_6 = arith.muli %add3A_4, %mul3A_5 : i32
    "tpu.region"() ({
      %run_scoped3A = memref.alloca() : memref<2x1x256xi32, #tpu.memory_space<vmem>>
      %run_scoped3A_7 = tpu.sem_alloc : memref<2x!tpu.dma_semaphore, #tpu.memory_space<semaphore_mem>>
      %run_scoped3A_8 = memref.alloca() : memref<2x256x128xf32, #tpu.memory_space<vmem>>
      %run_scoped3A_9 = tpu.sem_alloc : memref<2x!tpu.dma_semaphore, #tpu.memory_space<semaphore_mem>>
      %add3A_10 = arith.constant 0 : i32
      %add3A_11 = arith.addi %add3A_10, %mul3A_6 : i32
      %select_n3A = arith.constant true
      %select_n3A_12 = arith.constant 0 : i32
      %select_n3A_13 = arith.constant -1 : i32
      %select_n3A_14 = arith.select %select_n3A, %select_n3A_13, %select_n3A_12 : i32
      %eq3A = arith.constant -1 : i32
      %eq3A_15 = arith.cmpi eq, %select_n3A_14, %eq3A : i32
      %select_n3A_16 = arith.constant 3 : i32
      %select_n3A_17 = arith.select %eq3A_15, %select_n3A_16, %select_n3A_14 : i32
      %add3A_18 = arith.addi %select_n3A_17, %mul3A_6 : i32
      %select_n3A_19 = arith.constant true
      %select_n3A_20 = arith.constant 0 : i32
      %select_n3A_21 = arith.constant 1 : i32
      %select_n3A_22 = arith.select %select_n3A_19, %select_n3A_21, %select_n3A_20 : i32
      %eq3A_23 = arith.constant 4 : i32
      %eq3A_24 = arith.cmpi eq, %select_n3A_22, %eq3A_23 : i32
      %select_n3A_25 = arith.constant 0 : i32
      %select_n3A_26 = arith.select %eq3A_24, %select_n3A_25, %select_n3A_22 : i32
      %add3A_27 = arith.addi %select_n3A_26, %mul3A_6 : i32
      %add3A_28 = arith.constant 1 : i32
      %add3A_29 = arith.addi %select_n3A_26, %add3A_28 : i32
      %select_n3A_30 = arith.constant true
      %select_n3A_31 = arith.select %select_n3A_30, %add3A_29, %select_n3A_26 : i32
      %eq3A_32 = arith.constant 4 : i32
      %eq3A_33 = arith.cmpi eq, %select_n3A_31, %eq3A_32 : i32
      %select_n3A_34 = arith.constant 0 : i32
      %select_n3A_35 = arith.select %eq3A_33, %select_n3A_34, %select_n3A_31 : i32
      %add3A_36 = arith.addi %select_n3A_35, %mul3A_6 : i32
      "tpu.trace_start"() <{level = 10 : i32, message = "ep_initialize_0"}> : () -> ()
      %rem3A = arith.constant 0 : i32
      %rem3A_37 = arith.constant 2 : i32
      %rem3A_38 = arith.remui %rem3A, %rem3A_37 : i32
      %mul3A_39 = arith.constant 256 : i32
      %mul3A_40 = arith.muli %mul3A_39, %add3A_11 : i32
      %dma_start3A = arith.constant 0 : i32
      %dma_start3A_41 = arith.constant 0 : i32
      %dma_start3A_42 = tpu.memref_slice %run_scoped3A[%rem3A_38, %dma_start3A, %dma_start3A_41] : memref<2x1x256xi32, #tpu.memory_space<vmem>> -> memref<1x1x256xi32, #tpu.memory_space<vmem>>
      %dma_start3A_43 = tpu.memref_squeeze %dma_start3A_42 : memref<1x1x256xi32, #tpu.memory_space<vmem>> -> memref<1x256xi32, #tpu.memory_space<vmem>>
      %dma_start3A_44 = arith.constant 0 : i32
      %dma_start3A_45 = tpu.memref_slice %arg3[%dma_start3A_44, %mul3A_40] : memref<1x32768xi32, #tpu.memory_space<hbm>> -> memref<1x256xi32, #tpu.memory_space<hbm>>
      %dma_start3A_46 = tpu.memref_slice %run_scoped3A_7[%rem3A_38] : memref<2x!tpu.dma_semaphore, #tpu.memory_space<semaphore_mem>> -> memref<1x!tpu.dma_semaphore, #tpu.memory_space<semaphore_mem>>
      %dma_start3A_47 = tpu.memref_squeeze %dma_start3A_46 : memref<1x!tpu.dma_semaphore, #tpu.memory_space<semaphore_mem>> -> memref<!tpu.dma_semaphore, #tpu.memory_space<semaphore_mem>>
      %dma_start3A_48 = arith.constant 0 : i32
      %dma_start3A_49 = arith.constant 0 : i32
      %dma_start3A_50 = tpu.memref_slice %run_scoped3A[%rem3A_38, %dma_start3A_48, %dma_start3A_49] : memref<2x1x256xi32, #tpu.memory_space<vmem>> -> memref<1x1x256xi32, #tpu.memory_space<vmem>>
      %dma_start3A_51 = tpu.memref_squeeze %dma_start3A_50 : memref<1x1x256xi32, #tpu.memory_space<vmem>> -> memref<1x256xi32, #tpu.memory_space<vmem>>
      %dma_start3A_52 = arith.constant 0 : i32
      %dma_start3A_53 = tpu.memref_slice %arg3[%dma_start3A_52, %mul3A_40] : memref<1x32768xi32, #tpu.memory_space<hbm>> -> memref<1x256xi32, #tpu.memory_space<hbm>>
      tpu.enqueue_dma source(%dma_start3A_53 : memref<1x256xi32, #tpu.memory_space<hbm>>) target(%dma_start3A_51 : memref<1x256xi32, #tpu.memory_space<vmem>>) target_semaphore(%dma_start3A_47 : memref<!tpu.dma_semaphore, #tpu.memory_space<semaphore_mem>>)
      %add3A_54 = arith.constant 0 : i32
      %add3A_55 = arith.constant 1 : i32
      %add3A_56 = arith.addi %add3A_54, %add3A_55 : i32
      %select_n3A_57 = arith.constant true
      %select_n3A_58 = arith.constant 0 : i32
      %select_n3A_59 = arith.select %select_n3A_57, %add3A_56, %select_n3A_58 : i32
      "tpu.trace_stop"() : () -> ()
      %scan3A = arith.constant 0 : i32
      %scan3A_60 = arith.constant 0 : i32
      %scan3A_61 = arith.constant 0 : i32
      %scan3A_62 = arith.constant 0 : i32
      %scan3A_63 = arith.constant 0 : i32
      %scan3A_64 = arith.constant 4 : i32
      %scan3A_65 = arith.addi %scan3A_63, %scan3A_64 : i32
      %scan3A_66 = arith.constant 1 : i32
      %scan3A_67:5 = scf.for %scan3A_121 = %scan3A_63 to %scan3A_65 step %scan3A_66 iter_args(%scan3A_122 = %select_n3A_59, %scan3A_123 = %scan3A, %scan3A_124 = %scan3A_60, %scan3A_125 = %scan3A_61, %scan3A_126 = %scan3A_62) -> (i32, i32, i32, i32, i32)  : i32 {
        %eq3A_127 = arith.constant 0 : i32
        %eq3A_128 = arith.cmpi eq, %scan3A_121, %eq3A_127 : i32
        %eq3A_129 = arith.constant 3 : i32
        %eq3A_130 = arith.cmpi eq, %scan3A_121, %eq3A_129 : i32
        %add3A_131 = arith.addi %scan3A_126, %mul3A_6 : i32
        %sub3A_132 = arith.constant 1 : i32
        %sub3A_133 = arith.subi %scan3A_126, %sub3A_132 : i32
        %select_n3A_134 = arith.constant true
        %select_n3A_135 = arith.select %select_n3A_134, %sub3A_133, %scan3A_126 : i32
        %eq3A_136 = arith.constant -1 : i32
        %eq3A_137 = arith.cmpi eq, %select_n3A_135, %eq3A_136 : i32
        %select_n3A_138 = arith.constant 3 : i32
        %select_n3A_139 = arith.select %eq3A_137, %select_n3A_138, %select_n3A_135 : i32
        %add3A_140 = arith.addi %select_n3A_139, %mul3A_6 : i32
        %add3A_141 = arith.constant 1 : i32
        %add3A_142 = arith.addi %scan3A_126, %add3A_141 : i32
        %select_n3A_143 = arith.constant true
        %select_n3A_144 = arith.select %select_n3A_143, %add3A_142, %scan3A_126 : i32
        %eq3A_145 = arith.constant 4 : i32
        %eq3A_146 = arith.cmpi eq, %select_n3A_144, %eq3A_145 : i32
        %select_n3A_147 = arith.constant 0 : i32
        %select_n3A_148 = arith.select %eq3A_146, %select_n3A_147, %select_n3A_144 : i32
        %add3A_149 = arith.addi %select_n3A_148, %mul3A_6 : i32
        %add3A_150 = arith.constant 1 : i32
        %add3A_151 = arith.addi %select_n3A_148, %add3A_150 : i32
        %select_n3A_152 = arith.constant true
        %select_n3A_153 = arith.select %select_n3A_152, %add3A_151, %select_n3A_148 : i32
        %eq3A_154 = arith.constant 4 : i32
        %eq3A_155 = arith.cmpi eq, %select_n3A_153, %eq3A_154 : i32
        %select_n3A_156 = arith.constant 0 : i32
        %select_n3A_157 = arith.select %eq3A_155, %select_n3A_156, %select_n3A_153 : i32
        %add3A_158 = arith.addi %select_n3A_157, %mul3A_6 : i32
        %ne3A = arith.cmpi ne, %add3A_131, %add3A_149 : i32
        %or3A = arith.constant false
        %or3A_159 = arith.ori %or3A, %ne3A : i1
        %ge3A = arith.constant 3 : i32
        %ge3A_160 = arith.cmpi sge, %scan3A_121, %ge3A : i32
        %not3A = arith.constant true
        %not3A_161 = arith.xori %ge3A_160, %not3A : i1
        %and3A = arith.andi %or3A_159, %not3A_161 : i1
        %convert_element_type3A = arith.extui %and3A : i1 to i32
        %cond3A = arith.constant 0 : i32
        %cond3A_162 = arith.cmpi ne, %convert_element_type3A, %cond3A : i32
        scf.if %cond3A_162 {
          "tpu.trace_start"() <{level = 10 : i32, message = "ep_copy_in"}> : () -> ()
          %rem3A_264 = arith.constant 2 : i32
          %rem3A_265 = arith.remui %scan3A_122, %rem3A_264 : i32
          %mul3A_266 = arith.constant 256 : i32
          %mul3A_267 = arith.muli %mul3A_266, %add3A_149 : i32
          %dma_start3A_268 = arith.constant 0 : i32
          %dma_start3A_269 = arith.constant 0 : i32
          %dma_start3A_270 = tpu.memref_slice %run_scoped3A[%rem3A_265, %dma_start3A_268, %dma_start3A_269] : memref<2x1x256xi32, #tpu.memory_space<vmem>> -> memref<1x1x256xi32, #tpu.memory_space<vmem>>
          %dma_start3A_271 = tpu.memref_squeeze %dma_start3A_270 : memref<1x1x256xi32, #tpu.memory_space<vmem>> -> memref<1x256xi32, #tpu.memory_space<vmem>>
          %dma_start3A_272 = arith.constant 0 : i32
          %dma_start3A_273 = tpu.memref_slice %arg3[%dma_start3A_272, %mul3A_267] : memref<1x32768xi32, #tpu.memory_space<hbm>> -> memref<1x256xi32, #tpu.memory_space<hbm>>
          %dma_start3A_274 = tpu.memref_slice %run_scoped3A_7[%rem3A_265] : memref<2x!tpu.dma_semaphore, #tpu.memory_space<semaphore_mem>> -> memref<1x!tpu.dma_semaphore, #tpu.memory_space<semaphore_mem>>
          %dma_start3A_275 = tpu.memref_squeeze %dma_start3A_274 : memref<1x!tpu.dma_semaphore, #tpu.memory_space<semaphore_mem>> -> memref<!tpu.dma_semaphore, #tpu.memory_space<semaphore_mem>>
          %dma_start3A_276 = arith.constant 0 : i32
          %dma_start3A_277 = arith.constant 0 : i32
          %dma_start3A_278 = tpu.memref_slice %run_scoped3A[%rem3A_265, %dma_start3A_276, %dma_start3A_277] : memref<2x1x256xi32, #tpu.memory_space<vmem>> -> memref<1x1x256xi32, #tpu.memory_space<vmem>>
          %dma_start3A_279 = tpu.memref_squeeze %dma_start3A_278 : memref<1x1x256xi32, #tpu.memory_space<vmem>> -> memref<1x256xi32, #tpu.memory_space<vmem>>
          %dma_start3A_280 = arith.constant 0 : i32
          %dma_start3A_281 = tpu.memref_slice %arg3[%dma_start3A_280, %mul3A_267] : memref<1x32768xi32, #tpu.memory_space<hbm>> -> memref<1x256xi32, #tpu.memory_space<hbm>>
          tpu.enqueue_dma source(%dma_start3A_281 : memref<1x256xi32, #tpu.memory_space<hbm>>) target(%dma_start3A_279 : memref<1x256xi32, #tpu.memory_space<vmem>>) target_semaphore(%dma_start3A_275 : memref<!tpu.dma_semaphore, #tpu.memory_space<semaphore_mem>>)
          "tpu.trace_stop"() : () -> ()
        } else {
        }
        %and3A_163 = arith.constant true
        %and3A_164 = arith.andi %and3A, %and3A_163 : i1
        %add3A_165 = arith.constant 1 : i32
        %add3A_166 = arith.addi %scan3A_122, %add3A_165 : i32
        %select_n3A_167 = arith.select %and3A_164, %add3A_166, %scan3A_122 : i32
        %ne3A_168 = arith.cmpi ne, %add3A_131, %add3A_149 : i32
        %or3A_169 = arith.constant false
        %or3A_170 = arith.ori %or3A_169, %ne3A_168 : i1
        %or3A_171 = arith.constant false
        %or3A_172 = arith.ori %or3A_170, %or3A_171 : i1
        %ge3A_173 = arith.constant 3 : i32
        %ge3A_174 = arith.cmpi sge, %scan3A_121, %ge3A_173 : i32
        %not3A_175 = arith.constant true
        %not3A_176 = arith.xori %ge3A_174, %not3A_175 : i1
        %and3A_177 = arith.andi %or3A_172, %not3A_176 : i1
        %ne3A_178 = arith.cmpi ne, %add3A_131, %add3A_140 : i32
        %or3A_179 = arith.constant false
        %or3A_180 = arith.ori %or3A_179, %ne3A_178 : i1
        %or3A_181 = arith.ori %or3A_180, %eq3A_128 : i1
        %convert_element_type3A_182 = arith.extui %or3A_181 : i1 to i32
        %cond3A_183 = arith.constant 0 : i32
        %cond3A_184 = arith.cmpi ne, %convert_element_type3A_182, %cond3A_183 : i32
        scf.if %cond3A_184 {
          "tpu.trace_start"() <{level = 10 : i32, message = "ep_wait_in"}> : () -> ()
          %mul3A_264 = arith.constant 256 : i32
          %mul3A_265 = arith.muli %mul3A_264, %add3A_131 : i32
          %rem3A_266 = arith.constant 2 : i32
          %rem3A_267 = arith.remui %scan3A_123, %rem3A_266 : i32
          %dma_wait3A_268 = arith.constant 0 : i32
          %dma_wait3A_269 = arith.constant 0 : i32
          %dma_wait3A_270 = tpu.memref_slice %run_scoped3A[%rem3A_267, %dma_wait3A_268, %dma_wait3A_269] : memref<2x1x256xi32, #tpu.memory_space<vmem>> -> memref<1x1x256xi32, #tpu.memory_space<vmem>>
          %dma_wait3A_271 = tpu.memref_squeeze %dma_wait3A_270 : memref<1x1x256xi32, #tpu.memory_space<vmem>> -> memref<1x256xi32, #tpu.memory_space<vmem>>
          %dma_wait3A_272 = arith.constant 0 : i32
          %dma_wait3A_273 = tpu.memref_slice %arg3[%dma_wait3A_272, %mul3A_265] : memref<1x32768xi32, #tpu.memory_space<hbm>> -> memref<1x256xi32, #tpu.memory_space<hbm>>
          %dma_wait3A_274 = tpu.memref_slice %run_scoped3A_7[%rem3A_267] : memref<2x!tpu.dma_semaphore, #tpu.memory_space<semaphore_mem>> -> memref<1x!tpu.dma_semaphore, #tpu.memory_space<semaphore_mem>>
          %dma_wait3A_275 = tpu.memref_squeeze %dma_wait3A_274 : memref<1x!tpu.dma_semaphore, #tpu.memory_space<semaphore_mem>> -> memref<!tpu.dma_semaphore, #tpu.memory_space<semaphore_mem>>
          %dma_wait3A_276 = arith.constant 0 : i32
          %dma_wait3A_277 = arith.constant 0 : i32
          %dma_wait3A_278 = tpu.memref_slice %run_scoped3A[%rem3A_267, %dma_wait3A_276, %dma_wait3A_277] : memref<2x1x256xi32, #tpu.memory_space<vmem>> -> memref<1x1x256xi32, #tpu.memory_space<vmem>>
          %dma_wait3A_279 = tpu.memref_squeeze %dma_wait3A_278 : memref<1x1x256xi32, #tpu.memory_space<vmem>> -> memref<1x256xi32, #tpu.memory_space<vmem>>
          %dma_wait3A_280 = arith.constant 0 : i32
          %dma_wait3A_281 = tpu.memref_slice %arg3[%dma_wait3A_280, %mul3A_265] : memref<1x32768xi32, #tpu.memory_space<hbm>> -> memref<1x256xi32, #tpu.memory_space<hbm>>
          tpu.wait_dma2 semaphore(%dma_wait3A_275 : memref<!tpu.dma_semaphore, #tpu.memory_space<semaphore_mem>>) src(%dma_wait3A_281 : memref<1x256xi32, #tpu.memory_space<hbm>>) dst(%dma_wait3A_279 : memref<1x256xi32, #tpu.memory_space<vmem>>)
          "tpu.trace_stop"() : () -> ()
        } else {
        }
        %ne3A_185 = arith.cmpi ne, %add3A_131, %add3A_140 : i32
        %or3A_186 = arith.constant false
        %or3A_187 = arith.ori %or3A_186, %ne3A_185 : i1
        %or3A_188 = arith.constant false
        %or3A_189 = arith.ori %or3A_187, %or3A_188 : i1
        %or3A_190 = arith.ori %or3A_189, %eq3A_128 : i1
        %convert_element_type3A_191 = arith.extui %or3A_190 : i1 to i32
        %cond3A_192 = arith.constant 0 : i32
        %cond3A_193 = arith.cmpi ne, %convert_element_type3A_191, %cond3A_192 : i32
        scf.if %cond3A_193 {
        } else {
        }
        %rem3A_194 = arith.constant 2 : i32
        %rem3A_195 = arith.remui %scan3A_123, %rem3A_194 : i32
        %rem3A_196 = arith.constant 2 : i32
        %rem3A_197 = arith.remui %scan3A_124, %rem3A_196 : i32
        %run_scoped3A_198 = arith.constant 0 : i32
        "tpu.trace_start"() <{level = 10 : i32, message = "ep_run_kernel"}> : () -> ()
        "tpu.region"() ({
          %run_scoped3A_264 = tpu.sem_alloc : memref<!tpu.dma_semaphore, #tpu.memory_space<semaphore_mem>>
          %dma_start3A_265 = arith.constant 0 : i32
          %dma_start3A_266 = arith.constant 0 : i32
          %dma_start3A_267 = tpu.memref_slice %run_scoped3A_8[%rem3A_197, %dma_start3A_265, %dma_start3A_266] : memref<2x256x128xf32, #tpu.memory_space<vmem>> -> memref<1x256x128xf32, #tpu.memory_space<vmem>>
          %dma_start3A_268 = tpu.memref_squeeze %dma_start3A_267 : memref<1x256x128xf32, #tpu.memory_space<vmem>> -> memref<256x128xf32, #tpu.memory_space<vmem>>
          %dma_start3A_269 = arith.constant 0 : i32
          %dma_start3A_270 = arith.constant 0 : i32
          %dma_start3A_271 = tpu.memref_slice %run_scoped3A[%rem3A_195, %dma_start3A_269, %dma_start3A_270] : memref<2x1x256xi32, #tpu.memory_space<vmem>> -> memref<1x1x256xi32, #tpu.memory_space<vmem>>
          %dma_start3A_272 = tpu.memref_squeeze %dma_start3A_271 : memref<1x1x256xi32, #tpu.memory_space<vmem>> -> memref<1x256xi32, #tpu.memory_space<vmem>>
          %dma_start3A_273 = arith.constant 0 : i32
          %dma_start3A_274 = tpu.memref_slice %dma_start3A_272[%run_scoped3A_198, %dma_start3A_273] : memref<1x256xi32, #tpu.memory_space<vmem>> -> memref<1x256xi32, #tpu.memory_space<vmem>>
          %dma_start3A_275 = tpu.memref_squeeze %dma_start3A_274 : memref<1x256xi32, #tpu.memory_space<vmem>> -> memref<256xi32, #tpu.memory_space<vmem>>
          %dma_start3A_276 = arith.constant 0 : i32
          %dma_start3A_277 = arith.constant 0 : i32
          %dma_start3A_278 = tpu.memref_slice %arg2[%dma_start3A_276, %dma_start3A_277] : memref<4096x128xf32, #tpu.memory_space<hbm>> -> memref<4096x128xf32, #tpu.memory_space<hbm>>
          tpu.enqueue_indirect_dma source(%dma_start3A_278 : memref<4096x128xf32, #tpu.memory_space<hbm>>) target(%dma_start3A_268 : memref<256x128xf32, #tpu.memory_space<vmem>>) offsets(%dma_start3A_275 : memref<256xi32, #tpu.memory_space<vmem>>) semaphore(%run_scoped3A_264 : memref<!tpu.dma_semaphore, #tpu.memory_space<semaphore_mem>>)
          %dma_wait3A_279 = arith.constant 0 : i32
          %dma_wait3A_280 = arith.constant 0 : i32
          %dma_wait3A_281 = tpu.memref_slice %run_scoped3A_8[%rem3A_197, %dma_wait3A_279, %dma_wait3A_280] : memref<2x256x128xf32, #tpu.memory_space<vmem>> -> memref<1x256x128xf32, #tpu.memory_space<vmem>>
          %dma_wait3A_282 = tpu.memref_squeeze %dma_wait3A_281 : memref<1x256x128xf32, #tpu.memory_space<vmem>> -> memref<256x128xf32, #tpu.memory_space<vmem>>
          %dma_wait3A_283 = arith.constant 0 : i32
          %dma_wait3A_284 = arith.constant 0 : i32
          %dma_wait3A_285 = tpu.memref_slice %run_scoped3A[%rem3A_195, %dma_wait3A_283, %dma_wait3A_284] : memref<2x1x256xi32, #tpu.memory_space<vmem>> -> memref<1x1x256xi32, #tpu.memory_space<vmem>>
          %dma_wait3A_286 = tpu.memref_squeeze %dma_wait3A_285 : memref<1x1x256xi32, #tpu.memory_space<vmem>> -> memref<1x256xi32, #tpu.memory_space<vmem>>
          %dma_wait3A_287 = arith.constant 0 : i32
          %dma_wait3A_288 = tpu.memref_slice %dma_wait3A_286[%run_scoped3A_198, %dma_wait3A_287] : memref<1x256xi32, #tpu.memory_space<vmem>> -> memref<1x256xi32, #tpu.memory_space<vmem>>
          %dma_wait3A_289 = tpu.memref_squeeze %dma_wait3A_288 : memref<1x256xi32, #tpu.memory_space<vmem>> -> memref<256xi32, #tpu.memory_space<vmem>>
          %dma_wait3A_290 = arith.constant 0 : i32
          %dma_wait3A_291 = arith.constant 0 : i32
          %dma_wait3A_292 = tpu.memref_slice %arg2[%dma_wait3A_290, %dma_wait3A_291] : memref<4096x128xf32, #tpu.memory_space<hbm>> -> memref<4096x128xf32, #tpu.memory_space<hbm>>
          tpu.wait_indirect_dma semaphore(%run_scoped3A_264 : memref<!tpu.dma_semaphore, #tpu.memory_space<semaphore_mem>>) src(%dma_wait3A_292 : memref<4096x128xf32, #tpu.memory_space<hbm>>) dst(%dma_wait3A_282 : memref<256x128xf32, #tpu.memory_space<vmem>>)
          tpu.yield
        }) : () -> ()
        "tpu.trace_stop"() : () -> ()
        %ne3A_199 = arith.cmpi ne, %add3A_131, %add3A_149 : i32
        %or3A_200 = arith.constant false
        %or3A_201 = arith.ori %or3A_200, %ne3A_199 : i1
        %or3A_202 = arith.ori %or3A_201, %eq3A_130 : i1
        %convert_element_type3A_203 = arith.extui %or3A_202 : i1 to i32
        %cond3A_204 = arith.constant 0 : i32
        %cond3A_205 = arith.cmpi ne, %convert_element_type3A_203, %cond3A_204 : i32
        scf.if %cond3A_205 {
        } else {
        }
        %and3A_206 = arith.constant false
        %and3A_207 = arith.andi %or3A_202, %and3A_206 : i1
        %ne3A_208 = arith.cmpi ne, %add3A_131, %add3A_149 : i32
        %or3A_209 = arith.constant false
        %or3A_210 = arith.ori %or3A_209, %ne3A_208 : i1
        %or3A_211 = arith.constant false
        %or3A_212 = arith.ori %or3A_210, %or3A_211 : i1
        %or3A_213 = arith.ori %or3A_212, %eq3A_130 : i1
        %convert_element_type3A_214 = arith.extui %or3A_213 : i1 to i32
        %cond3A_215 = arith.constant 0 : i32
        %cond3A_216 = arith.cmpi ne, %convert_element_type3A_214, %cond3A_215 : i32
        scf.if %cond3A_216 {
          "tpu.trace_start"() <{level = 10 : i32, message = "ep_copy_out"}> : () -> ()
          %rem3A_264 = arith.constant 2 : i32
          %rem3A_265 = arith.remui %scan3A_124, %rem3A_264 : i32
          %mul3A_266 = arith.constant 256 : i32
          %mul3A_267 = arith.muli %mul3A_266, %add3A_131 : i32
          %dma_start3A_268 = arith.constant 0 : i32
          %dma_start3A_269 = arith.constant 0 : i32
          %dma_start3A_270 = tpu.memref_slice %run_scoped3A_8[%rem3A_265, %dma_start3A_268, %dma_start3A_269] : memref<2x256x128xf32, #tpu.memory_space<vmem>> -> memref<1x256x128xf32, #tpu.memory_space<vmem>>
          %dma_start3A_271 = tpu.memref_squeeze %dma_start3A_270 : memref<1x256x128xf32, #tpu.memory_space<vmem>> -> memref<256x128xf32, #tpu.memory_space<vmem>>
          %dma_start3A_272 = arith.constant 0 : i32
          %dma_start3A_273 = tpu.memref_slice %arg4[%mul3A_267, %dma_start3A_272] : memref<32768x128xf32, #tpu.memory_space<hbm>> -> memref<256x128xf32, #tpu.memory_space<hbm>>
          %dma_start3A_274 = tpu.memref_slice %run_scoped3A_9[%rem3A_265] : memref<2x!tpu.dma_semaphore, #tpu.memory_space<semaphore_mem>> -> memref<1x!tpu.dma_semaphore, #tpu.memory_space<semaphore_mem>>
          %dma_start3A_275 = tpu.memref_squeeze %dma_start3A_274 : memref<1x!tpu.dma_semaphore, #tpu.memory_space<semaphore_mem>> -> memref<!tpu.dma_semaphore, #tpu.memory_space<semaphore_mem>>
          %dma_start3A_276 = arith.constant 0 : i32
          %dma_start3A_277 = tpu.memref_slice %arg4[%mul3A_267, %dma_start3A_276] : memref<32768x128xf32, #tpu.memory_space<hbm>> -> memref<256x128xf32, #tpu.memory_space<hbm>>
          %dma_start3A_278 = arith.constant 0 : i32
          %dma_start3A_279 = arith.constant 0 : i32
          %dma_start3A_280 = tpu.memref_slice %run_scoped3A_8[%rem3A_265, %dma_start3A_278, %dma_start3A_279] : memref<2x256x128xf32, #tpu.memory_space<vmem>> -> memref<1x256x128xf32, #tpu.memory_space<vmem>>
          %dma_start3A_281 = tpu.memref_squeeze %dma_start3A_280 : memref<1x256x128xf32, #tpu.memory_space<vmem>> -> memref<256x128xf32, #tpu.memory_space<vmem>>
          tpu.enqueue_dma source(%dma_start3A_281 : memref<256x128xf32, #tpu.memory_space<vmem>>) target(%dma_start3A_277 : memref<256x128xf32, #tpu.memory_space<hbm>>) target_semaphore(%dma_start3A_275 : memref<!tpu.dma_semaphore, #tpu.memory_space<semaphore_mem>>)
          "tpu.trace_stop"() : () -> ()
        } else {
        }
        %and3A_217 = arith.constant true
        %and3A_218 = arith.andi %or3A_213, %and3A_217 : i1
        %add3A_219 = arith.constant 1 : i32
        %add3A_220 = arith.addi %scan3A_124, %add3A_219 : i32
        %select_n3A_221 = arith.select %and3A_218, %add3A_220, %scan3A_124 : i32
        %ne3A_222 = arith.cmpi ne, %add3A_131, %add3A_140 : i32
        %or3A_223 = arith.constant false
        %or3A_224 = arith.ori %or3A_223, %ne3A_222 : i1
        %not3A_225 = arith.constant true
        %not3A_226 = arith.xori %eq3A_128, %not3A_225 : i1
        %and3A_227 = arith.andi %or3A_224, %not3A_226 : i1
        %convert_element_type3A_228 = arith.extui %and3A_227 : i1 to i32
        %cond3A_229 = arith.constant 0 : i32
        %cond3A_230 = arith.cmpi ne, %convert_element_type3A_228, %cond3A_229 : i32
        scf.if %cond3A_230 {
        } else {
        }
        %and3A_231 = arith.constant false
        %and3A_232 = arith.andi %and3A_227, %and3A_231 : i1
        %ne3A_233 = arith.cmpi ne, %add3A_131, %add3A_140 : i32
        %or3A_234 = arith.constant false
        %or3A_235 = arith.ori %or3A_234, %ne3A_233 : i1
        %or3A_236 = arith.constant false
        %or3A_237 = arith.ori %or3A_235, %or3A_236 : i1
        %not3A_238 = arith.constant true
        %not3A_239 = arith.xori %eq3A_128, %not3A_238 : i1
        %and3A_240 = arith.andi %or3A_237, %not3A_239 : i1
        %convert_element_type3A_241 = arith.extui %and3A_240 : i1 to i32
        %cond3A_242 = arith.constant 0 : i32
        %cond3A_243 = arith.cmpi ne, %convert_element_type3A_241, %cond3A_242 : i32
        scf.if %cond3A_243 {
          "tpu.trace_start"() <{level = 10 : i32, message = "ep_wait_out"}> : () -> ()
          %rem3A_264 = arith.constant 2 : i32
          %rem3A_265 = arith.remui %scan3A_125, %rem3A_264 : i32
          %mul3A_266 = arith.constant 256 : i32
          %mul3A_267 = arith.muli %mul3A_266, %add3A_140 : i32
          %dma_wait3A_268 = arith.constant 0 : i32
          %dma_wait3A_269 = arith.constant 0 : i32
          %dma_wait3A_270 = tpu.memref_slice %run_scoped3A_8[%rem3A_265, %dma_wait3A_268, %dma_wait3A_269] : memref<2x256x128xf32, #tpu.memory_space<vmem>> -> memref<1x256x128xf32, #tpu.memory_space<vmem>>
          %dma_wait3A_271 = tpu.memref_squeeze %dma_wait3A_270 : memref<1x256x128xf32, #tpu.memory_space<vmem>> -> memref<256x128xf32, #tpu.memory_space<vmem>>
          %dma_wait3A_272 = arith.constant 0 : i32
          %dma_wait3A_273 = tpu.memref_slice %arg4[%mul3A_267, %dma_wait3A_272] : memref<32768x128xf32, #tpu.memory_space<hbm>> -> memref<256x128xf32, #tpu.memory_space<hbm>>
          %dma_wait3A_274 = tpu.memref_slice %run_scoped3A_9[%rem3A_265] : memref<2x!tpu.dma_semaphore, #tpu.memory_space<semaphore_mem>> -> memref<1x!tpu.dma_semaphore, #tpu.memory_space<semaphore_mem>>
          %dma_wait3A_275 = tpu.memref_squeeze %dma_wait3A_274 : memref<1x!tpu.dma_semaphore, #tpu.memory_space<semaphore_mem>> -> memref<!tpu.dma_semaphore, #tpu.memory_space<semaphore_mem>>
          %dma_wait3A_276 = arith.constant 0 : i32
          %dma_wait3A_277 = tpu.memref_slice %arg4[%mul3A_267, %dma_wait3A_276] : memref<32768x128xf32, #tpu.memory_space<hbm>> -> memref<256x128xf32, #tpu.memory_space<hbm>>
          %dma_wait3A_278 = arith.constant 0 : i32
          %dma_wait3A_279 = arith.constant 0 : i32
          %dma_wait3A_280 = tpu.memref_slice %run_scoped3A_8[%rem3A_265, %dma_wait3A_278, %dma_wait3A_279] : memref<2x256x128xf32, #tpu.memory_space<vmem>> -> memref<1x256x128xf32, #tpu.memory_space<vmem>>
          %dma_wait3A_281 = tpu.memref_squeeze %dma_wait3A_280 : memref<1x256x128xf32, #tpu.memory_space<vmem>> -> memref<256x128xf32, #tpu.memory_space<vmem>>
          tpu.wait_dma2 semaphore(%dma_wait3A_275 : memref<!tpu.dma_semaphore, #tpu.memory_space<semaphore_mem>>) src(%dma_wait3A_281 : memref<256x128xf32, #tpu.memory_space<vmem>>) dst(%dma_wait3A_277 : memref<256x128xf32, #tpu.memory_space<hbm>>)
          "tpu.trace_stop"() : () -> ()
        } else {
        }
        %and3A_244 = arith.constant true
        %and3A_245 = arith.andi %and3A_240, %and3A_244 : i1
        %add3A_246 = arith.constant 1 : i32
        %add3A_247 = arith.addi %scan3A_125, %add3A_246 : i32
        %select_n3A_248 = arith.select %and3A_245, %add3A_247, %scan3A_125 : i32
        %ne3A_249 = arith.cmpi ne, %add3A_131, %add3A_149 : i32
        %or3A_250 = arith.constant false
        %or3A_251 = arith.ori %or3A_250, %ne3A_249 : i1
        %or3A_252 = arith.ori %or3A_251, %eq3A_130 : i1
        %add3A_253 = arith.constant 1 : i32
        %add3A_254 = arith.addi %scan3A_123, %add3A_253 : i32
        %select_n3A_255 = arith.select %or3A_252, %add3A_254, %scan3A_123 : i32
        %add3A_256 = arith.constant 1 : i32
        %add3A_257 = arith.addi %scan3A_126, %add3A_256 : i32
        %select_n3A_258 = arith.constant true
        %select_n3A_259 = arith.select %select_n3A_258, %add3A_257, %scan3A_126 : i32
        %eq3A_260 = arith.constant 4 : i32
        %eq3A_261 = arith.cmpi eq, %select_n3A_259, %eq3A_260 : i32
        %select_n3A_262 = arith.constant 0 : i32
        %select_n3A_263 = arith.select %eq3A_261, %select_n3A_262, %select_n3A_259 : i32
        scf.yield %select_n3A_167, %select_n3A_255, %select_n3A_221, %select_n3A_248, %select_n3A_263 : i32, i32, i32, i32, i32
      }
      %scan3A_68 = arith.constant 4 : i32
      %sub3A = arith.constant 1 : i32
      %sub3A_69 = arith.subi %scan3A_67#4, %sub3A : i32
      %select_n3A_70 = arith.constant true
      %select_n3A_71 = arith.select %select_n3A_70, %sub3A_69, %scan3A_67#4 : i32
      %eq3A_72 = arith.constant -1 : i32
      %eq3A_73 = arith.cmpi eq, %select_n3A_71, %eq3A_72 : i32
      %select_n3A_74 = arith.constant 3 : i32
      %select_n3A_75 = arith.select %eq3A_73, %select_n3A_74, %select_n3A_71 : i32
      %add3A_76 = arith.addi %select_n3A_75, %mul3A_6 : i32
      %sub3A_77 = arith.constant 1 : i32
      %sub3A_78 = arith.subi %select_n3A_75, %sub3A_77 : i32
      %select_n3A_79 = arith.constant true
      %select_n3A_80 = arith.select %select_n3A_79, %sub3A_78, %select_n3A_75 : i32
      %eq3A_81 = arith.constant -1 : i32
      %eq3A_82 = arith.cmpi eq, %select_n3A_80, %eq3A_81 : i32
      %select_n3A_83 = arith.constant 3 : i32
      %select_n3A_84 = arith.select %eq3A_82, %select_n3A_83, %select_n3A_80 : i32
      %add3A_85 = arith.addi %select_n3A_84, %mul3A_6 : i32
      %add3A_86 = arith.constant 1 : i32
      %add3A_87 = arith.addi %select_n3A_75, %add3A_86 : i32
      %select_n3A_88 = arith.constant true
      %select_n3A_89 = arith.select %select_n3A_88, %add3A_87, %select_n3A_75 : i32
      %eq3A_90 = arith.constant 4 : i32
      %eq3A_91 = arith.cmpi eq, %select_n3A_89, %eq3A_90 : i32
      %select_n3A_92 = arith.constant 0 : i32
      %select_n3A_93 = arith.select %eq3A_91, %select_n3A_92, %select_n3A_89 : i32
      %add3A_94 = arith.addi %select_n3A_93, %mul3A_6 : i32
      %add3A_95 = arith.constant 1 : i32
      %add3A_96 = arith.addi %select_n3A_93, %add3A_95 : i32
      %select_n3A_97 = arith.constant true
      %select_n3A_98 = arith.select %select_n3A_97, %add3A_96, %select_n3A_93 : i32
      %eq3A_99 = arith.constant 4 : i32
      %eq3A_100 = arith.cmpi eq, %select_n3A_98, %eq3A_99 : i32
      %select_n3A_101 = arith.constant 0 : i32
      %select_n3A_102 = arith.select %eq3A_100, %select_n3A_101, %select_n3A_98 : i32
      %add3A_103 = arith.addi %select_n3A_102, %mul3A_6 : i32
      "tpu.trace_start"() <{level = 10 : i32, message = "ep_finalize"}> : () -> ()
      %rem3A_104 = arith.constant 2 : i32
      %rem3A_105 = arith.remui %scan3A_67#3, %rem3A_104 : i32
      %mul3A_106 = arith.constant 256 : i32
      %mul3A_107 = arith.muli %mul3A_106, %add3A_76 : i32
      %dma_wait3A = arith.constant 0 : i32
      %dma_wait3A_108 = arith.constant 0 : i32
      %dma_wait3A_109 = tpu.memref_slice %run_scoped3A_8[%rem3A_105, %dma_wait3A, %dma_wait3A_108] : memref<2x256x128xf32, #tpu.memory_space<vmem>> -> memref<1x256x128xf32, #tpu.memory_space<vmem>>
      %dma_wait3A_110 = tpu.memref_squeeze %dma_wait3A_109 : memref<1x256x128xf32, #tpu.memory_space<vmem>> -> memref<256x128xf32, #tpu.memory_space<vmem>>
      %dma_wait3A_111 = arith.constant 0 : i32
      %dma_wait3A_112 = tpu.memref_slice %arg4[%mul3A_107, %dma_wait3A_111] : memref<32768x128xf32, #tpu.memory_space<hbm>> -> memref<256x128xf32, #tpu.memory_space<hbm>>
      %dma_wait3A_113 = tpu.memref_slice %run_scoped3A_9[%rem3A_105] : memref<2x!tpu.dma_semaphore, #tpu.memory_space<semaphore_mem>> -> memref<1x!tpu.dma_semaphore, #tpu.memory_space<semaphore_mem>>
      %dma_wait3A_114 = tpu.memref_squeeze %dma_wait3A_113 : memref<1x!tpu.dma_semaphore, #tpu.memory_space<semaphore_mem>> -> memref<!tpu.dma_semaphore, #tpu.memory_space<semaphore_mem>>
      %dma_wait3A_115 = arith.constant 0 : i32
      %dma_wait3A_116 = tpu.memref_slice %arg4[%mul3A_107, %dma_wait3A_115] : memref<32768x128xf32, #tpu.memory_space<hbm>> -> memref<256x128xf32, #tpu.memory_space<hbm>>
      %dma_wait3A_117 = arith.constant 0 : i32
      %dma_wait3A_118 = arith.constant 0 : i32
      %dma_wait3A_119 = tpu.memref_slice %run_scoped3A_8[%rem3A_105, %dma_wait3A_117, %dma_wait3A_118] : memref<2x256x128xf32, #tpu.memory_space<vmem>> -> memref<1x256x128xf32, #tpu.memory_space<vmem>>
      %dma_wait3A_120 = tpu.memref_squeeze %dma_wait3A_119 : memref<1x256x128xf32, #tpu.memory_space<vmem>> -> memref<256x128xf32, #tpu.memory_space<vmem>>
      tpu.wait_dma2 semaphore(%dma_wait3A_114 : memref<!tpu.dma_semaphore, #tpu.memory_space<semaphore_mem>>) src(%dma_wait3A_120 : memref<256x128xf32, #tpu.memory_space<vmem>>) dst(%dma_wait3A_116 : memref<256x128xf32, #tpu.memory_space<hbm>>)
      "tpu.trace_stop"() : () -> ()
      tpu.yield
    }) : () -> ()
    return
  }
}

module attributes {stable_mosaic.version = 14 : i64} {
  func.func @_knn_body(%arg0: i32, %arg1: memref<512x32xf32, #tpu.memory_space<vmem>>, %arg2: memref<32x4096xf32, #tpu.memory_space<vmem>>, %arg3: memref<512x16xf32, #tpu.memory_space<vmem>>, %arg4: memref<512x16xi32, #tpu.memory_space<vmem>>) attributes {dimension_semantics = [#tpu.dimension_semantics<arbitrary>], iteration_bounds = array<i64: 4>, scalar_prefetch = 0 : i64, scratch_operands = 0 : i64, tpu.core_type = #tpu.core_type<tc>, window_params = [{transform_indices = @transform_0, window_bounds = array<i64: 512, 32>}, {pipeline_mode = #tpu.pipeline_mode<synchronous>, transform_indices = @transform_1, window_bounds = array<i64: 32, 4096>}, {transform_indices = @transform_2, window_bounds = array<i64: 512, 16>}, {transform_indices = @transform_3, window_bounds = array<i64: 512, 16>}]} {
    %get3A = arith.constant 0 : index
    %get3A_0 = arith.constant 0 : index
    %get3A_1 = vector.load %arg1[%get3A, %get3A_0] : memref<512x32xf32, #tpu.memory_space<vmem>>, vector<512x32xf32>
    %get3A_2 = arith.constant 0 : index
    %get3A_3 = arith.constant 0 : index
    %get3A_4 = vector.load %arg2[%get3A_2, %get3A_3] : memref<32x4096xf32, #tpu.memory_space<vmem>>, vector<32x4096xf32>
    %mul3A = arith.mulf %get3A_1, %get3A_1 : vector<512x32xf32>
    %reduce_sum3A = arith.constant dense<0.000000e+00> : vector<512xf32>
    %reduce_sum3A_5 = vector.multi_reduction <add>, %mul3A, %reduce_sum3A [1] : vector<512x32xf32> to vector<512xf32>
    %broadcast_in_dim3A = vector.shape_cast %reduce_sum3A_5 : vector<512xf32> to vector<512x1xf32>
    %mul3A_6 = arith.mulf %get3A_4, %get3A_4 : vector<32x4096xf32>
    %reduce_sum3A_7 = arith.constant dense<0.000000e+00> : vector<4096xf32>
    %reduce_sum3A_8 = vector.multi_reduction <add>, %mul3A_6, %reduce_sum3A_7 [0] : vector<32x4096xf32> to vector<4096xf32>
    %broadcast_in_dim3A_9 = vector.shape_cast %reduce_sum3A_8 : vector<4096xf32> to vector<1x4096xf32>
    %dot_general3A = arith.constant dense<0.000000e+00> : vector<512x4096xf32>
    %dot_general3A_10 = tpu.matmul %get3A_1, %get3A_4, %dot_general3A {dimension_numbers = #tpu.dot_dimension_numbers<[1], [0], [0], [1], [0, 0, 1, 1], [], []>, transpose_lhs_hint = false} : vector<512x32xf32>, vector<32x4096xf32>, vector<512x4096xf32> -> vector<512x4096xf32>
    %add3A = vector.broadcast %broadcast_in_dim3A : vector<512x1xf32> to vector<512x4096xf32>
    %add3A_11 = vector.broadcast %broadcast_in_dim3A_9 : vector<1x4096xf32> to vector<512x4096xf32>
    %add3A_12 = arith.addf %add3A, %add3A_11 : vector<512x4096xf32>
    %mul3A_13 = arith.constant 2.000000e+00 : f32
    %mul3A_14 = vector.broadcast %mul3A_13 : f32 to vector<512x4096xf32>
    %mul3A_15 = arith.mulf %mul3A_14, %dot_general3A_10 : vector<512x4096xf32>
    %sub3A = arith.subf %add3A_12, %mul3A_15 : vector<512x4096xf32>
    %max3A = arith.constant 0.000000e+00 : f32
    %max3A_16 = vector.broadcast %max3A : f32 to vector<512x4096xf32>
    %max3A_17 = arith.maximumf %sub3A, %max3A_16 : vector<512x4096xf32>
    %iota3A = tpu.iota {dimensions = array<i32: 1>} : vector<512x4096xi32>
    %mul3A_18 = arith.constant 512 : i32
    %mul3A_19 = arith.muli %arg0, %mul3A_18 : i32
    %add3A_20 = arith.constant 2048 : i32
    %add3A_21 = arith.addi %add3A_20, %mul3A_19 : i32
    %iota3A_22 = tpu.iota {dimensions = array<i32: 0>} : vector<512x4096xi32>
    %add3A_23 = vector.broadcast %add3A_21 : i32 to vector<512x4096xi32>
    %add3A_24 = arith.addi %add3A_23, %iota3A_22 : vector<512x4096xi32>
    %bitcast_convert_type3A = tpu.bitcast %max3A_17 : vector<512x4096xf32> -> vector<512x4096xi32>
    %and3A = arith.constant -4096 : i32
    %and3A_25 = vector.broadcast %and3A : i32 to vector<512x4096xi32>
    %and3A_26 = arith.andi %bitcast_convert_type3A, %and3A_25 : vector<512x4096xi32>
    %or3A = arith.ori %and3A_26, %iota3A : vector<512x4096xi32>
    %eq3A = arith.cmpi eq, %iota3A, %add3A_24 : vector<512x4096xi32>
    %jit3A = arith.constant 2147483647 : i32
    %broadcast_in_dim3A_27 = vector.broadcast %jit3A : i32 to vector<512x4096xi32>
    %select_n3A = arith.select %eq3A, %broadcast_in_dim3A_27, %or3A : vector<512x4096xi1>, vector<512x4096xi32>
    %slice3A = vector.extract_strided_slice %select_n3A {offsets = [0, 0], sizes = [512, 1024], strides = [1, 1]} : vector<512x4096xi32> to vector<512x1024xi32>
    %slice3A_28 = vector.extract_strided_slice %select_n3A {offsets = [0, 1024], sizes = [512, 1024], strides = [1, 1]} : vector<512x4096xi32> to vector<512x1024xi32>
    %slice3A_29 = vector.extract_strided_slice %select_n3A {offsets = [0, 2048], sizes = [512, 1024], strides = [1, 1]} : vector<512x4096xi32> to vector<512x1024xi32>
    %slice3A_30 = vector.extract_strided_slice %select_n3A {offsets = [0, 3072], sizes = [512, 1024], strides = [1, 1]} : vector<512x4096xi32> to vector<512x1024xi32>
    %min3A = arith.minsi %slice3A, %slice3A_28 : vector<512x1024xi32>
    %max3A_31 = arith.maxsi %slice3A, %slice3A_28 : vector<512x1024xi32>
    %min3A_32 = arith.minsi %slice3A_29, %slice3A_30 : vector<512x1024xi32>
    %max3A_33 = arith.maxsi %slice3A_29, %slice3A_30 : vector<512x1024xi32>
    %min3A_34 = arith.minsi %min3A, %min3A_32 : vector<512x1024xi32>
    %lt3A = arith.cmpi slt, %min3A, %min3A_32 : vector<512x1024xi32>
    %min3A_35 = arith.minsi %min3A_32, %max3A_31 : vector<512x1024xi32>
    %min3A_36 = arith.minsi %min3A, %max3A_33 : vector<512x1024xi32>
    %select_n3A_37 = arith.select %lt3A, %min3A_35, %min3A_36 : vector<512x1024xi1>, vector<512x1024xi32>
    %slice3A_38 = vector.extract_strided_slice %min3A_34 {offsets = [0, 0], sizes = [512, 512], strides = [1, 1]} : vector<512x1024xi32> to vector<512x512xi32>
    %slice3A_39 = vector.extract_strided_slice %min3A_34 {offsets = [0, 512], sizes = [512, 512], strides = [1, 1]} : vector<512x1024xi32> to vector<512x512xi32>
    %slice3A_40 = vector.extract_strided_slice %select_n3A_37 {offsets = [0, 0], sizes = [512, 512], strides = [1, 1]} : vector<512x1024xi32> to vector<512x512xi32>
    %slice3A_41 = vector.extract_strided_slice %select_n3A_37 {offsets = [0, 512], sizes = [512, 512], strides = [1, 1]} : vector<512x1024xi32> to vector<512x512xi32>
    %min3A_42 = arith.minsi %slice3A_38, %slice3A_39 : vector<512x512xi32>
    %lt3A_43 = arith.cmpi slt, %slice3A_38, %slice3A_39 : vector<512x512xi32>
    %min3A_44 = arith.minsi %slice3A_39, %slice3A_40 : vector<512x512xi32>
    %min3A_45 = arith.minsi %slice3A_38, %slice3A_41 : vector<512x512xi32>
    %select_n3A_46 = arith.select %lt3A_43, %min3A_44, %min3A_45 : vector<512x512xi1>, vector<512x512xi32>
    %slice3A_47 = vector.extract_strided_slice %min3A_42 {offsets = [0, 0], sizes = [512, 256], strides = [1, 1]} : vector<512x512xi32> to vector<512x256xi32>
    %slice3A_48 = vector.extract_strided_slice %min3A_42 {offsets = [0, 256], sizes = [512, 256], strides = [1, 1]} : vector<512x512xi32> to vector<512x256xi32>
    %slice3A_49 = vector.extract_strided_slice %select_n3A_46 {offsets = [0, 0], sizes = [512, 256], strides = [1, 1]} : vector<512x512xi32> to vector<512x256xi32>
    %slice3A_50 = vector.extract_strided_slice %select_n3A_46 {offsets = [0, 256], sizes = [512, 256], strides = [1, 1]} : vector<512x512xi32> to vector<512x256xi32>
    %min3A_51 = arith.minsi %slice3A_47, %slice3A_48 : vector<512x256xi32>
    %lt3A_52 = arith.cmpi slt, %slice3A_47, %slice3A_48 : vector<512x256xi32>
    %min3A_53 = arith.minsi %slice3A_48, %slice3A_49 : vector<512x256xi32>
    %min3A_54 = arith.minsi %slice3A_47, %slice3A_50 : vector<512x256xi32>
    %select_n3A_55 = arith.select %lt3A_52, %min3A_53, %min3A_54 : vector<512x256xi1>, vector<512x256xi32>
    %slice3A_56 = vector.extract_strided_slice %min3A_51 {offsets = [0, 0], sizes = [512, 128], strides = [1, 1]} : vector<512x256xi32> to vector<512x128xi32>
    %slice3A_57 = vector.extract_strided_slice %min3A_51 {offsets = [0, 128], sizes = [512, 128], strides = [1, 1]} : vector<512x256xi32> to vector<512x128xi32>
    %slice3A_58 = vector.extract_strided_slice %select_n3A_55 {offsets = [0, 0], sizes = [512, 128], strides = [1, 1]} : vector<512x256xi32> to vector<512x128xi32>
    %slice3A_59 = vector.extract_strided_slice %select_n3A_55 {offsets = [0, 128], sizes = [512, 128], strides = [1, 1]} : vector<512x256xi32> to vector<512x128xi32>
    %min3A_60 = arith.minsi %slice3A_56, %slice3A_57 : vector<512x128xi32>
    %lt3A_61 = arith.cmpi slt, %slice3A_56, %slice3A_57 : vector<512x128xi32>
    %min3A_62 = arith.minsi %slice3A_57, %slice3A_58 : vector<512x128xi32>
    %min3A_63 = arith.minsi %slice3A_56, %slice3A_59 : vector<512x128xi32>
    %select_n3A_64 = arith.select %lt3A_61, %min3A_62, %min3A_63 : vector<512x128xi1>, vector<512x128xi32>
    %slice3A_65 = vector.extract_strided_slice %min3A_60 {offsets = [0, 0], sizes = [512, 64], strides = [1, 1]} : vector<512x128xi32> to vector<512x64xi32>
    %slice3A_66 = vector.extract_strided_slice %min3A_60 {offsets = [0, 64], sizes = [512, 64], strides = [1, 1]} : vector<512x128xi32> to vector<512x64xi32>
    %slice3A_67 = vector.extract_strided_slice %select_n3A_64 {offsets = [0, 0], sizes = [512, 64], strides = [1, 1]} : vector<512x128xi32> to vector<512x64xi32>
    %slice3A_68 = vector.extract_strided_slice %select_n3A_64 {offsets = [0, 64], sizes = [512, 64], strides = [1, 1]} : vector<512x128xi32> to vector<512x64xi32>
    %min3A_69 = arith.minsi %slice3A_65, %slice3A_66 : vector<512x64xi32>
    %lt3A_70 = arith.cmpi slt, %slice3A_65, %slice3A_66 : vector<512x64xi32>
    %min3A_71 = arith.minsi %slice3A_66, %slice3A_67 : vector<512x64xi32>
    %min3A_72 = arith.minsi %slice3A_65, %slice3A_68 : vector<512x64xi32>
    %select_n3A_73 = arith.select %lt3A_70, %min3A_71, %min3A_72 : vector<512x64xi1>, vector<512x64xi32>
    %reduce_min3A = arith.constant dense<2147483647> : vector<512xi32>
    %reduce_min3A_74 = vector.multi_reduction <minsi>, %min3A_69, %reduce_min3A [1] : vector<512x64xi32> to vector<512xi32>
    %broadcast_in_dim3A_75 = vector.shape_cast %reduce_min3A_74 : vector<512xi32> to vector<512x1xi32>
    %and3A_76 = arith.constant -4096 : i32
    %and3A_77 = vector.broadcast %and3A_76 : i32 to vector<512x1xi32>
    %and3A_78 = arith.andi %broadcast_in_dim3A_75, %and3A_77 : vector<512x1xi32>
    %bitcast_convert_type3A_79 = tpu.bitcast %and3A_78 : vector<512x1xi32> -> vector<512x1xf32>
    %swap3A = arith.constant 0 : index
    %swap3A_80 = arith.constant 0 : index
    %swap3A_81 = vector.load %arg3[%swap3A, %swap3A_80] : memref<512x16xf32, #tpu.memory_space<vmem>>, vector<512x1xf32>
    tpu.vector_store %arg3[%swap3A, %swap3A_80], %bitcast_convert_type3A_79 {strides = array<i32>} : memref<512x16xf32, #tpu.memory_space<vmem>>, vector<512x1xf32>,
    %and3A_82 = arith.constant 4095 : i32
    %and3A_83 = vector.broadcast %and3A_82 : i32 to vector<512x1xi32>
    %and3A_84 = arith.andi %broadcast_in_dim3A_75, %and3A_83 : vector<512x1xi32>
    %swap3A_85 = arith.constant 0 : index
    %swap3A_86 = arith.constant 0 : index
    %swap3A_87 = vector.load %arg4[%swap3A_85, %swap3A_86] : memref<512x16xi32, #tpu.memory_space<vmem>>, vector<512x1xi32>
    tpu.vector_store %arg4[%swap3A_85, %swap3A_86], %and3A_84 {strides = array<i32>} : memref<512x16xi32, #tpu.memory_space<vmem>>, vector<512x1xi32>,
    %eq3A_88 = vector.broadcast %broadcast_in_dim3A_75 : vector<512x1xi32> to vector<512x64xi32>
    %eq3A_89 = arith.cmpi eq, %min3A_69, %eq3A_88 : vector<512x64xi32>
    %eq3A_90 = vector.broadcast %broadcast_in_dim3A_75 : vector<512x1xi32> to vector<512x64xi32>
    %eq3A_91 = arith.cmpi eq, %select_n3A_73, %eq3A_90 : vector<512x64xi32>
    %jit3A_92 = arith.constant 2147483647 : i32
    %broadcast_in_dim3A_93 = vector.broadcast %jit3A_92 : i32 to vector<512x64xi32>
    %select_n3A_94 = arith.select %eq3A_91, %broadcast_in_dim3A_93, %select_n3A_73 : vector<512x64xi1>, vector<512x64xi32>
    %select_n3A_95 = arith.select %eq3A_89, %select_n3A_94, %min3A_69 : vector<512x64xi1>, vector<512x64xi32>
    %reduce_min3A_96 = arith.constant dense<2147483647> : vector<512xi32>
    %reduce_min3A_97 = vector.multi_reduction <minsi>, %select_n3A_95, %reduce_min3A_96 [1] : vector<512x64xi32> to vector<512xi32>
    %broadcast_in_dim3A_98 = vector.shape_cast %reduce_min3A_97 : vector<512xi32> to vector<512x1xi32>
    %and3A_99 = arith.constant -4096 : i32
    %and3A_100 = vector.broadcast %and3A_99 : i32 to vector<512x1xi32>
    %and3A_101 = arith.andi %broadcast_in_dim3A_98, %and3A_100 : vector<512x1xi32>
    %bitcast_convert_type3A_102 = tpu.bitcast %and3A_101 : vector<512x1xi32> -> vector<512x1xf32>
    %swap3A_103 = arith.constant 0 : index
    %swap3A_104 = arith.constant 1 : index
    %swap3A_105 = vector.load %arg3[%swap3A_103, %swap3A_104] : memref<512x16xf32, #tpu.memory_space<vmem>>, vector<512x1xf32>
    tpu.vector_store %arg3[%swap3A_103, %swap3A_104], %bitcast_convert_type3A_102 {strides = array<i32>} : memref<512x16xf32, #tpu.memory_space<vmem>>, vector<512x1xf32>,
    %and3A_106 = arith.constant 4095 : i32
    %and3A_107 = vector.broadcast %and3A_106 : i32 to vector<512x1xi32>
    %and3A_108 = arith.andi %broadcast_in_dim3A_98, %and3A_107 : vector<512x1xi32>
    %swap3A_109 = arith.constant 0 : index
    %swap3A_110 = arith.constant 1 : index
    %swap3A_111 = vector.load %arg4[%swap3A_109, %swap3A_110] : memref<512x16xi32, #tpu.memory_space<vmem>>, vector<512x1xi32>
    tpu.vector_store %arg4[%swap3A_109, %swap3A_110], %and3A_108 {strides = array<i32>} : memref<512x16xi32, #tpu.memory_space<vmem>>, vector<512x1xi32>,
    %eq3A_112 = vector.broadcast %broadcast_in_dim3A_98 : vector<512x1xi32> to vector<512x64xi32>
    %eq3A_113 = arith.cmpi eq, %select_n3A_95, %eq3A_112 : vector<512x64xi32>
    %eq3A_114 = vector.broadcast %broadcast_in_dim3A_98 : vector<512x1xi32> to vector<512x64xi32>
    %eq3A_115 = arith.cmpi eq, %select_n3A_73, %eq3A_114 : vector<512x64xi32>
    %jit3A_116 = arith.constant 2147483647 : i32
    %broadcast_in_dim3A_117 = vector.broadcast %jit3A_116 : i32 to vector<512x64xi32>
    %select_n3A_118 = arith.select %eq3A_115, %broadcast_in_dim3A_117, %select_n3A_73 : vector<512x64xi1>, vector<512x64xi32>
    %select_n3A_119 = arith.select %eq3A_113, %select_n3A_118, %select_n3A_95 : vector<512x64xi1>, vector<512x64xi32>
    %reduce_min3A_120 = arith.constant dense<2147483647> : vector<512xi32>
    %reduce_min3A_121 = vector.multi_reduction <minsi>, %select_n3A_119, %reduce_min3A_120 [1] : vector<512x64xi32> to vector<512xi32>
    %broadcast_in_dim3A_122 = vector.shape_cast %reduce_min3A_121 : vector<512xi32> to vector<512x1xi32>
    %and3A_123 = arith.constant -4096 : i32
    %and3A_124 = vector.broadcast %and3A_123 : i32 to vector<512x1xi32>
    %and3A_125 = arith.andi %broadcast_in_dim3A_122, %and3A_124 : vector<512x1xi32>
    %bitcast_convert_type3A_126 = tpu.bitcast %and3A_125 : vector<512x1xi32> -> vector<512x1xf32>
    %swap3A_127 = arith.constant 0 : index
    %swap3A_128 = arith.constant 2 : index
    %swap3A_129 = vector.load %arg3[%swap3A_127, %swap3A_128] : memref<512x16xf32, #tpu.memory_space<vmem>>, vector<512x1xf32>
    tpu.vector_store %arg3[%swap3A_127, %swap3A_128], %bitcast_convert_type3A_126 {strides = array<i32>} : memref<512x16xf32, #tpu.memory_space<vmem>>, vector<512x1xf32>,
    %and3A_130 = arith.constant 4095 : i32
    %and3A_131 = vector.broadcast %and3A_130 : i32 to vector<512x1xi32>
    %and3A_132 = arith.andi %broadcast_in_dim3A_122, %and3A_131 : vector<512x1xi32>
    %swap3A_133 = arith.constant 0 : index
    %swap3A_134 = arith.constant 2 : index
    %swap3A_135 = vector.load %arg4[%swap3A_133, %swap3A_134] : memref<512x16xi32, #tpu.memory_space<vmem>>, vector<512x1xi32>
    tpu.vector_store %arg4[%swap3A_133, %swap3A_134], %and3A_132 {strides = array<i32>} : memref<512x16xi32, #tpu.memory_space<vmem>>, vector<512x1xi32>,
    %eq3A_136 = vector.broadcast %broadcast_in_dim3A_122 : vector<512x1xi32> to vector<512x64xi32>
    %eq3A_137 = arith.cmpi eq, %select_n3A_119, %eq3A_136 : vector<512x64xi32>
    %eq3A_138 = vector.broadcast %broadcast_in_dim3A_122 : vector<512x1xi32> to vector<512x64xi32>
    %eq3A_139 = arith.cmpi eq, %select_n3A_73, %eq3A_138 : vector<512x64xi32>
    %jit3A_140 = arith.constant 2147483647 : i32
    %broadcast_in_dim3A_141 = vector.broadcast %jit3A_140 : i32 to vector<512x64xi32>
    %select_n3A_142 = arith.select %eq3A_139, %broadcast_in_dim3A_141, %select_n3A_73 : vector<512x64xi1>, vector<512x64xi32>
    %select_n3A_143 = arith.select %eq3A_137, %select_n3A_142, %select_n3A_119 : vector<512x64xi1>, vector<512x64xi32>
    %reduce_min3A_144 = arith.constant dense<2147483647> : vector<512xi32>
    %reduce_min3A_145 = vector.multi_reduction <minsi>, %select_n3A_143, %reduce_min3A_144 [1] : vector<512x64xi32> to vector<512xi32>
    %broadcast_in_dim3A_146 = vector.shape_cast %reduce_min3A_145 : vector<512xi32> to vector<512x1xi32>
    %and3A_147 = arith.constant -4096 : i32
    %and3A_148 = vector.broadcast %and3A_147 : i32 to vector<512x1xi32>
    %and3A_149 = arith.andi %broadcast_in_dim3A_146, %and3A_148 : vector<512x1xi32>
    %bitcast_convert_type3A_150 = tpu.bitcast %and3A_149 : vector<512x1xi32> -> vector<512x1xf32>
    %swap3A_151 = arith.constant 0 : index
    %swap3A_152 = arith.constant 3 : index
    %swap3A_153 = vector.load %arg3[%swap3A_151, %swap3A_152] : memref<512x16xf32, #tpu.memory_space<vmem>>, vector<512x1xf32>
    tpu.vector_store %arg3[%swap3A_151, %swap3A_152], %bitcast_convert_type3A_150 {strides = array<i32>} : memref<512x16xf32, #tpu.memory_space<vmem>>, vector<512x1xf32>,
    %and3A_154 = arith.constant 4095 : i32
    %and3A_155 = vector.broadcast %and3A_154 : i32 to vector<512x1xi32>
    %and3A_156 = arith.andi %broadcast_in_dim3A_146, %and3A_155 : vector<512x1xi32>
    %swap3A_157 = arith.constant 0 : index
    %swap3A_158 = arith.constant 3 : index
    %swap3A_159 = vector.load %arg4[%swap3A_157, %swap3A_158] : memref<512x16xi32, #tpu.memory_space<vmem>>, vector<512x1xi32>
    tpu.vector_store %arg4[%swap3A_157, %swap3A_158], %and3A_156 {strides = array<i32>} : memref<512x16xi32, #tpu.memory_space<vmem>>, vector<512x1xi32>,
    %eq3A_160 = vector.broadcast %broadcast_in_dim3A_146 : vector<512x1xi32> to vector<512x64xi32>
    %eq3A_161 = arith.cmpi eq, %select_n3A_143, %eq3A_160 : vector<512x64xi32>
    %eq3A_162 = vector.broadcast %broadcast_in_dim3A_146 : vector<512x1xi32> to vector<512x64xi32>
    %eq3A_163 = arith.cmpi eq, %select_n3A_73, %eq3A_162 : vector<512x64xi32>
    %jit3A_164 = arith.constant 2147483647 : i32
    %broadcast_in_dim3A_165 = vector.broadcast %jit3A_164 : i32 to vector<512x64xi32>
    %select_n3A_166 = arith.select %eq3A_163, %broadcast_in_dim3A_165, %select_n3A_73 : vector<512x64xi1>, vector<512x64xi32>
    %select_n3A_167 = arith.select %eq3A_161, %select_n3A_166, %select_n3A_143 : vector<512x64xi1>, vector<512x64xi32>
    %reduce_min3A_168 = arith.constant dense<2147483647> : vector<512xi32>
    %reduce_min3A_169 = vector.multi_reduction <minsi>, %select_n3A_167, %reduce_min3A_168 [1] : vector<512x64xi32> to vector<512xi32>
    %broadcast_in_dim3A_170 = vector.shape_cast %reduce_min3A_169 : vector<512xi32> to vector<512x1xi32>
    %and3A_171 = arith.constant -4096 : i32
    %and3A_172 = vector.broadcast %and3A_171 : i32 to vector<512x1xi32>
    %and3A_173 = arith.andi %broadcast_in_dim3A_170, %and3A_172 : vector<512x1xi32>
    %bitcast_convert_type3A_174 = tpu.bitcast %and3A_173 : vector<512x1xi32> -> vector<512x1xf32>
    %swap3A_175 = arith.constant 0 : index
    %swap3A_176 = arith.constant 4 : index
    %swap3A_177 = vector.load %arg3[%swap3A_175, %swap3A_176] : memref<512x16xf32, #tpu.memory_space<vmem>>, vector<512x1xf32>
    tpu.vector_store %arg3[%swap3A_175, %swap3A_176], %bitcast_convert_type3A_174 {strides = array<i32>} : memref<512x16xf32, #tpu.memory_space<vmem>>, vector<512x1xf32>,
    %and3A_178 = arith.constant 4095 : i32
    %and3A_179 = vector.broadcast %and3A_178 : i32 to vector<512x1xi32>
    %and3A_180 = arith.andi %broadcast_in_dim3A_170, %and3A_179 : vector<512x1xi32>
    %swap3A_181 = arith.constant 0 : index
    %swap3A_182 = arith.constant 4 : index
    %swap3A_183 = vector.load %arg4[%swap3A_181, %swap3A_182] : memref<512x16xi32, #tpu.memory_space<vmem>>, vector<512x1xi32>
    tpu.vector_store %arg4[%swap3A_181, %swap3A_182], %and3A_180 {strides = array<i32>} : memref<512x16xi32, #tpu.memory_space<vmem>>, vector<512x1xi32>,
    %eq3A_184 = vector.broadcast %broadcast_in_dim3A_170 : vector<512x1xi32> to vector<512x64xi32>
    %eq3A_185 = arith.cmpi eq, %select_n3A_167, %eq3A_184 : vector<512x64xi32>
    %eq3A_186 = vector.broadcast %broadcast_in_dim3A_170 : vector<512x1xi32> to vector<512x64xi32>
    %eq3A_187 = arith.cmpi eq, %select_n3A_73, %eq3A_186 : vector<512x64xi32>
    %jit3A_188 = arith.constant 2147483647 : i32
    %broadcast_in_dim3A_189 = vector.broadcast %jit3A_188 : i32 to vector<512x64xi32>
    %select_n3A_190 = arith.select %eq3A_187, %broadcast_in_dim3A_189, %select_n3A_73 : vector<512x64xi1>, vector<512x64xi32>
    %select_n3A_191 = arith.select %eq3A_185, %select_n3A_190, %select_n3A_167 : vector<512x64xi1>, vector<512x64xi32>
    %reduce_min3A_192 = arith.constant dense<2147483647> : vector<512xi32>
    %reduce_min3A_193 = vector.multi_reduction <minsi>, %select_n3A_191, %reduce_min3A_192 [1] : vector<512x64xi32> to vector<512xi32>
    %broadcast_in_dim3A_194 = vector.shape_cast %reduce_min3A_193 : vector<512xi32> to vector<512x1xi32>
    %and3A_195 = arith.constant -4096 : i32
    %and3A_196 = vector.broadcast %and3A_195 : i32 to vector<512x1xi32>
    %and3A_197 = arith.andi %broadcast_in_dim3A_194, %and3A_196 : vector<512x1xi32>
    %bitcast_convert_type3A_198 = tpu.bitcast %and3A_197 : vector<512x1xi32> -> vector<512x1xf32>
    %swap3A_199 = arith.constant 0 : index
    %swap3A_200 = arith.constant 5 : index
    %swap3A_201 = vector.load %arg3[%swap3A_199, %swap3A_200] : memref<512x16xf32, #tpu.memory_space<vmem>>, vector<512x1xf32>
    tpu.vector_store %arg3[%swap3A_199, %swap3A_200], %bitcast_convert_type3A_198 {strides = array<i32>} : memref<512x16xf32, #tpu.memory_space<vmem>>, vector<512x1xf32>,
    %and3A_202 = arith.constant 4095 : i32
    %and3A_203 = vector.broadcast %and3A_202 : i32 to vector<512x1xi32>
    %and3A_204 = arith.andi %broadcast_in_dim3A_194, %and3A_203 : vector<512x1xi32>
    %swap3A_205 = arith.constant 0 : index
    %swap3A_206 = arith.constant 5 : index
    %swap3A_207 = vector.load %arg4[%swap3A_205, %swap3A_206] : memref<512x16xi32, #tpu.memory_space<vmem>>, vector<512x1xi32>
    tpu.vector_store %arg4[%swap3A_205, %swap3A_206], %and3A_204 {strides = array<i32>} : memref<512x16xi32, #tpu.memory_space<vmem>>, vector<512x1xi32>,
    %eq3A_208 = vector.broadcast %broadcast_in_dim3A_194 : vector<512x1xi32> to vector<512x64xi32>
    %eq3A_209 = arith.cmpi eq, %select_n3A_191, %eq3A_208 : vector<512x64xi32>
    %eq3A_210 = vector.broadcast %broadcast_in_dim3A_194 : vector<512x1xi32> to vector<512x64xi32>
    %eq3A_211 = arith.cmpi eq, %select_n3A_73, %eq3A_210 : vector<512x64xi32>
    %jit3A_212 = arith.constant 2147483647 : i32
    %broadcast_in_dim3A_213 = vector.broadcast %jit3A_212 : i32 to vector<512x64xi32>
    %select_n3A_214 = arith.select %eq3A_211, %broadcast_in_dim3A_213, %select_n3A_73 : vector<512x64xi1>, vector<512x64xi32>
    %select_n3A_215 = arith.select %eq3A_209, %select_n3A_214, %select_n3A_191 : vector<512x64xi1>, vector<512x64xi32>
    %reduce_min3A_216 = arith.constant dense<2147483647> : vector<512xi32>
    %reduce_min3A_217 = vector.multi_reduction <minsi>, %select_n3A_215, %reduce_min3A_216 [1] : vector<512x64xi32> to vector<512xi32>
    %broadcast_in_dim3A_218 = vector.shape_cast %reduce_min3A_217 : vector<512xi32> to vector<512x1xi32>
    %and3A_219 = arith.constant -4096 : i32
    %and3A_220 = vector.broadcast %and3A_219 : i32 to vector<512x1xi32>
    %and3A_221 = arith.andi %broadcast_in_dim3A_218, %and3A_220 : vector<512x1xi32>
    %bitcast_convert_type3A_222 = tpu.bitcast %and3A_221 : vector<512x1xi32> -> vector<512x1xf32>
    %swap3A_223 = arith.constant 0 : index
    %swap3A_224 = arith.constant 6 : index
    %swap3A_225 = vector.load %arg3[%swap3A_223, %swap3A_224] : memref<512x16xf32, #tpu.memory_space<vmem>>, vector<512x1xf32>
    tpu.vector_store %arg3[%swap3A_223, %swap3A_224], %bitcast_convert_type3A_222 {strides = array<i32>} : memref<512x16xf32, #tpu.memory_space<vmem>>, vector<512x1xf32>,
    %and3A_226 = arith.constant 4095 : i32
    %and3A_227 = vector.broadcast %and3A_226 : i32 to vector<512x1xi32>
    %and3A_228 = arith.andi %broadcast_in_dim3A_218, %and3A_227 : vector<512x1xi32>
    %swap3A_229 = arith.constant 0 : index
    %swap3A_230 = arith.constant 6 : index
    %swap3A_231 = vector.load %arg4[%swap3A_229, %swap3A_230] : memref<512x16xi32, #tpu.memory_space<vmem>>, vector<512x1xi32>
    tpu.vector_store %arg4[%swap3A_229, %swap3A_230], %and3A_228 {strides = array<i32>} : memref<512x16xi32, #tpu.memory_space<vmem>>, vector<512x1xi32>,
    %eq3A_232 = vector.broadcast %broadcast_in_dim3A_218 : vector<512x1xi32> to vector<512x64xi32>
    %eq3A_233 = arith.cmpi eq, %select_n3A_215, %eq3A_232 : vector<512x64xi32>
    %eq3A_234 = vector.broadcast %broadcast_in_dim3A_218 : vector<512x1xi32> to vector<512x64xi32>
    %eq3A_235 = arith.cmpi eq, %select_n3A_73, %eq3A_234 : vector<512x64xi32>
    %jit3A_236 = arith.constant 2147483647 : i32
    %broadcast_in_dim3A_237 = vector.broadcast %jit3A_236 : i32 to vector<512x64xi32>
    %select_n3A_238 = arith.select %eq3A_235, %broadcast_in_dim3A_237, %select_n3A_73 : vector<512x64xi1>, vector<512x64xi32>
    %select_n3A_239 = arith.select %eq3A_233, %select_n3A_238, %select_n3A_215 : vector<512x64xi1>, vector<512x64xi32>
    %reduce_min3A_240 = arith.constant dense<2147483647> : vector<512xi32>
    %reduce_min3A_241 = vector.multi_reduction <minsi>, %select_n3A_239, %reduce_min3A_240 [1] : vector<512x64xi32> to vector<512xi32>
    %broadcast_in_dim3A_242 = vector.shape_cast %reduce_min3A_241 : vector<512xi32> to vector<512x1xi32>
    %and3A_243 = arith.constant -4096 : i32
    %and3A_244 = vector.broadcast %and3A_243 : i32 to vector<512x1xi32>
    %and3A_245 = arith.andi %broadcast_in_dim3A_242, %and3A_244 : vector<512x1xi32>
    %bitcast_convert_type3A_246 = tpu.bitcast %and3A_245 : vector<512x1xi32> -> vector<512x1xf32>
    %swap3A_247 = arith.constant 0 : index
    %swap3A_248 = arith.constant 7 : index
    %swap3A_249 = vector.load %arg3[%swap3A_247, %swap3A_248] : memref<512x16xf32, #tpu.memory_space<vmem>>, vector<512x1xf32>
    tpu.vector_store %arg3[%swap3A_247, %swap3A_248], %bitcast_convert_type3A_246 {strides = array<i32>} : memref<512x16xf32, #tpu.memory_space<vmem>>, vector<512x1xf32>,
    %and3A_250 = arith.constant 4095 : i32
    %and3A_251 = vector.broadcast %and3A_250 : i32 to vector<512x1xi32>
    %and3A_252 = arith.andi %broadcast_in_dim3A_242, %and3A_251 : vector<512x1xi32>
    %swap3A_253 = arith.constant 0 : index
    %swap3A_254 = arith.constant 7 : index
    %swap3A_255 = vector.load %arg4[%swap3A_253, %swap3A_254] : memref<512x16xi32, #tpu.memory_space<vmem>>, vector<512x1xi32>
    tpu.vector_store %arg4[%swap3A_253, %swap3A_254], %and3A_252 {strides = array<i32>} : memref<512x16xi32, #tpu.memory_space<vmem>>, vector<512x1xi32>,
    %eq3A_256 = vector.broadcast %broadcast_in_dim3A_242 : vector<512x1xi32> to vector<512x64xi32>
    %eq3A_257 = arith.cmpi eq, %select_n3A_239, %eq3A_256 : vector<512x64xi32>
    %eq3A_258 = vector.broadcast %broadcast_in_dim3A_242 : vector<512x1xi32> to vector<512x64xi32>
    %eq3A_259 = arith.cmpi eq, %select_n3A_73, %eq3A_258 : vector<512x64xi32>
    %jit3A_260 = arith.constant 2147483647 : i32
    %broadcast_in_dim3A_261 = vector.broadcast %jit3A_260 : i32 to vector<512x64xi32>
    %select_n3A_262 = arith.select %eq3A_259, %broadcast_in_dim3A_261, %select_n3A_73 : vector<512x64xi1>, vector<512x64xi32>
    %select_n3A_263 = arith.select %eq3A_257, %select_n3A_262, %select_n3A_239 : vector<512x64xi1>, vector<512x64xi32>
    %reduce_min3A_264 = arith.constant dense<2147483647> : vector<512xi32>
    %reduce_min3A_265 = vector.multi_reduction <minsi>, %select_n3A_263, %reduce_min3A_264 [1] : vector<512x64xi32> to vector<512xi32>
    %broadcast_in_dim3A_266 = vector.shape_cast %reduce_min3A_265 : vector<512xi32> to vector<512x1xi32>
    %and3A_267 = arith.constant -4096 : i32
    %and3A_268 = vector.broadcast %and3A_267 : i32 to vector<512x1xi32>
    %and3A_269 = arith.andi %broadcast_in_dim3A_266, %and3A_268 : vector<512x1xi32>
    %bitcast_convert_type3A_270 = tpu.bitcast %and3A_269 : vector<512x1xi32> -> vector<512x1xf32>
    %swap3A_271 = arith.constant 0 : index
    %swap3A_272 = arith.constant 8 : index
    %swap3A_273 = vector.load %arg3[%swap3A_271, %swap3A_272] : memref<512x16xf32, #tpu.memory_space<vmem>>, vector<512x1xf32>
    tpu.vector_store %arg3[%swap3A_271, %swap3A_272], %bitcast_convert_type3A_270 {strides = array<i32>} : memref<512x16xf32, #tpu.memory_space<vmem>>, vector<512x1xf32>,
    %and3A_274 = arith.constant 4095 : i32
    %and3A_275 = vector.broadcast %and3A_274 : i32 to vector<512x1xi32>
    %and3A_276 = arith.andi %broadcast_in_dim3A_266, %and3A_275 : vector<512x1xi32>
    %swap3A_277 = arith.constant 0 : index
    %swap3A_278 = arith.constant 8 : index
    %swap3A_279 = vector.load %arg4[%swap3A_277, %swap3A_278] : memref<512x16xi32, #tpu.memory_space<vmem>>, vector<512x1xi32>
    tpu.vector_store %arg4[%swap3A_277, %swap3A_278], %and3A_276 {strides = array<i32>} : memref<512x16xi32, #tpu.memory_space<vmem>>, vector<512x1xi32>,
    %eq3A_280 = vector.broadcast %broadcast_in_dim3A_266 : vector<512x1xi32> to vector<512x64xi32>
    %eq3A_281 = arith.cmpi eq, %select_n3A_263, %eq3A_280 : vector<512x64xi32>
    %eq3A_282 = vector.broadcast %broadcast_in_dim3A_266 : vector<512x1xi32> to vector<512x64xi32>
    %eq3A_283 = arith.cmpi eq, %select_n3A_73, %eq3A_282 : vector<512x64xi32>
    %jit3A_284 = arith.constant 2147483647 : i32
    %broadcast_in_dim3A_285 = vector.broadcast %jit3A_284 : i32 to vector<512x64xi32>
    %select_n3A_286 = arith.select %eq3A_283, %broadcast_in_dim3A_285, %select_n3A_73 : vector<512x64xi1>, vector<512x64xi32>
    %select_n3A_287 = arith.select %eq3A_281, %select_n3A_286, %select_n3A_263 : vector<512x64xi1>, vector<512x64xi32>
    %reduce_min3A_288 = arith.constant dense<2147483647> : vector<512xi32>
    %reduce_min3A_289 = vector.multi_reduction <minsi>, %select_n3A_287, %reduce_min3A_288 [1] : vector<512x64xi32> to vector<512xi32>
    %broadcast_in_dim3A_290 = vector.shape_cast %reduce_min3A_289 : vector<512xi32> to vector<512x1xi32>
    %and3A_291 = arith.constant -4096 : i32
    %and3A_292 = vector.broadcast %and3A_291 : i32 to vector<512x1xi32>
    %and3A_293 = arith.andi %broadcast_in_dim3A_290, %and3A_292 : vector<512x1xi32>
    %bitcast_convert_type3A_294 = tpu.bitcast %and3A_293 : vector<512x1xi32> -> vector<512x1xf32>
    %swap3A_295 = arith.constant 0 : index
    %swap3A_296 = arith.constant 9 : index
    %swap3A_297 = vector.load %arg3[%swap3A_295, %swap3A_296] : memref<512x16xf32, #tpu.memory_space<vmem>>, vector<512x1xf32>
    tpu.vector_store %arg3[%swap3A_295, %swap3A_296], %bitcast_convert_type3A_294 {strides = array<i32>} : memref<512x16xf32, #tpu.memory_space<vmem>>, vector<512x1xf32>,
    %and3A_298 = arith.constant 4095 : i32
    %and3A_299 = vector.broadcast %and3A_298 : i32 to vector<512x1xi32>
    %and3A_300 = arith.andi %broadcast_in_dim3A_290, %and3A_299 : vector<512x1xi32>
    %swap3A_301 = arith.constant 0 : index
    %swap3A_302 = arith.constant 9 : index
    %swap3A_303 = vector.load %arg4[%swap3A_301, %swap3A_302] : memref<512x16xi32, #tpu.memory_space<vmem>>, vector<512x1xi32>
    tpu.vector_store %arg4[%swap3A_301, %swap3A_302], %and3A_300 {strides = array<i32>} : memref<512x16xi32, #tpu.memory_space<vmem>>, vector<512x1xi32>,
    %eq3A_304 = vector.broadcast %broadcast_in_dim3A_290 : vector<512x1xi32> to vector<512x64xi32>
    %eq3A_305 = arith.cmpi eq, %select_n3A_287, %eq3A_304 : vector<512x64xi32>
    %eq3A_306 = vector.broadcast %broadcast_in_dim3A_290 : vector<512x1xi32> to vector<512x64xi32>
    %eq3A_307 = arith.cmpi eq, %select_n3A_73, %eq3A_306 : vector<512x64xi32>
    %jit3A_308 = arith.constant 2147483647 : i32
    %broadcast_in_dim3A_309 = vector.broadcast %jit3A_308 : i32 to vector<512x64xi32>
    %select_n3A_310 = arith.select %eq3A_307, %broadcast_in_dim3A_309, %select_n3A_73 : vector<512x64xi1>, vector<512x64xi32>
    %select_n3A_311 = arith.select %eq3A_305, %select_n3A_310, %select_n3A_287 : vector<512x64xi1>, vector<512x64xi32>
    %reduce_min3A_312 = arith.constant dense<2147483647> : vector<512xi32>
    %reduce_min3A_313 = vector.multi_reduction <minsi>, %select_n3A_311, %reduce_min3A_312 [1] : vector<512x64xi32> to vector<512xi32>
    %broadcast_in_dim3A_314 = vector.shape_cast %reduce_min3A_313 : vector<512xi32> to vector<512x1xi32>
    %and3A_315 = arith.constant -4096 : i32
    %and3A_316 = vector.broadcast %and3A_315 : i32 to vector<512x1xi32>
    %and3A_317 = arith.andi %broadcast_in_dim3A_314, %and3A_316 : vector<512x1xi32>
    %bitcast_convert_type3A_318 = tpu.bitcast %and3A_317 : vector<512x1xi32> -> vector<512x1xf32>
    %swap3A_319 = arith.constant 0 : index
    %swap3A_320 = arith.constant 10 : index
    %swap3A_321 = vector.load %arg3[%swap3A_319, %swap3A_320] : memref<512x16xf32, #tpu.memory_space<vmem>>, vector<512x1xf32>
    tpu.vector_store %arg3[%swap3A_319, %swap3A_320], %bitcast_convert_type3A_318 {strides = array<i32>} : memref<512x16xf32, #tpu.memory_space<vmem>>, vector<512x1xf32>,
    %and3A_322 = arith.constant 4095 : i32
    %and3A_323 = vector.broadcast %and3A_322 : i32 to vector<512x1xi32>
    %and3A_324 = arith.andi %broadcast_in_dim3A_314, %and3A_323 : vector<512x1xi32>
    %swap3A_325 = arith.constant 0 : index
    %swap3A_326 = arith.constant 10 : index
    %swap3A_327 = vector.load %arg4[%swap3A_325, %swap3A_326] : memref<512x16xi32, #tpu.memory_space<vmem>>, vector<512x1xi32>
    tpu.vector_store %arg4[%swap3A_325, %swap3A_326], %and3A_324 {strides = array<i32>} : memref<512x16xi32, #tpu.memory_space<vmem>>, vector<512x1xi32>,
    %eq3A_328 = vector.broadcast %broadcast_in_dim3A_314 : vector<512x1xi32> to vector<512x64xi32>
    %eq3A_329 = arith.cmpi eq, %select_n3A_311, %eq3A_328 : vector<512x64xi32>
    %eq3A_330 = vector.broadcast %broadcast_in_dim3A_314 : vector<512x1xi32> to vector<512x64xi32>
    %eq3A_331 = arith.cmpi eq, %select_n3A_73, %eq3A_330 : vector<512x64xi32>
    %jit3A_332 = arith.constant 2147483647 : i32
    %broadcast_in_dim3A_333 = vector.broadcast %jit3A_332 : i32 to vector<512x64xi32>
    %select_n3A_334 = arith.select %eq3A_331, %broadcast_in_dim3A_333, %select_n3A_73 : vector<512x64xi1>, vector<512x64xi32>
    %select_n3A_335 = arith.select %eq3A_329, %select_n3A_334, %select_n3A_311 : vector<512x64xi1>, vector<512x64xi32>
    %reduce_min3A_336 = arith.constant dense<2147483647> : vector<512xi32>
    %reduce_min3A_337 = vector.multi_reduction <minsi>, %select_n3A_335, %reduce_min3A_336 [1] : vector<512x64xi32> to vector<512xi32>
    %broadcast_in_dim3A_338 = vector.shape_cast %reduce_min3A_337 : vector<512xi32> to vector<512x1xi32>
    %and3A_339 = arith.constant -4096 : i32
    %and3A_340 = vector.broadcast %and3A_339 : i32 to vector<512x1xi32>
    %and3A_341 = arith.andi %broadcast_in_dim3A_338, %and3A_340 : vector<512x1xi32>
    %bitcast_convert_type3A_342 = tpu.bitcast %and3A_341 : vector<512x1xi32> -> vector<512x1xf32>
    %swap3A_343 = arith.constant 0 : index
    %swap3A_344 = arith.constant 11 : index
    %swap3A_345 = vector.load %arg3[%swap3A_343, %swap3A_344] : memref<512x16xf32, #tpu.memory_space<vmem>>, vector<512x1xf32>
    tpu.vector_store %arg3[%swap3A_343, %swap3A_344], %bitcast_convert_type3A_342 {strides = array<i32>} : memref<512x16xf32, #tpu.memory_space<vmem>>, vector<512x1xf32>,
    %and3A_346 = arith.constant 4095 : i32
    %and3A_347 = vector.broadcast %and3A_346 : i32 to vector<512x1xi32>
    %and3A_348 = arith.andi %broadcast_in_dim3A_338, %and3A_347 : vector<512x1xi32>
    %swap3A_349 = arith.constant 0 : index
    %swap3A_350 = arith.constant 11 : index
    %swap3A_351 = vector.load %arg4[%swap3A_349, %swap3A_350] : memref<512x16xi32, #tpu.memory_space<vmem>>, vector<512x1xi32>
    tpu.vector_store %arg4[%swap3A_349, %swap3A_350], %and3A_348 {strides = array<i32>} : memref<512x16xi32, #tpu.memory_space<vmem>>, vector<512x1xi32>,
    %eq3A_352 = vector.broadcast %broadcast_in_dim3A_338 : vector<512x1xi32> to vector<512x64xi32>
    %eq3A_353 = arith.cmpi eq, %select_n3A_335, %eq3A_352 : vector<512x64xi32>
    %eq3A_354 = vector.broadcast %broadcast_in_dim3A_338 : vector<512x1xi32> to vector<512x64xi32>
    %eq3A_355 = arith.cmpi eq, %select_n3A_73, %eq3A_354 : vector<512x64xi32>
    %jit3A_356 = arith.constant 2147483647 : i32
    %broadcast_in_dim3A_357 = vector.broadcast %jit3A_356 : i32 to vector<512x64xi32>
    %select_n3A_358 = arith.select %eq3A_355, %broadcast_in_dim3A_357, %select_n3A_73 : vector<512x64xi1>, vector<512x64xi32>
    %select_n3A_359 = arith.select %eq3A_353, %select_n3A_358, %select_n3A_335 : vector<512x64xi1>, vector<512x64xi32>
    %reduce_min3A_360 = arith.constant dense<2147483647> : vector<512xi32>
    %reduce_min3A_361 = vector.multi_reduction <minsi>, %select_n3A_359, %reduce_min3A_360 [1] : vector<512x64xi32> to vector<512xi32>
    %broadcast_in_dim3A_362 = vector.shape_cast %reduce_min3A_361 : vector<512xi32> to vector<512x1xi32>
    %and3A_363 = arith.constant -4096 : i32
    %and3A_364 = vector.broadcast %and3A_363 : i32 to vector<512x1xi32>
    %and3A_365 = arith.andi %broadcast_in_dim3A_362, %and3A_364 : vector<512x1xi32>
    %bitcast_convert_type3A_366 = tpu.bitcast %and3A_365 : vector<512x1xi32> -> vector<512x1xf32>
    %swap3A_367 = arith.constant 0 : index
    %swap3A_368 = arith.constant 12 : index
    %swap3A_369 = vector.load %arg3[%swap3A_367, %swap3A_368] : memref<512x16xf32, #tpu.memory_space<vmem>>, vector<512x1xf32>
    tpu.vector_store %arg3[%swap3A_367, %swap3A_368], %bitcast_convert_type3A_366 {strides = array<i32>} : memref<512x16xf32, #tpu.memory_space<vmem>>, vector<512x1xf32>,
    %and3A_370 = arith.constant 4095 : i32
    %and3A_371 = vector.broadcast %and3A_370 : i32 to vector<512x1xi32>
    %and3A_372 = arith.andi %broadcast_in_dim3A_362, %and3A_371 : vector<512x1xi32>
    %swap3A_373 = arith.constant 0 : index
    %swap3A_374 = arith.constant 12 : index
    %swap3A_375 = vector.load %arg4[%swap3A_373, %swap3A_374] : memref<512x16xi32, #tpu.memory_space<vmem>>, vector<512x1xi32>
    tpu.vector_store %arg4[%swap3A_373, %swap3A_374], %and3A_372 {strides = array<i32>} : memref<512x16xi32, #tpu.memory_space<vmem>>, vector<512x1xi32>,
    %eq3A_376 = vector.broadcast %broadcast_in_dim3A_362 : vector<512x1xi32> to vector<512x64xi32>
    %eq3A_377 = arith.cmpi eq, %select_n3A_359, %eq3A_376 : vector<512x64xi32>
    %eq3A_378 = vector.broadcast %broadcast_in_dim3A_362 : vector<512x1xi32> to vector<512x64xi32>
    %eq3A_379 = arith.cmpi eq, %select_n3A_73, %eq3A_378 : vector<512x64xi32>
    %jit3A_380 = arith.constant 2147483647 : i32
    %broadcast_in_dim3A_381 = vector.broadcast %jit3A_380 : i32 to vector<512x64xi32>
    %select_n3A_382 = arith.select %eq3A_379, %broadcast_in_dim3A_381, %select_n3A_73 : vector<512x64xi1>, vector<512x64xi32>
    %select_n3A_383 = arith.select %eq3A_377, %select_n3A_382, %select_n3A_359 : vector<512x64xi1>, vector<512x64xi32>
    %reduce_min3A_384 = arith.constant dense<2147483647> : vector<512xi32>
    %reduce_min3A_385 = vector.multi_reduction <minsi>, %select_n3A_383, %reduce_min3A_384 [1] : vector<512x64xi32> to vector<512xi32>
    %broadcast_in_dim3A_386 = vector.shape_cast %reduce_min3A_385 : vector<512xi32> to vector<512x1xi32>
    %and3A_387 = arith.constant -4096 : i32
    %and3A_388 = vector.broadcast %and3A_387 : i32 to vector<512x1xi32>
    %and3A_389 = arith.andi %broadcast_in_dim3A_386, %and3A_388 : vector<512x1xi32>
    %bitcast_convert_type3A_390 = tpu.bitcast %and3A_389 : vector<512x1xi32> -> vector<512x1xf32>
    %swap3A_391 = arith.constant 0 : index
    %swap3A_392 = arith.constant 13 : index
    %swap3A_393 = vector.load %arg3[%swap3A_391, %swap3A_392] : memref<512x16xf32, #tpu.memory_space<vmem>>, vector<512x1xf32>
    tpu.vector_store %arg3[%swap3A_391, %swap3A_392], %bitcast_convert_type3A_390 {strides = array<i32>} : memref<512x16xf32, #tpu.memory_space<vmem>>, vector<512x1xf32>,
    %and3A_394 = arith.constant 4095 : i32
    %and3A_395 = vector.broadcast %and3A_394 : i32 to vector<512x1xi32>
    %and3A_396 = arith.andi %broadcast_in_dim3A_386, %and3A_395 : vector<512x1xi32>
    %swap3A_397 = arith.constant 0 : index
    %swap3A_398 = arith.constant 13 : index
    %swap3A_399 = vector.load %arg4[%swap3A_397, %swap3A_398] : memref<512x16xi32, #tpu.memory_space<vmem>>, vector<512x1xi32>
    tpu.vector_store %arg4[%swap3A_397, %swap3A_398], %and3A_396 {strides = array<i32>} : memref<512x16xi32, #tpu.memory_space<vmem>>, vector<512x1xi32>,
    %eq3A_400 = vector.broadcast %broadcast_in_dim3A_386 : vector<512x1xi32> to vector<512x64xi32>
    %eq3A_401 = arith.cmpi eq, %select_n3A_383, %eq3A_400 : vector<512x64xi32>
    %eq3A_402 = vector.broadcast %broadcast_in_dim3A_386 : vector<512x1xi32> to vector<512x64xi32>
    %eq3A_403 = arith.cmpi eq, %select_n3A_73, %eq3A_402 : vector<512x64xi32>
    %jit3A_404 = arith.constant 2147483647 : i32
    %broadcast_in_dim3A_405 = vector.broadcast %jit3A_404 : i32 to vector<512x64xi32>
    %select_n3A_406 = arith.select %eq3A_403, %broadcast_in_dim3A_405, %select_n3A_73 : vector<512x64xi1>, vector<512x64xi32>
    %select_n3A_407 = arith.select %eq3A_401, %select_n3A_406, %select_n3A_383 : vector<512x64xi1>, vector<512x64xi32>
    %reduce_min3A_408 = arith.constant dense<2147483647> : vector<512xi32>
    %reduce_min3A_409 = vector.multi_reduction <minsi>, %select_n3A_407, %reduce_min3A_408 [1] : vector<512x64xi32> to vector<512xi32>
    %broadcast_in_dim3A_410 = vector.shape_cast %reduce_min3A_409 : vector<512xi32> to vector<512x1xi32>
    %and3A_411 = arith.constant -4096 : i32
    %and3A_412 = vector.broadcast %and3A_411 : i32 to vector<512x1xi32>
    %and3A_413 = arith.andi %broadcast_in_dim3A_410, %and3A_412 : vector<512x1xi32>
    %bitcast_convert_type3A_414 = tpu.bitcast %and3A_413 : vector<512x1xi32> -> vector<512x1xf32>
    %swap3A_415 = arith.constant 0 : index
    %swap3A_416 = arith.constant 14 : index
    %swap3A_417 = vector.load %arg3[%swap3A_415, %swap3A_416] : memref<512x16xf32, #tpu.memory_space<vmem>>, vector<512x1xf32>
    tpu.vector_store %arg3[%swap3A_415, %swap3A_416], %bitcast_convert_type3A_414 {strides = array<i32>} : memref<512x16xf32, #tpu.memory_space<vmem>>, vector<512x1xf32>,
    %and3A_418 = arith.constant 4095 : i32
    %and3A_419 = vector.broadcast %and3A_418 : i32 to vector<512x1xi32>
    %and3A_420 = arith.andi %broadcast_in_dim3A_410, %and3A_419 : vector<512x1xi32>
    %swap3A_421 = arith.constant 0 : index
    %swap3A_422 = arith.constant 14 : index
    %swap3A_423 = vector.load %arg4[%swap3A_421, %swap3A_422] : memref<512x16xi32, #tpu.memory_space<vmem>>, vector<512x1xi32>
    tpu.vector_store %arg4[%swap3A_421, %swap3A_422], %and3A_420 {strides = array<i32>} : memref<512x16xi32, #tpu.memory_space<vmem>>, vector<512x1xi32>,
    %eq3A_424 = vector.broadcast %broadcast_in_dim3A_410 : vector<512x1xi32> to vector<512x64xi32>
    %eq3A_425 = arith.cmpi eq, %select_n3A_407, %eq3A_424 : vector<512x64xi32>
    %eq3A_426 = vector.broadcast %broadcast_in_dim3A_410 : vector<512x1xi32> to vector<512x64xi32>
    %eq3A_427 = arith.cmpi eq, %select_n3A_73, %eq3A_426 : vector<512x64xi32>
    %jit3A_428 = arith.constant 2147483647 : i32
    %broadcast_in_dim3A_429 = vector.broadcast %jit3A_428 : i32 to vector<512x64xi32>
    %select_n3A_430 = arith.select %eq3A_427, %broadcast_in_dim3A_429, %select_n3A_73 : vector<512x64xi1>, vector<512x64xi32>
    %select_n3A_431 = arith.select %eq3A_425, %select_n3A_430, %select_n3A_407 : vector<512x64xi1>, vector<512x64xi32>
    %reduce_min3A_432 = arith.constant dense<2147483647> : vector<512xi32>
    %reduce_min3A_433 = vector.multi_reduction <minsi>, %select_n3A_431, %reduce_min3A_432 [1] : vector<512x64xi32> to vector<512xi32>
    %broadcast_in_dim3A_434 = vector.shape_cast %reduce_min3A_433 : vector<512xi32> to vector<512x1xi32>
    %and3A_435 = arith.constant -4096 : i32
    %and3A_436 = vector.broadcast %and3A_435 : i32 to vector<512x1xi32>
    %and3A_437 = arith.andi %broadcast_in_dim3A_434, %and3A_436 : vector<512x1xi32>
    %bitcast_convert_type3A_438 = tpu.bitcast %and3A_437 : vector<512x1xi32> -> vector<512x1xf32>
    %swap3A_439 = arith.constant 0 : index
    %swap3A_440 = arith.constant 15 : index
    %swap3A_441 = vector.load %arg3[%swap3A_439, %swap3A_440] : memref<512x16xf32, #tpu.memory_space<vmem>>, vector<512x1xf32>
    tpu.vector_store %arg3[%swap3A_439, %swap3A_440], %bitcast_convert_type3A_438 {strides = array<i32>} : memref<512x16xf32, #tpu.memory_space<vmem>>, vector<512x1xf32>,
    %and3A_442 = arith.constant 4095 : i32
    %and3A_443 = vector.broadcast %and3A_442 : i32 to vector<512x1xi32>
    %and3A_444 = arith.andi %broadcast_in_dim3A_434, %and3A_443 : vector<512x1xi32>
    %swap3A_445 = arith.constant 0 : index
    %swap3A_446 = arith.constant 15 : index
    %swap3A_447 = vector.load %arg4[%swap3A_445, %swap3A_446] : memref<512x16xi32, #tpu.memory_space<vmem>>, vector<512x1xi32>
    tpu.vector_store %arg4[%swap3A_445, %swap3A_446], %and3A_444 {strides = array<i32>} : memref<512x16xi32, #tpu.memory_space<vmem>>, vector<512x1xi32>,
    return
  }
  func.func @transform_0(%arg0: i32) -> (i32, i32) {
    %c0_i32 = arith.constant 0 : i32
    %c0_i32_0 = arith.constant 0 : i32
    return %arg0, %c0_i32 : i32, i32
  }
  func.func @transform_1(%arg0: i32) -> (i32, i32) {
    %c0_i32 = arith.constant 0 : i32
    %c0_i32_0 = arith.constant 0 : i32
    %c0_i32_1 = arith.constant 0 : i32
    return %c0_i32, %c0_i32_0 : i32, i32
  }
  func.func @transform_2(%arg0: i32) -> (i32, i32) {
    %c0_i32 = arith.constant 0 : i32
    %c0_i32_0 = arith.constant 0 : i32
    return %arg0, %c0_i32 : i32, i32
  }
  func.func @transform_3(%arg0: i32) -> (i32, i32) {
    %c0_i32 = arith.constant 0 : i32
    %c0_i32_0 = arith.constant 0 : i32
    return %arg0, %c0_i32 : i32, i32
  }
}

module attributes {stable_mosaic.version = 14 : i64} {
  func.func @_knn_body(%arg0: i32, %arg1: memref<512x32xf32, #tpu.memory_space<vmem>>, %arg2: memref<32x4096xf32, #tpu.memory_space<vmem>>, %arg3: memref<512x16xf32, #tpu.memory_space<vmem>>, %arg4: memref<512x16xi32, #tpu.memory_space<vmem>>) attributes {dimension_semantics = [#tpu.dimension_semantics<arbitrary>], iteration_bounds = array<i64: 4>, scalar_prefetch = 0 : i64, scratch_operands = 0 : i64, tpu.core_type = #tpu.core_type<tc>, window_params = [{transform_indices = @transform_0, window_bounds = array<i64: 512, 32>}, {pipeline_mode = #tpu.pipeline_mode<synchronous>, transform_indices = @transform_1, window_bounds = array<i64: 32, 4096>}, {transform_indices = @transform_2, window_bounds = array<i64: 512, 16>}, {transform_indices = @transform_3, window_bounds = array<i64: 512, 16>}]} {
    %get3A = arith.constant 0 : index
    %get3A_0 = arith.constant 0 : index
    %get3A_1 = vector.load %arg1[%get3A, %get3A_0] : memref<512x32xf32, #tpu.memory_space<vmem>>, vector<512x32xf32>
    %get3A_2 = arith.constant 0 : index
    %get3A_3 = arith.constant 0 : index
    %get3A_4 = vector.load %arg2[%get3A_2, %get3A_3] : memref<32x4096xf32, #tpu.memory_space<vmem>>, vector<32x4096xf32>
    %mul3A = arith.mulf %get3A_1, %get3A_1 : vector<512x32xf32>
    %reduce_sum3A = arith.constant dense<0.000000e+00> : vector<512xf32>
    %reduce_sum3A_5 = vector.multi_reduction <add>, %mul3A, %reduce_sum3A [1] : vector<512x32xf32> to vector<512xf32>
    %broadcast_in_dim3A = vector.shape_cast %reduce_sum3A_5 : vector<512xf32> to vector<512x1xf32>
    %mul3A_6 = arith.mulf %get3A_4, %get3A_4 : vector<32x4096xf32>
    %reduce_sum3A_7 = arith.constant dense<0.000000e+00> : vector<4096xf32>
    %reduce_sum3A_8 = vector.multi_reduction <add>, %mul3A_6, %reduce_sum3A_7 [0] : vector<32x4096xf32> to vector<4096xf32>
    %broadcast_in_dim3A_9 = vector.shape_cast %reduce_sum3A_8 : vector<4096xf32> to vector<1x4096xf32>
    %dot_general3A = arith.constant dense<0.000000e+00> : vector<512x4096xf32>
    %dot_general3A_10 = tpu.matmul %get3A_1, %get3A_4, %dot_general3A {dimension_numbers = #tpu.dot_dimension_numbers<[1], [0], [0], [1], [0, 0, 1, 1], [], []>, transpose_lhs_hint = false} : vector<512x32xf32>, vector<32x4096xf32>, vector<512x4096xf32> -> vector<512x4096xf32>
    %add3A = vector.broadcast %broadcast_in_dim3A : vector<512x1xf32> to vector<512x4096xf32>
    %add3A_11 = vector.broadcast %broadcast_in_dim3A_9 : vector<1x4096xf32> to vector<512x4096xf32>
    %add3A_12 = arith.addf %add3A, %add3A_11 : vector<512x4096xf32>
    %mul3A_13 = arith.constant 2.000000e+00 : f32
    %mul3A_14 = vector.broadcast %mul3A_13 : f32 to vector<512x4096xf32>
    %mul3A_15 = arith.mulf %mul3A_14, %dot_general3A_10 : vector<512x4096xf32>
    %sub3A = arith.subf %add3A_12, %mul3A_15 : vector<512x4096xf32>
    %max3A = arith.constant 0.000000e+00 : f32
    %max3A_16 = vector.broadcast %max3A : f32 to vector<512x4096xf32>
    %max3A_17 = arith.maximumf %sub3A, %max3A_16 : vector<512x4096xf32>
    %iota3A = tpu.iota {dimensions = array<i32: 1>} : vector<512x4096xi32>
    %mul3A_18 = arith.constant 512 : i32
    %mul3A_19 = arith.muli %arg0, %mul3A_18 : i32
    %add3A_20 = arith.constant 0 : i32
    %add3A_21 = arith.addi %add3A_20, %mul3A_19 : i32
    %iota3A_22 = tpu.iota {dimensions = array<i32: 0>} : vector<512x4096xi32>
    %add3A_23 = vector.broadcast %add3A_21 : i32 to vector<512x4096xi32>
    %add3A_24 = arith.addi %add3A_23, %iota3A_22 : vector<512x4096xi32>
    %bitcast_convert_type3A = tpu.bitcast %max3A_17 : vector<512x4096xf32> -> vector<512x4096xi32>
    %and3A = arith.constant -4096 : i32
    %and3A_25 = vector.broadcast %and3A : i32 to vector<512x4096xi32>
    %and3A_26 = arith.andi %bitcast_convert_type3A, %and3A_25 : vector<512x4096xi32>
    %or3A = arith.ori %and3A_26, %iota3A : vector<512x4096xi32>
    %eq3A = arith.cmpi eq, %iota3A, %add3A_24 : vector<512x4096xi32>
    %jit3A = arith.constant 2147483647 : i32
    %broadcast_in_dim3A_27 = vector.broadcast %jit3A : i32 to vector<512x4096xi32>
    %select_n3A = arith.select %eq3A, %broadcast_in_dim3A_27, %or3A : vector<512x4096xi1>, vector<512x4096xi32>
    %slice3A = vector.extract_strided_slice %select_n3A {offsets = [0, 0], sizes = [512, 1024], strides = [1, 1]} : vector<512x4096xi32> to vector<512x1024xi32>
    %slice3A_28 = vector.extract_strided_slice %select_n3A {offsets = [0, 1024], sizes = [512, 1024], strides = [1, 1]} : vector<512x4096xi32> to vector<512x1024xi32>
    %slice3A_29 = vector.extract_strided_slice %select_n3A {offsets = [0, 2048], sizes = [512, 1024], strides = [1, 1]} : vector<512x4096xi32> to vector<512x1024xi32>
    %slice3A_30 = vector.extract_strided_slice %select_n3A {offsets = [0, 3072], sizes = [512, 1024], strides = [1, 1]} : vector<512x4096xi32> to vector<512x1024xi32>
    %min3A = arith.minsi %slice3A, %slice3A_28 : vector<512x1024xi32>
    %max3A_31 = arith.maxsi %slice3A, %slice3A_28 : vector<512x1024xi32>
    %min3A_32 = arith.minsi %slice3A_29, %slice3A_30 : vector<512x1024xi32>
    %max3A_33 = arith.maxsi %slice3A_29, %slice3A_30 : vector<512x1024xi32>
    %min3A_34 = arith.minsi %min3A, %min3A_32 : vector<512x1024xi32>
    %lt3A = arith.cmpi slt, %min3A, %min3A_32 : vector<512x1024xi32>
    %min3A_35 = arith.minsi %min3A_32, %max3A_31 : vector<512x1024xi32>
    %min3A_36 = arith.minsi %min3A, %max3A_33 : vector<512x1024xi32>
    %select_n3A_37 = arith.select %lt3A, %min3A_35, %min3A_36 : vector<512x1024xi1>, vector<512x1024xi32>
    %slice3A_38 = vector.extract_strided_slice %min3A_34 {offsets = [0, 0], sizes = [512, 512], strides = [1, 1]} : vector<512x1024xi32> to vector<512x512xi32>
    %slice3A_39 = vector.extract_strided_slice %min3A_34 {offsets = [0, 512], sizes = [512, 512], strides = [1, 1]} : vector<512x1024xi32> to vector<512x512xi32>
    %slice3A_40 = vector.extract_strided_slice %select_n3A_37 {offsets = [0, 0], sizes = [512, 512], strides = [1, 1]} : vector<512x1024xi32> to vector<512x512xi32>
    %slice3A_41 = vector.extract_strided_slice %select_n3A_37 {offsets = [0, 512], sizes = [512, 512], strides = [1, 1]} : vector<512x1024xi32> to vector<512x512xi32>
    %min3A_42 = arith.minsi %slice3A_38, %slice3A_39 : vector<512x512xi32>
    %lt3A_43 = arith.cmpi slt, %slice3A_38, %slice3A_39 : vector<512x512xi32>
    %min3A_44 = arith.minsi %slice3A_39, %slice3A_40 : vector<512x512xi32>
    %min3A_45 = arith.minsi %slice3A_38, %slice3A_41 : vector<512x512xi32>
    %select_n3A_46 = arith.select %lt3A_43, %min3A_44, %min3A_45 : vector<512x512xi1>, vector<512x512xi32>
    %slice3A_47 = vector.extract_strided_slice %min3A_42 {offsets = [0, 0], sizes = [512, 256], strides = [1, 1]} : vector<512x512xi32> to vector<512x256xi32>
    %slice3A_48 = vector.extract_strided_slice %min3A_42 {offsets = [0, 256], sizes = [512, 256], strides = [1, 1]} : vector<512x512xi32> to vector<512x256xi32>
    %slice3A_49 = vector.extract_strided_slice %select_n3A_46 {offsets = [0, 0], sizes = [512, 256], strides = [1, 1]} : vector<512x512xi32> to vector<512x256xi32>
    %slice3A_50 = vector.extract_strided_slice %select_n3A_46 {offsets = [0, 256], sizes = [512, 256], strides = [1, 1]} : vector<512x512xi32> to vector<512x256xi32>
    %min3A_51 = arith.minsi %slice3A_47, %slice3A_48 : vector<512x256xi32>
    %lt3A_52 = arith.cmpi slt, %slice3A_47, %slice3A_48 : vector<512x256xi32>
    %min3A_53 = arith.minsi %slice3A_48, %slice3A_49 : vector<512x256xi32>
    %min3A_54 = arith.minsi %slice3A_47, %slice3A_50 : vector<512x256xi32>
    %select_n3A_55 = arith.select %lt3A_52, %min3A_53, %min3A_54 : vector<512x256xi1>, vector<512x256xi32>
    %slice3A_56 = vector.extract_strided_slice %min3A_51 {offsets = [0, 0], sizes = [512, 128], strides = [1, 1]} : vector<512x256xi32> to vector<512x128xi32>
    %slice3A_57 = vector.extract_strided_slice %min3A_51 {offsets = [0, 128], sizes = [512, 128], strides = [1, 1]} : vector<512x256xi32> to vector<512x128xi32>
    %slice3A_58 = vector.extract_strided_slice %select_n3A_55 {offsets = [0, 0], sizes = [512, 128], strides = [1, 1]} : vector<512x256xi32> to vector<512x128xi32>
    %slice3A_59 = vector.extract_strided_slice %select_n3A_55 {offsets = [0, 128], sizes = [512, 128], strides = [1, 1]} : vector<512x256xi32> to vector<512x128xi32>
    %min3A_60 = arith.minsi %slice3A_56, %slice3A_57 : vector<512x128xi32>
    %lt3A_61 = arith.cmpi slt, %slice3A_56, %slice3A_57 : vector<512x128xi32>
    %min3A_62 = arith.minsi %slice3A_57, %slice3A_58 : vector<512x128xi32>
    %min3A_63 = arith.minsi %slice3A_56, %slice3A_59 : vector<512x128xi32>
    %select_n3A_64 = arith.select %lt3A_61, %min3A_62, %min3A_63 : vector<512x128xi1>, vector<512x128xi32>
    %slice3A_65 = vector.extract_strided_slice %min3A_60 {offsets = [0, 0], sizes = [512, 64], strides = [1, 1]} : vector<512x128xi32> to vector<512x64xi32>
    %slice3A_66 = vector.extract_strided_slice %min3A_60 {offsets = [0, 64], sizes = [512, 64], strides = [1, 1]} : vector<512x128xi32> to vector<512x64xi32>
    %slice3A_67 = vector.extract_strided_slice %select_n3A_64 {offsets = [0, 0], sizes = [512, 64], strides = [1, 1]} : vector<512x128xi32> to vector<512x64xi32>
    %slice3A_68 = vector.extract_strided_slice %select_n3A_64 {offsets = [0, 64], sizes = [512, 64], strides = [1, 1]} : vector<512x128xi32> to vector<512x64xi32>
    %min3A_69 = arith.minsi %slice3A_65, %slice3A_66 : vector<512x64xi32>
    %lt3A_70 = arith.cmpi slt, %slice3A_65, %slice3A_66 : vector<512x64xi32>
    %min3A_71 = arith.minsi %slice3A_66, %slice3A_67 : vector<512x64xi32>
    %min3A_72 = arith.minsi %slice3A_65, %slice3A_68 : vector<512x64xi32>
    %select_n3A_73 = arith.select %lt3A_70, %min3A_71, %min3A_72 : vector<512x64xi1>, vector<512x64xi32>
    %reduce_min3A = arith.constant dense<2147483647> : vector<512xi32>
    %reduce_min3A_74 = vector.multi_reduction <minsi>, %min3A_69, %reduce_min3A [1] : vector<512x64xi32> to vector<512xi32>
    %broadcast_in_dim3A_75 = vector.shape_cast %reduce_min3A_74 : vector<512xi32> to vector<512x1xi32>
    %and3A_76 = arith.constant -4096 : i32
    %and3A_77 = vector.broadcast %and3A_76 : i32 to vector<512x1xi32>
    %and3A_78 = arith.andi %broadcast_in_dim3A_75, %and3A_77 : vector<512x1xi32>
    %bitcast_convert_type3A_79 = tpu.bitcast %and3A_78 : vector<512x1xi32> -> vector<512x1xf32>
    %swap3A = arith.constant 0 : index
    %swap3A_80 = arith.constant 0 : index
    %swap3A_81 = vector.load %arg3[%swap3A, %swap3A_80] : memref<512x16xf32, #tpu.memory_space<vmem>>, vector<512x1xf32>
    tpu.vector_store %arg3[%swap3A, %swap3A_80], %bitcast_convert_type3A_79 {strides = array<i32>} : memref<512x16xf32, #tpu.memory_space<vmem>>, vector<512x1xf32>,
    %and3A_82 = arith.constant 4095 : i32
    %and3A_83 = vector.broadcast %and3A_82 : i32 to vector<512x1xi32>
    %and3A_84 = arith.andi %broadcast_in_dim3A_75, %and3A_83 : vector<512x1xi32>
    %swap3A_85 = arith.constant 0 : index
    %swap3A_86 = arith.constant 0 : index
    %swap3A_87 = vector.load %arg4[%swap3A_85, %swap3A_86] : memref<512x16xi32, #tpu.memory_space<vmem>>, vector<512x1xi32>
    tpu.vector_store %arg4[%swap3A_85, %swap3A_86], %and3A_84 {strides = array<i32>} : memref<512x16xi32, #tpu.memory_space<vmem>>, vector<512x1xi32>,
    %eq3A_88 = vector.broadcast %broadcast_in_dim3A_75 : vector<512x1xi32> to vector<512x64xi32>
    %eq3A_89 = arith.cmpi eq, %min3A_69, %eq3A_88 : vector<512x64xi32>
    %eq3A_90 = vector.broadcast %broadcast_in_dim3A_75 : vector<512x1xi32> to vector<512x64xi32>
    %eq3A_91 = arith.cmpi eq, %select_n3A_73, %eq3A_90 : vector<512x64xi32>
    %jit3A_92 = arith.constant 2147483647 : i32
    %broadcast_in_dim3A_93 = vector.broadcast %jit3A_92 : i32 to vector<512x64xi32>
    %select_n3A_94 = arith.select %eq3A_91, %broadcast_in_dim3A_93, %select_n3A_73 : vector<512x64xi1>, vector<512x64xi32>
    %select_n3A_95 = arith.select %eq3A_89, %select_n3A_94, %min3A_69 : vector<512x64xi1>, vector<512x64xi32>
    %reduce_min3A_96 = arith.constant dense<2147483647> : vector<512xi32>
    %reduce_min3A_97 = vector.multi_reduction <minsi>, %select_n3A_95, %reduce_min3A_96 [1] : vector<512x64xi32> to vector<512xi32>
    %broadcast_in_dim3A_98 = vector.shape_cast %reduce_min3A_97 : vector<512xi32> to vector<512x1xi32>
    %and3A_99 = arith.constant -4096 : i32
    %and3A_100 = vector.broadcast %and3A_99 : i32 to vector<512x1xi32>
    %and3A_101 = arith.andi %broadcast_in_dim3A_98, %and3A_100 : vector<512x1xi32>
    %bitcast_convert_type3A_102 = tpu.bitcast %and3A_101 : vector<512x1xi32> -> vector<512x1xf32>
    %swap3A_103 = arith.constant 0 : index
    %swap3A_104 = arith.constant 1 : index
    %swap3A_105 = vector.load %arg3[%swap3A_103, %swap3A_104] : memref<512x16xf32, #tpu.memory_space<vmem>>, vector<512x1xf32>
    tpu.vector_store %arg3[%swap3A_103, %swap3A_104], %bitcast_convert_type3A_102 {strides = array<i32>} : memref<512x16xf32, #tpu.memory_space<vmem>>, vector<512x1xf32>,
    %and3A_106 = arith.constant 4095 : i32
    %and3A_107 = vector.broadcast %and3A_106 : i32 to vector<512x1xi32>
    %and3A_108 = arith.andi %broadcast_in_dim3A_98, %and3A_107 : vector<512x1xi32>
    %swap3A_109 = arith.constant 0 : index
    %swap3A_110 = arith.constant 1 : index
    %swap3A_111 = vector.load %arg4[%swap3A_109, %swap3A_110] : memref<512x16xi32, #tpu.memory_space<vmem>>, vector<512x1xi32>
    tpu.vector_store %arg4[%swap3A_109, %swap3A_110], %and3A_108 {strides = array<i32>} : memref<512x16xi32, #tpu.memory_space<vmem>>, vector<512x1xi32>,
    %eq3A_112 = vector.broadcast %broadcast_in_dim3A_98 : vector<512x1xi32> to vector<512x64xi32>
    %eq3A_113 = arith.cmpi eq, %select_n3A_95, %eq3A_112 : vector<512x64xi32>
    %eq3A_114 = vector.broadcast %broadcast_in_dim3A_98 : vector<512x1xi32> to vector<512x64xi32>
    %eq3A_115 = arith.cmpi eq, %select_n3A_73, %eq3A_114 : vector<512x64xi32>
    %jit3A_116 = arith.constant 2147483647 : i32
    %broadcast_in_dim3A_117 = vector.broadcast %jit3A_116 : i32 to vector<512x64xi32>
    %select_n3A_118 = arith.select %eq3A_115, %broadcast_in_dim3A_117, %select_n3A_73 : vector<512x64xi1>, vector<512x64xi32>
    %select_n3A_119 = arith.select %eq3A_113, %select_n3A_118, %select_n3A_95 : vector<512x64xi1>, vector<512x64xi32>
    %reduce_min3A_120 = arith.constant dense<2147483647> : vector<512xi32>
    %reduce_min3A_121 = vector.multi_reduction <minsi>, %select_n3A_119, %reduce_min3A_120 [1] : vector<512x64xi32> to vector<512xi32>
    %broadcast_in_dim3A_122 = vector.shape_cast %reduce_min3A_121 : vector<512xi32> to vector<512x1xi32>
    %and3A_123 = arith.constant -4096 : i32
    %and3A_124 = vector.broadcast %and3A_123 : i32 to vector<512x1xi32>
    %and3A_125 = arith.andi %broadcast_in_dim3A_122, %and3A_124 : vector<512x1xi32>
    %bitcast_convert_type3A_126 = tpu.bitcast %and3A_125 : vector<512x1xi32> -> vector<512x1xf32>
    %swap3A_127 = arith.constant 0 : index
    %swap3A_128 = arith.constant 2 : index
    %swap3A_129 = vector.load %arg3[%swap3A_127, %swap3A_128] : memref<512x16xf32, #tpu.memory_space<vmem>>, vector<512x1xf32>
    tpu.vector_store %arg3[%swap3A_127, %swap3A_128], %bitcast_convert_type3A_126 {strides = array<i32>} : memref<512x16xf32, #tpu.memory_space<vmem>>, vector<512x1xf32>,
    %and3A_130 = arith.constant 4095 : i32
    %and3A_131 = vector.broadcast %and3A_130 : i32 to vector<512x1xi32>
    %and3A_132 = arith.andi %broadcast_in_dim3A_122, %and3A_131 : vector<512x1xi32>
    %swap3A_133 = arith.constant 0 : index
    %swap3A_134 = arith.constant 2 : index
    %swap3A_135 = vector.load %arg4[%swap3A_133, %swap3A_134] : memref<512x16xi32, #tpu.memory_space<vmem>>, vector<512x1xi32>
    tpu.vector_store %arg4[%swap3A_133, %swap3A_134], %and3A_132 {strides = array<i32>} : memref<512x16xi32, #tpu.memory_space<vmem>>, vector<512x1xi32>,
    %eq3A_136 = vector.broadcast %broadcast_in_dim3A_122 : vector<512x1xi32> to vector<512x64xi32>
    %eq3A_137 = arith.cmpi eq, %select_n3A_119, %eq3A_136 : vector<512x64xi32>
    %eq3A_138 = vector.broadcast %broadcast_in_dim3A_122 : vector<512x1xi32> to vector<512x64xi32>
    %eq3A_139 = arith.cmpi eq, %select_n3A_73, %eq3A_138 : vector<512x64xi32>
    %jit3A_140 = arith.constant 2147483647 : i32
    %broadcast_in_dim3A_141 = vector.broadcast %jit3A_140 : i32 to vector<512x64xi32>
    %select_n3A_142 = arith.select %eq3A_139, %broadcast_in_dim3A_141, %select_n3A_73 : vector<512x64xi1>, vector<512x64xi32>
    %select_n3A_143 = arith.select %eq3A_137, %select_n3A_142, %select_n3A_119 : vector<512x64xi1>, vector<512x64xi32>
    %reduce_min3A_144 = arith.constant dense<2147483647> : vector<512xi32>
    %reduce_min3A_145 = vector.multi_reduction <minsi>, %select_n3A_143, %reduce_min3A_144 [1] : vector<512x64xi32> to vector<512xi32>
    %broadcast_in_dim3A_146 = vector.shape_cast %reduce_min3A_145 : vector<512xi32> to vector<512x1xi32>
    %and3A_147 = arith.constant -4096 : i32
    %and3A_148 = vector.broadcast %and3A_147 : i32 to vector<512x1xi32>
    %and3A_149 = arith.andi %broadcast_in_dim3A_146, %and3A_148 : vector<512x1xi32>
    %bitcast_convert_type3A_150 = tpu.bitcast %and3A_149 : vector<512x1xi32> -> vector<512x1xf32>
    %swap3A_151 = arith.constant 0 : index
    %swap3A_152 = arith.constant 3 : index
    %swap3A_153 = vector.load %arg3[%swap3A_151, %swap3A_152] : memref<512x16xf32, #tpu.memory_space<vmem>>, vector<512x1xf32>
    tpu.vector_store %arg3[%swap3A_151, %swap3A_152], %bitcast_convert_type3A_150 {strides = array<i32>} : memref<512x16xf32, #tpu.memory_space<vmem>>, vector<512x1xf32>,
    %and3A_154 = arith.constant 4095 : i32
    %and3A_155 = vector.broadcast %and3A_154 : i32 to vector<512x1xi32>
    %and3A_156 = arith.andi %broadcast_in_dim3A_146, %and3A_155 : vector<512x1xi32>
    %swap3A_157 = arith.constant 0 : index
    %swap3A_158 = arith.constant 3 : index
    %swap3A_159 = vector.load %arg4[%swap3A_157, %swap3A_158] : memref<512x16xi32, #tpu.memory_space<vmem>>, vector<512x1xi32>
    tpu.vector_store %arg4[%swap3A_157, %swap3A_158], %and3A_156 {strides = array<i32>} : memref<512x16xi32, #tpu.memory_space<vmem>>, vector<512x1xi32>,
    %eq3A_160 = vector.broadcast %broadcast_in_dim3A_146 : vector<512x1xi32> to vector<512x64xi32>
    %eq3A_161 = arith.cmpi eq, %select_n3A_143, %eq3A_160 : vector<512x64xi32>
    %eq3A_162 = vector.broadcast %broadcast_in_dim3A_146 : vector<512x1xi32> to vector<512x64xi32>
    %eq3A_163 = arith.cmpi eq, %select_n3A_73, %eq3A_162 : vector<512x64xi32>
    %jit3A_164 = arith.constant 2147483647 : i32
    %broadcast_in_dim3A_165 = vector.broadcast %jit3A_164 : i32 to vector<512x64xi32>
    %select_n3A_166 = arith.select %eq3A_163, %broadcast_in_dim3A_165, %select_n3A_73 : vector<512x64xi1>, vector<512x64xi32>
    %select_n3A_167 = arith.select %eq3A_161, %select_n3A_166, %select_n3A_143 : vector<512x64xi1>, vector<512x64xi32>
    %reduce_min3A_168 = arith.constant dense<2147483647> : vector<512xi32>
    %reduce_min3A_169 = vector.multi_reduction <minsi>, %select_n3A_167, %reduce_min3A_168 [1] : vector<512x64xi32> to vector<512xi32>
    %broadcast_in_dim3A_170 = vector.shape_cast %reduce_min3A_169 : vector<512xi32> to vector<512x1xi32>
    %and3A_171 = arith.constant -4096 : i32
    %and3A_172 = vector.broadcast %and3A_171 : i32 to vector<512x1xi32>
    %and3A_173 = arith.andi %broadcast_in_dim3A_170, %and3A_172 : vector<512x1xi32>
    %bitcast_convert_type3A_174 = tpu.bitcast %and3A_173 : vector<512x1xi32> -> vector<512x1xf32>
    %swap3A_175 = arith.constant 0 : index
    %swap3A_176 = arith.constant 4 : index
    %swap3A_177 = vector.load %arg3[%swap3A_175, %swap3A_176] : memref<512x16xf32, #tpu.memory_space<vmem>>, vector<512x1xf32>
    tpu.vector_store %arg3[%swap3A_175, %swap3A_176], %bitcast_convert_type3A_174 {strides = array<i32>} : memref<512x16xf32, #tpu.memory_space<vmem>>, vector<512x1xf32>,
    %and3A_178 = arith.constant 4095 : i32
    %and3A_179 = vector.broadcast %and3A_178 : i32 to vector<512x1xi32>
    %and3A_180 = arith.andi %broadcast_in_dim3A_170, %and3A_179 : vector<512x1xi32>
    %swap3A_181 = arith.constant 0 : index
    %swap3A_182 = arith.constant 4 : index
    %swap3A_183 = vector.load %arg4[%swap3A_181, %swap3A_182] : memref<512x16xi32, #tpu.memory_space<vmem>>, vector<512x1xi32>
    tpu.vector_store %arg4[%swap3A_181, %swap3A_182], %and3A_180 {strides = array<i32>} : memref<512x16xi32, #tpu.memory_space<vmem>>, vector<512x1xi32>,
    %eq3A_184 = vector.broadcast %broadcast_in_dim3A_170 : vector<512x1xi32> to vector<512x64xi32>
    %eq3A_185 = arith.cmpi eq, %select_n3A_167, %eq3A_184 : vector<512x64xi32>
    %eq3A_186 = vector.broadcast %broadcast_in_dim3A_170 : vector<512x1xi32> to vector<512x64xi32>
    %eq3A_187 = arith.cmpi eq, %select_n3A_73, %eq3A_186 : vector<512x64xi32>
    %jit3A_188 = arith.constant 2147483647 : i32
    %broadcast_in_dim3A_189 = vector.broadcast %jit3A_188 : i32 to vector<512x64xi32>
    %select_n3A_190 = arith.select %eq3A_187, %broadcast_in_dim3A_189, %select_n3A_73 : vector<512x64xi1>, vector<512x64xi32>
    %select_n3A_191 = arith.select %eq3A_185, %select_n3A_190, %select_n3A_167 : vector<512x64xi1>, vector<512x64xi32>
    %reduce_min3A_192 = arith.constant dense<2147483647> : vector<512xi32>
    %reduce_min3A_193 = vector.multi_reduction <minsi>, %select_n3A_191, %reduce_min3A_192 [1] : vector<512x64xi32> to vector<512xi32>
    %broadcast_in_dim3A_194 = vector.shape_cast %reduce_min3A_193 : vector<512xi32> to vector<512x1xi32>
    %and3A_195 = arith.constant -4096 : i32
    %and3A_196 = vector.broadcast %and3A_195 : i32 to vector<512x1xi32>
    %and3A_197 = arith.andi %broadcast_in_dim3A_194, %and3A_196 : vector<512x1xi32>
    %bitcast_convert_type3A_198 = tpu.bitcast %and3A_197 : vector<512x1xi32> -> vector<512x1xf32>
    %swap3A_199 = arith.constant 0 : index
    %swap3A_200 = arith.constant 5 : index
    %swap3A_201 = vector.load %arg3[%swap3A_199, %swap3A_200] : memref<512x16xf32, #tpu.memory_space<vmem>>, vector<512x1xf32>
    tpu.vector_store %arg3[%swap3A_199, %swap3A_200], %bitcast_convert_type3A_198 {strides = array<i32>} : memref<512x16xf32, #tpu.memory_space<vmem>>, vector<512x1xf32>,
    %and3A_202 = arith.constant 4095 : i32
    %and3A_203 = vector.broadcast %and3A_202 : i32 to vector<512x1xi32>
    %and3A_204 = arith.andi %broadcast_in_dim3A_194, %and3A_203 : vector<512x1xi32>
    %swap3A_205 = arith.constant 0 : index
    %swap3A_206 = arith.constant 5 : index
    %swap3A_207 = vector.load %arg4[%swap3A_205, %swap3A_206] : memref<512x16xi32, #tpu.memory_space<vmem>>, vector<512x1xi32>
    tpu.vector_store %arg4[%swap3A_205, %swap3A_206], %and3A_204 {strides = array<i32>} : memref<512x16xi32, #tpu.memory_space<vmem>>, vector<512x1xi32>,
    %eq3A_208 = vector.broadcast %broadcast_in_dim3A_194 : vector<512x1xi32> to vector<512x64xi32>
    %eq3A_209 = arith.cmpi eq, %select_n3A_191, %eq3A_208 : vector<512x64xi32>
    %eq3A_210 = vector.broadcast %broadcast_in_dim3A_194 : vector<512x1xi32> to vector<512x64xi32>
    %eq3A_211 = arith.cmpi eq, %select_n3A_73, %eq3A_210 : vector<512x64xi32>
    %jit3A_212 = arith.constant 2147483647 : i32
    %broadcast_in_dim3A_213 = vector.broadcast %jit3A_212 : i32 to vector<512x64xi32>
    %select_n3A_214 = arith.select %eq3A_211, %broadcast_in_dim3A_213, %select_n3A_73 : vector<512x64xi1>, vector<512x64xi32>
    %select_n3A_215 = arith.select %eq3A_209, %select_n3A_214, %select_n3A_191 : vector<512x64xi1>, vector<512x64xi32>
    %reduce_min3A_216 = arith.constant dense<2147483647> : vector<512xi32>
    %reduce_min3A_217 = vector.multi_reduction <minsi>, %select_n3A_215, %reduce_min3A_216 [1] : vector<512x64xi32> to vector<512xi32>
    %broadcast_in_dim3A_218 = vector.shape_cast %reduce_min3A_217 : vector<512xi32> to vector<512x1xi32>
    %and3A_219 = arith.constant -4096 : i32
    %and3A_220 = vector.broadcast %and3A_219 : i32 to vector<512x1xi32>
    %and3A_221 = arith.andi %broadcast_in_dim3A_218, %and3A_220 : vector<512x1xi32>
    %bitcast_convert_type3A_222 = tpu.bitcast %and3A_221 : vector<512x1xi32> -> vector<512x1xf32>
    %swap3A_223 = arith.constant 0 : index
    %swap3A_224 = arith.constant 6 : index
    %swap3A_225 = vector.load %arg3[%swap3A_223, %swap3A_224] : memref<512x16xf32, #tpu.memory_space<vmem>>, vector<512x1xf32>
    tpu.vector_store %arg3[%swap3A_223, %swap3A_224], %bitcast_convert_type3A_222 {strides = array<i32>} : memref<512x16xf32, #tpu.memory_space<vmem>>, vector<512x1xf32>,
    %and3A_226 = arith.constant 4095 : i32
    %and3A_227 = vector.broadcast %and3A_226 : i32 to vector<512x1xi32>
    %and3A_228 = arith.andi %broadcast_in_dim3A_218, %and3A_227 : vector<512x1xi32>
    %swap3A_229 = arith.constant 0 : index
    %swap3A_230 = arith.constant 6 : index
    %swap3A_231 = vector.load %arg4[%swap3A_229, %swap3A_230] : memref<512x16xi32, #tpu.memory_space<vmem>>, vector<512x1xi32>
    tpu.vector_store %arg4[%swap3A_229, %swap3A_230], %and3A_228 {strides = array<i32>} : memref<512x16xi32, #tpu.memory_space<vmem>>, vector<512x1xi32>,
    %eq3A_232 = vector.broadcast %broadcast_in_dim3A_218 : vector<512x1xi32> to vector<512x64xi32>
    %eq3A_233 = arith.cmpi eq, %select_n3A_215, %eq3A_232 : vector<512x64xi32>
    %eq3A_234 = vector.broadcast %broadcast_in_dim3A_218 : vector<512x1xi32> to vector<512x64xi32>
    %eq3A_235 = arith.cmpi eq, %select_n3A_73, %eq3A_234 : vector<512x64xi32>
    %jit3A_236 = arith.constant 2147483647 : i32
    %broadcast_in_dim3A_237 = vector.broadcast %jit3A_236 : i32 to vector<512x64xi32>
    %select_n3A_238 = arith.select %eq3A_235, %broadcast_in_dim3A_237, %select_n3A_73 : vector<512x64xi1>, vector<512x64xi32>
    %select_n3A_239 = arith.select %eq3A_233, %select_n3A_238, %select_n3A_215 : vector<512x64xi1>, vector<512x64xi32>
    %reduce_min3A_240 = arith.constant dense<2147483647> : vector<512xi32>
    %reduce_min3A_241 = vector.multi_reduction <minsi>, %select_n3A_239, %reduce_min3A_240 [1] : vector<512x64xi32> to vector<512xi32>
    %broadcast_in_dim3A_242 = vector.shape_cast %reduce_min3A_241 : vector<512xi32> to vector<512x1xi32>
    %and3A_243 = arith.constant -4096 : i32
    %and3A_244 = vector.broadcast %and3A_243 : i32 to vector<512x1xi32>
    %and3A_245 = arith.andi %broadcast_in_dim3A_242, %and3A_244 : vector<512x1xi32>
    %bitcast_convert_type3A_246 = tpu.bitcast %and3A_245 : vector<512x1xi32> -> vector<512x1xf32>
    %swap3A_247 = arith.constant 0 : index
    %swap3A_248 = arith.constant 7 : index
    %swap3A_249 = vector.load %arg3[%swap3A_247, %swap3A_248] : memref<512x16xf32, #tpu.memory_space<vmem>>, vector<512x1xf32>
    tpu.vector_store %arg3[%swap3A_247, %swap3A_248], %bitcast_convert_type3A_246 {strides = array<i32>} : memref<512x16xf32, #tpu.memory_space<vmem>>, vector<512x1xf32>,
    %and3A_250 = arith.constant 4095 : i32
    %and3A_251 = vector.broadcast %and3A_250 : i32 to vector<512x1xi32>
    %and3A_252 = arith.andi %broadcast_in_dim3A_242, %and3A_251 : vector<512x1xi32>
    %swap3A_253 = arith.constant 0 : index
    %swap3A_254 = arith.constant 7 : index
    %swap3A_255 = vector.load %arg4[%swap3A_253, %swap3A_254] : memref<512x16xi32, #tpu.memory_space<vmem>>, vector<512x1xi32>
    tpu.vector_store %arg4[%swap3A_253, %swap3A_254], %and3A_252 {strides = array<i32>} : memref<512x16xi32, #tpu.memory_space<vmem>>, vector<512x1xi32>,
    %eq3A_256 = vector.broadcast %broadcast_in_dim3A_242 : vector<512x1xi32> to vector<512x64xi32>
    %eq3A_257 = arith.cmpi eq, %select_n3A_239, %eq3A_256 : vector<512x64xi32>
    %eq3A_258 = vector.broadcast %broadcast_in_dim3A_242 : vector<512x1xi32> to vector<512x64xi32>
    %eq3A_259 = arith.cmpi eq, %select_n3A_73, %eq3A_258 : vector<512x64xi32>
    %jit3A_260 = arith.constant 2147483647 : i32
    %broadcast_in_dim3A_261 = vector.broadcast %jit3A_260 : i32 to vector<512x64xi32>
    %select_n3A_262 = arith.select %eq3A_259, %broadcast_in_dim3A_261, %select_n3A_73 : vector<512x64xi1>, vector<512x64xi32>
    %select_n3A_263 = arith.select %eq3A_257, %select_n3A_262, %select_n3A_239 : vector<512x64xi1>, vector<512x64xi32>
    %reduce_min3A_264 = arith.constant dense<2147483647> : vector<512xi32>
    %reduce_min3A_265 = vector.multi_reduction <minsi>, %select_n3A_263, %reduce_min3A_264 [1] : vector<512x64xi32> to vector<512xi32>
    %broadcast_in_dim3A_266 = vector.shape_cast %reduce_min3A_265 : vector<512xi32> to vector<512x1xi32>
    %and3A_267 = arith.constant -4096 : i32
    %and3A_268 = vector.broadcast %and3A_267 : i32 to vector<512x1xi32>
    %and3A_269 = arith.andi %broadcast_in_dim3A_266, %and3A_268 : vector<512x1xi32>
    %bitcast_convert_type3A_270 = tpu.bitcast %and3A_269 : vector<512x1xi32> -> vector<512x1xf32>
    %swap3A_271 = arith.constant 0 : index
    %swap3A_272 = arith.constant 8 : index
    %swap3A_273 = vector.load %arg3[%swap3A_271, %swap3A_272] : memref<512x16xf32, #tpu.memory_space<vmem>>, vector<512x1xf32>
    tpu.vector_store %arg3[%swap3A_271, %swap3A_272], %bitcast_convert_type3A_270 {strides = array<i32>} : memref<512x16xf32, #tpu.memory_space<vmem>>, vector<512x1xf32>,
    %and3A_274 = arith.constant 4095 : i32
    %and3A_275 = vector.broadcast %and3A_274 : i32 to vector<512x1xi32>
    %and3A_276 = arith.andi %broadcast_in_dim3A_266, %and3A_275 : vector<512x1xi32>
    %swap3A_277 = arith.constant 0 : index
    %swap3A_278 = arith.constant 8 : index
    %swap3A_279 = vector.load %arg4[%swap3A_277, %swap3A_278] : memref<512x16xi32, #tpu.memory_space<vmem>>, vector<512x1xi32>
    tpu.vector_store %arg4[%swap3A_277, %swap3A_278], %and3A_276 {strides = array<i32>} : memref<512x16xi32, #tpu.memory_space<vmem>>, vector<512x1xi32>,
    %eq3A_280 = vector.broadcast %broadcast_in_dim3A_266 : vector<512x1xi32> to vector<512x64xi32>
    %eq3A_281 = arith.cmpi eq, %select_n3A_263, %eq3A_280 : vector<512x64xi32>
    %eq3A_282 = vector.broadcast %broadcast_in_dim3A_266 : vector<512x1xi32> to vector<512x64xi32>
    %eq3A_283 = arith.cmpi eq, %select_n3A_73, %eq3A_282 : vector<512x64xi32>
    %jit3A_284 = arith.constant 2147483647 : i32
    %broadcast_in_dim3A_285 = vector.broadcast %jit3A_284 : i32 to vector<512x64xi32>
    %select_n3A_286 = arith.select %eq3A_283, %broadcast_in_dim3A_285, %select_n3A_73 : vector<512x64xi1>, vector<512x64xi32>
    %select_n3A_287 = arith.select %eq3A_281, %select_n3A_286, %select_n3A_263 : vector<512x64xi1>, vector<512x64xi32>
    %reduce_min3A_288 = arith.constant dense<2147483647> : vector<512xi32>
    %reduce_min3A_289 = vector.multi_reduction <minsi>, %select_n3A_287, %reduce_min3A_288 [1] : vector<512x64xi32> to vector<512xi32>
    %broadcast_in_dim3A_290 = vector.shape_cast %reduce_min3A_289 : vector<512xi32> to vector<512x1xi32>
    %and3A_291 = arith.constant -4096 : i32
    %and3A_292 = vector.broadcast %and3A_291 : i32 to vector<512x1xi32>
    %and3A_293 = arith.andi %broadcast_in_dim3A_290, %and3A_292 : vector<512x1xi32>
    %bitcast_convert_type3A_294 = tpu.bitcast %and3A_293 : vector<512x1xi32> -> vector<512x1xf32>
    %swap3A_295 = arith.constant 0 : index
    %swap3A_296 = arith.constant 9 : index
    %swap3A_297 = vector.load %arg3[%swap3A_295, %swap3A_296] : memref<512x16xf32, #tpu.memory_space<vmem>>, vector<512x1xf32>
    tpu.vector_store %arg3[%swap3A_295, %swap3A_296], %bitcast_convert_type3A_294 {strides = array<i32>} : memref<512x16xf32, #tpu.memory_space<vmem>>, vector<512x1xf32>,
    %and3A_298 = arith.constant 4095 : i32
    %and3A_299 = vector.broadcast %and3A_298 : i32 to vector<512x1xi32>
    %and3A_300 = arith.andi %broadcast_in_dim3A_290, %and3A_299 : vector<512x1xi32>
    %swap3A_301 = arith.constant 0 : index
    %swap3A_302 = arith.constant 9 : index
    %swap3A_303 = vector.load %arg4[%swap3A_301, %swap3A_302] : memref<512x16xi32, #tpu.memory_space<vmem>>, vector<512x1xi32>
    tpu.vector_store %arg4[%swap3A_301, %swap3A_302], %and3A_300 {strides = array<i32>} : memref<512x16xi32, #tpu.memory_space<vmem>>, vector<512x1xi32>,
    %eq3A_304 = vector.broadcast %broadcast_in_dim3A_290 : vector<512x1xi32> to vector<512x64xi32>
    %eq3A_305 = arith.cmpi eq, %select_n3A_287, %eq3A_304 : vector<512x64xi32>
    %eq3A_306 = vector.broadcast %broadcast_in_dim3A_290 : vector<512x1xi32> to vector<512x64xi32>
    %eq3A_307 = arith.cmpi eq, %select_n3A_73, %eq3A_306 : vector<512x64xi32>
    %jit3A_308 = arith.constant 2147483647 : i32
    %broadcast_in_dim3A_309 = vector.broadcast %jit3A_308 : i32 to vector<512x64xi32>
    %select_n3A_310 = arith.select %eq3A_307, %broadcast_in_dim3A_309, %select_n3A_73 : vector<512x64xi1>, vector<512x64xi32>
    %select_n3A_311 = arith.select %eq3A_305, %select_n3A_310, %select_n3A_287 : vector<512x64xi1>, vector<512x64xi32>
    %reduce_min3A_312 = arith.constant dense<2147483647> : vector<512xi32>
    %reduce_min3A_313 = vector.multi_reduction <minsi>, %select_n3A_311, %reduce_min3A_312 [1] : vector<512x64xi32> to vector<512xi32>
    %broadcast_in_dim3A_314 = vector.shape_cast %reduce_min3A_313 : vector<512xi32> to vector<512x1xi32>
    %and3A_315 = arith.constant -4096 : i32
    %and3A_316 = vector.broadcast %and3A_315 : i32 to vector<512x1xi32>
    %and3A_317 = arith.andi %broadcast_in_dim3A_314, %and3A_316 : vector<512x1xi32>
    %bitcast_convert_type3A_318 = tpu.bitcast %and3A_317 : vector<512x1xi32> -> vector<512x1xf32>
    %swap3A_319 = arith.constant 0 : index
    %swap3A_320 = arith.constant 10 : index
    %swap3A_321 = vector.load %arg3[%swap3A_319, %swap3A_320] : memref<512x16xf32, #tpu.memory_space<vmem>>, vector<512x1xf32>
    tpu.vector_store %arg3[%swap3A_319, %swap3A_320], %bitcast_convert_type3A_318 {strides = array<i32>} : memref<512x16xf32, #tpu.memory_space<vmem>>, vector<512x1xf32>,
    %and3A_322 = arith.constant 4095 : i32
    %and3A_323 = vector.broadcast %and3A_322 : i32 to vector<512x1xi32>
    %and3A_324 = arith.andi %broadcast_in_dim3A_314, %and3A_323 : vector<512x1xi32>
    %swap3A_325 = arith.constant 0 : index
    %swap3A_326 = arith.constant 10 : index
    %swap3A_327 = vector.load %arg4[%swap3A_325, %swap3A_326] : memref<512x16xi32, #tpu.memory_space<vmem>>, vector<512x1xi32>
    tpu.vector_store %arg4[%swap3A_325, %swap3A_326], %and3A_324 {strides = array<i32>} : memref<512x16xi32, #tpu.memory_space<vmem>>, vector<512x1xi32>,
    %eq3A_328 = vector.broadcast %broadcast_in_dim3A_314 : vector<512x1xi32> to vector<512x64xi32>
    %eq3A_329 = arith.cmpi eq, %select_n3A_311, %eq3A_328 : vector<512x64xi32>
    %eq3A_330 = vector.broadcast %broadcast_in_dim3A_314 : vector<512x1xi32> to vector<512x64xi32>
    %eq3A_331 = arith.cmpi eq, %select_n3A_73, %eq3A_330 : vector<512x64xi32>
    %jit3A_332 = arith.constant 2147483647 : i32
    %broadcast_in_dim3A_333 = vector.broadcast %jit3A_332 : i32 to vector<512x64xi32>
    %select_n3A_334 = arith.select %eq3A_331, %broadcast_in_dim3A_333, %select_n3A_73 : vector<512x64xi1>, vector<512x64xi32>
    %select_n3A_335 = arith.select %eq3A_329, %select_n3A_334, %select_n3A_311 : vector<512x64xi1>, vector<512x64xi32>
    %reduce_min3A_336 = arith.constant dense<2147483647> : vector<512xi32>
    %reduce_min3A_337 = vector.multi_reduction <minsi>, %select_n3A_335, %reduce_min3A_336 [1] : vector<512x64xi32> to vector<512xi32>
    %broadcast_in_dim3A_338 = vector.shape_cast %reduce_min3A_337 : vector<512xi32> to vector<512x1xi32>
    %and3A_339 = arith.constant -4096 : i32
    %and3A_340 = vector.broadcast %and3A_339 : i32 to vector<512x1xi32>
    %and3A_341 = arith.andi %broadcast_in_dim3A_338, %and3A_340 : vector<512x1xi32>
    %bitcast_convert_type3A_342 = tpu.bitcast %and3A_341 : vector<512x1xi32> -> vector<512x1xf32>
    %swap3A_343 = arith.constant 0 : index
    %swap3A_344 = arith.constant 11 : index
    %swap3A_345 = vector.load %arg3[%swap3A_343, %swap3A_344] : memref<512x16xf32, #tpu.memory_space<vmem>>, vector<512x1xf32>
    tpu.vector_store %arg3[%swap3A_343, %swap3A_344], %bitcast_convert_type3A_342 {strides = array<i32>} : memref<512x16xf32, #tpu.memory_space<vmem>>, vector<512x1xf32>,
    %and3A_346 = arith.constant 4095 : i32
    %and3A_347 = vector.broadcast %and3A_346 : i32 to vector<512x1xi32>
    %and3A_348 = arith.andi %broadcast_in_dim3A_338, %and3A_347 : vector<512x1xi32>
    %swap3A_349 = arith.constant 0 : index
    %swap3A_350 = arith.constant 11 : index
    %swap3A_351 = vector.load %arg4[%swap3A_349, %swap3A_350] : memref<512x16xi32, #tpu.memory_space<vmem>>, vector<512x1xi32>
    tpu.vector_store %arg4[%swap3A_349, %swap3A_350], %and3A_348 {strides = array<i32>} : memref<512x16xi32, #tpu.memory_space<vmem>>, vector<512x1xi32>,
    %eq3A_352 = vector.broadcast %broadcast_in_dim3A_338 : vector<512x1xi32> to vector<512x64xi32>
    %eq3A_353 = arith.cmpi eq, %select_n3A_335, %eq3A_352 : vector<512x64xi32>
    %eq3A_354 = vector.broadcast %broadcast_in_dim3A_338 : vector<512x1xi32> to vector<512x64xi32>
    %eq3A_355 = arith.cmpi eq, %select_n3A_73, %eq3A_354 : vector<512x64xi32>
    %jit3A_356 = arith.constant 2147483647 : i32
    %broadcast_in_dim3A_357 = vector.broadcast %jit3A_356 : i32 to vector<512x64xi32>
    %select_n3A_358 = arith.select %eq3A_355, %broadcast_in_dim3A_357, %select_n3A_73 : vector<512x64xi1>, vector<512x64xi32>
    %select_n3A_359 = arith.select %eq3A_353, %select_n3A_358, %select_n3A_335 : vector<512x64xi1>, vector<512x64xi32>
    %reduce_min3A_360 = arith.constant dense<2147483647> : vector<512xi32>
    %reduce_min3A_361 = vector.multi_reduction <minsi>, %select_n3A_359, %reduce_min3A_360 [1] : vector<512x64xi32> to vector<512xi32>
    %broadcast_in_dim3A_362 = vector.shape_cast %reduce_min3A_361 : vector<512xi32> to vector<512x1xi32>
    %and3A_363 = arith.constant -4096 : i32
    %and3A_364 = vector.broadcast %and3A_363 : i32 to vector<512x1xi32>
    %and3A_365 = arith.andi %broadcast_in_dim3A_362, %and3A_364 : vector<512x1xi32>
    %bitcast_convert_type3A_366 = tpu.bitcast %and3A_365 : vector<512x1xi32> -> vector<512x1xf32>
    %swap3A_367 = arith.constant 0 : index
    %swap3A_368 = arith.constant 12 : index
    %swap3A_369 = vector.load %arg3[%swap3A_367, %swap3A_368] : memref<512x16xf32, #tpu.memory_space<vmem>>, vector<512x1xf32>
    tpu.vector_store %arg3[%swap3A_367, %swap3A_368], %bitcast_convert_type3A_366 {strides = array<i32>} : memref<512x16xf32, #tpu.memory_space<vmem>>, vector<512x1xf32>,
    %and3A_370 = arith.constant 4095 : i32
    %and3A_371 = vector.broadcast %and3A_370 : i32 to vector<512x1xi32>
    %and3A_372 = arith.andi %broadcast_in_dim3A_362, %and3A_371 : vector<512x1xi32>
    %swap3A_373 = arith.constant 0 : index
    %swap3A_374 = arith.constant 12 : index
    %swap3A_375 = vector.load %arg4[%swap3A_373, %swap3A_374] : memref<512x16xi32, #tpu.memory_space<vmem>>, vector<512x1xi32>
    tpu.vector_store %arg4[%swap3A_373, %swap3A_374], %and3A_372 {strides = array<i32>} : memref<512x16xi32, #tpu.memory_space<vmem>>, vector<512x1xi32>,
    %eq3A_376 = vector.broadcast %broadcast_in_dim3A_362 : vector<512x1xi32> to vector<512x64xi32>
    %eq3A_377 = arith.cmpi eq, %select_n3A_359, %eq3A_376 : vector<512x64xi32>
    %eq3A_378 = vector.broadcast %broadcast_in_dim3A_362 : vector<512x1xi32> to vector<512x64xi32>
    %eq3A_379 = arith.cmpi eq, %select_n3A_73, %eq3A_378 : vector<512x64xi32>
    %jit3A_380 = arith.constant 2147483647 : i32
    %broadcast_in_dim3A_381 = vector.broadcast %jit3A_380 : i32 to vector<512x64xi32>
    %select_n3A_382 = arith.select %eq3A_379, %broadcast_in_dim3A_381, %select_n3A_73 : vector<512x64xi1>, vector<512x64xi32>
    %select_n3A_383 = arith.select %eq3A_377, %select_n3A_382, %select_n3A_359 : vector<512x64xi1>, vector<512x64xi32>
    %reduce_min3A_384 = arith.constant dense<2147483647> : vector<512xi32>
    %reduce_min3A_385 = vector.multi_reduction <minsi>, %select_n3A_383, %reduce_min3A_384 [1] : vector<512x64xi32> to vector<512xi32>
    %broadcast_in_dim3A_386 = vector.shape_cast %reduce_min3A_385 : vector<512xi32> to vector<512x1xi32>
    %and3A_387 = arith.constant -4096 : i32
    %and3A_388 = vector.broadcast %and3A_387 : i32 to vector<512x1xi32>
    %and3A_389 = arith.andi %broadcast_in_dim3A_386, %and3A_388 : vector<512x1xi32>
    %bitcast_convert_type3A_390 = tpu.bitcast %and3A_389 : vector<512x1xi32> -> vector<512x1xf32>
    %swap3A_391 = arith.constant 0 : index
    %swap3A_392 = arith.constant 13 : index
    %swap3A_393 = vector.load %arg3[%swap3A_391, %swap3A_392] : memref<512x16xf32, #tpu.memory_space<vmem>>, vector<512x1xf32>
    tpu.vector_store %arg3[%swap3A_391, %swap3A_392], %bitcast_convert_type3A_390 {strides = array<i32>} : memref<512x16xf32, #tpu.memory_space<vmem>>, vector<512x1xf32>,
    %and3A_394 = arith.constant 4095 : i32
    %and3A_395 = vector.broadcast %and3A_394 : i32 to vector<512x1xi32>
    %and3A_396 = arith.andi %broadcast_in_dim3A_386, %and3A_395 : vector<512x1xi32>
    %swap3A_397 = arith.constant 0 : index
    %swap3A_398 = arith.constant 13 : index
    %swap3A_399 = vector.load %arg4[%swap3A_397, %swap3A_398] : memref<512x16xi32, #tpu.memory_space<vmem>>, vector<512x1xi32>
    tpu.vector_store %arg4[%swap3A_397, %swap3A_398], %and3A_396 {strides = array<i32>} : memref<512x16xi32, #tpu.memory_space<vmem>>, vector<512x1xi32>,
    %eq3A_400 = vector.broadcast %broadcast_in_dim3A_386 : vector<512x1xi32> to vector<512x64xi32>
    %eq3A_401 = arith.cmpi eq, %select_n3A_383, %eq3A_400 : vector<512x64xi32>
    %eq3A_402 = vector.broadcast %broadcast_in_dim3A_386 : vector<512x1xi32> to vector<512x64xi32>
    %eq3A_403 = arith.cmpi eq, %select_n3A_73, %eq3A_402 : vector<512x64xi32>
    %jit3A_404 = arith.constant 2147483647 : i32
    %broadcast_in_dim3A_405 = vector.broadcast %jit3A_404 : i32 to vector<512x64xi32>
    %select_n3A_406 = arith.select %eq3A_403, %broadcast_in_dim3A_405, %select_n3A_73 : vector<512x64xi1>, vector<512x64xi32>
    %select_n3A_407 = arith.select %eq3A_401, %select_n3A_406, %select_n3A_383 : vector<512x64xi1>, vector<512x64xi32>
    %reduce_min3A_408 = arith.constant dense<2147483647> : vector<512xi32>
    %reduce_min3A_409 = vector.multi_reduction <minsi>, %select_n3A_407, %reduce_min3A_408 [1] : vector<512x64xi32> to vector<512xi32>
    %broadcast_in_dim3A_410 = vector.shape_cast %reduce_min3A_409 : vector<512xi32> to vector<512x1xi32>
    %and3A_411 = arith.constant -4096 : i32
    %and3A_412 = vector.broadcast %and3A_411 : i32 to vector<512x1xi32>
    %and3A_413 = arith.andi %broadcast_in_dim3A_410, %and3A_412 : vector<512x1xi32>
    %bitcast_convert_type3A_414 = tpu.bitcast %and3A_413 : vector<512x1xi32> -> vector<512x1xf32>
    %swap3A_415 = arith.constant 0 : index
    %swap3A_416 = arith.constant 14 : index
    %swap3A_417 = vector.load %arg3[%swap3A_415, %swap3A_416] : memref<512x16xf32, #tpu.memory_space<vmem>>, vector<512x1xf32>
    tpu.vector_store %arg3[%swap3A_415, %swap3A_416], %bitcast_convert_type3A_414 {strides = array<i32>} : memref<512x16xf32, #tpu.memory_space<vmem>>, vector<512x1xf32>,
    %and3A_418 = arith.constant 4095 : i32
    %and3A_419 = vector.broadcast %and3A_418 : i32 to vector<512x1xi32>
    %and3A_420 = arith.andi %broadcast_in_dim3A_410, %and3A_419 : vector<512x1xi32>
    %swap3A_421 = arith.constant 0 : index
    %swap3A_422 = arith.constant 14 : index
    %swap3A_423 = vector.load %arg4[%swap3A_421, %swap3A_422] : memref<512x16xi32, #tpu.memory_space<vmem>>, vector<512x1xi32>
    tpu.vector_store %arg4[%swap3A_421, %swap3A_422], %and3A_420 {strides = array<i32>} : memref<512x16xi32, #tpu.memory_space<vmem>>, vector<512x1xi32>,
    %eq3A_424 = vector.broadcast %broadcast_in_dim3A_410 : vector<512x1xi32> to vector<512x64xi32>
    %eq3A_425 = arith.cmpi eq, %select_n3A_407, %eq3A_424 : vector<512x64xi32>
    %eq3A_426 = vector.broadcast %broadcast_in_dim3A_410 : vector<512x1xi32> to vector<512x64xi32>
    %eq3A_427 = arith.cmpi eq, %select_n3A_73, %eq3A_426 : vector<512x64xi32>
    %jit3A_428 = arith.constant 2147483647 : i32
    %broadcast_in_dim3A_429 = vector.broadcast %jit3A_428 : i32 to vector<512x64xi32>
    %select_n3A_430 = arith.select %eq3A_427, %broadcast_in_dim3A_429, %select_n3A_73 : vector<512x64xi1>, vector<512x64xi32>
    %select_n3A_431 = arith.select %eq3A_425, %select_n3A_430, %select_n3A_407 : vector<512x64xi1>, vector<512x64xi32>
    %reduce_min3A_432 = arith.constant dense<2147483647> : vector<512xi32>
    %reduce_min3A_433 = vector.multi_reduction <minsi>, %select_n3A_431, %reduce_min3A_432 [1] : vector<512x64xi32> to vector<512xi32>
    %broadcast_in_dim3A_434 = vector.shape_cast %reduce_min3A_433 : vector<512xi32> to vector<512x1xi32>
    %and3A_435 = arith.constant -4096 : i32
    %and3A_436 = vector.broadcast %and3A_435 : i32 to vector<512x1xi32>
    %and3A_437 = arith.andi %broadcast_in_dim3A_434, %and3A_436 : vector<512x1xi32>
    %bitcast_convert_type3A_438 = tpu.bitcast %and3A_437 : vector<512x1xi32> -> vector<512x1xf32>
    %swap3A_439 = arith.constant 0 : index
    %swap3A_440 = arith.constant 15 : index
    %swap3A_441 = vector.load %arg3[%swap3A_439, %swap3A_440] : memref<512x16xf32, #tpu.memory_space<vmem>>, vector<512x1xf32>
    tpu.vector_store %arg3[%swap3A_439, %swap3A_440], %bitcast_convert_type3A_438 {strides = array<i32>} : memref<512x16xf32, #tpu.memory_space<vmem>>, vector<512x1xf32>,
    %and3A_442 = arith.constant 4095 : i32
    %and3A_443 = vector.broadcast %and3A_442 : i32 to vector<512x1xi32>
    %and3A_444 = arith.andi %broadcast_in_dim3A_434, %and3A_443 : vector<512x1xi32>
    %swap3A_445 = arith.constant 0 : index
    %swap3A_446 = arith.constant 15 : index
    %swap3A_447 = vector.load %arg4[%swap3A_445, %swap3A_446] : memref<512x16xi32, #tpu.memory_space<vmem>>, vector<512x1xi32>
    tpu.vector_store %arg4[%swap3A_445, %swap3A_446], %and3A_444 {strides = array<i32>} : memref<512x16xi32, #tpu.memory_space<vmem>>, vector<512x1xi32>,
    return
  }
  func.func @transform_0(%arg0: i32) -> (i32, i32) {
    %c0_i32 = arith.constant 0 : i32
    %c0_i32_0 = arith.constant 0 : i32
    return %arg0, %c0_i32 : i32, i32
  }
  func.func @transform_1(%arg0: i32) -> (i32, i32) {
    %c0_i32 = arith.constant 0 : i32
    %c0_i32_0 = arith.constant 0 : i32
    %c0_i32_1 = arith.constant 0 : i32
    return %c0_i32, %c0_i32_0 : i32, i32
  }
  func.func @transform_2(%arg0: i32) -> (i32, i32) {
    %c0_i32 = arith.constant 0 : i32
    %c0_i32_0 = arith.constant 0 : i32
    return %arg0, %c0_i32 : i32, i32
  }
  func.func @transform_3(%arg0: i32) -> (i32, i32) {
    %c0_i32 = arith.constant 0 : i32
    %c0_i32_0 = arith.constant 0 : i32
    return %arg0, %c0_i32 : i32, i32
  }
}

module attributes {stable_mosaic.version = 14 : i64} {
  func.func @_inter_body(%arg0: i32, %arg1: memref<8192x128xf32, #tpu.memory_space<vmem>>, %arg2: memref<512x16xf32, #tpu.memory_space<vmem>>, %arg3: memref<512x1xf32, #tpu.memory_space<vmem>>, %arg4: memref<512x16xf32, #tpu.memory_space<vmem>>, %arg5: memref<1x1xf32, #tpu.memory_space<vmem>>, %arg6: memref<1x1xf32, #tpu.memory_space<vmem>>, %arg7: memref<1x1xf32, #tpu.memory_space<vmem>>) attributes {dimension_semantics = [#tpu.dimension_semantics<arbitrary>], iteration_bounds = array<i64: 4>, scalar_prefetch = 0 : i64, scratch_operands = 0 : i64, tpu.core_type = #tpu.core_type<tc>, window_params = [{transform_indices = @transform_0, window_bounds = array<i64: 8192, 128>}, {transform_indices = @transform_1, window_bounds = array<i64: 512, 16>}, {transform_indices = @transform_2, window_bounds = array<i64: 512, 1>}, {transform_indices = @transform_3, window_bounds = array<i64: 512, 16>}, {pipeline_mode = #tpu.pipeline_mode<synchronous>, transform_indices = @transform_4, window_bounds = array<i64: 1, 1>}, {pipeline_mode = #tpu.pipeline_mode<synchronous>, transform_indices = @transform_5, window_bounds = array<i64: 1, 1>}, {pipeline_mode = #tpu.pipeline_mode<synchronous>, transform_indices = @transform_6, window_bounds = array<i64: 1, 1>}]} {
    %eq3A = arith.constant 0 : i32
    %eq3A_0 = arith.cmpi eq, %arg0, %eq3A : i32
    %convert_element_type3A = arith.extui %eq3A_0 : i1 to i32
    %cond3A = arith.constant 0 : i32
    %cond3A_1 = arith.cmpi ne, %convert_element_type3A, %cond3A : i32
    scf.if %cond3A_1 {
      %broadcast_in_dim3A_957 = arith.constant 0.000000e+00 : f32
      %broadcast_in_dim3A_958 = vector.broadcast %broadcast_in_dim3A_957 : f32 to vector<1x1xf32>
      %swap3A_959 = arith.constant 0 : index
      %swap3A_960 = arith.constant 0 : index
      %swap3A_961 = vector.load %arg5[%swap3A_959, %swap3A_960] : memref<1x1xf32, #tpu.memory_space<vmem>>, vector<1x1xf32>
      tpu.vector_store %arg5[%swap3A_959, %swap3A_960], %broadcast_in_dim3A_958 {strides = array<i32>} : memref<1x1xf32, #tpu.memory_space<vmem>>, vector<1x1xf32>,
      %broadcast_in_dim3A_962 = arith.constant 0.000000e+00 : f32
      %broadcast_in_dim3A_963 = vector.broadcast %broadcast_in_dim3A_962 : f32 to vector<1x1xf32>
      %swap3A_964 = arith.constant 0 : index
      %swap3A_965 = arith.constant 0 : index
      %swap3A_966 = vector.load %arg6[%swap3A_964, %swap3A_965] : memref<1x1xf32, #tpu.memory_space<vmem>>, vector<1x1xf32>
      tpu.vector_store %arg6[%swap3A_964, %swap3A_965], %broadcast_in_dim3A_963 {strides = array<i32>} : memref<1x1xf32, #tpu.memory_space<vmem>>, vector<1x1xf32>,
      %broadcast_in_dim3A_967 = arith.constant 0.000000e+00 : f32
      %broadcast_in_dim3A_968 = vector.broadcast %broadcast_in_dim3A_967 : f32 to vector<1x1xf32>
      %swap3A_969 = arith.constant 0 : index
      %swap3A_970 = arith.constant 0 : index
      %swap3A_971 = vector.load %arg7[%swap3A_969, %swap3A_970] : memref<1x1xf32, #tpu.memory_space<vmem>>, vector<1x1xf32>
      tpu.vector_store %arg7[%swap3A_969, %swap3A_970], %broadcast_in_dim3A_968 {strides = array<i32>} : memref<1x1xf32, #tpu.memory_space<vmem>>, vector<1x1xf32>,
    } else {
    }
    %get3A = arith.constant 0 : index
    %get3A_2 = arith.constant 0 : index
    %get3A_3 = vector.load %arg2[%get3A, %get3A_2] : memref<512x16xf32, #tpu.memory_space<vmem>>, vector<512x16xf32>
    %add3A = arith.constant 9.99999996E-13 : f32
    %add3A_4 = vector.broadcast %add3A : f32 to vector<512x16xf32>
    %add3A_5 = arith.addf %get3A_3, %add3A_4 : vector<512x16xf32>
    %sqrt3A = math.sqrt %add3A_5 : vector<512x16xf32>
    %reduce_sum3A = arith.constant dense<0.000000e+00> : vector<512xf32>
    %reduce_sum3A_6 = vector.multi_reduction <add>, %sqrt3A, %reduce_sum3A [1] : vector<512x16xf32> to vector<512xf32>
    %broadcast_in_dim3A = vector.shape_cast %reduce_sum3A_6 : vector<512xf32> to vector<512x1xf32>
    %div3A = arith.constant 1.600000e+01 : f32
    %div3A_7 = vector.broadcast %div3A : f32 to vector<512x1xf32>
    %div3A_8 = arith.divf %broadcast_in_dim3A, %div3A_7 : vector<512x1xf32>
    %get3A_9 = arith.constant 0 : index
    %get3A_10 = arith.constant 0 : index
    %get3A_11 = vector.load %arg3[%get3A_9, %get3A_10] : memref<512x1xf32, #tpu.memory_space<vmem>>, vector<512x1xf32>
    %iota3A = tpu.iota {dimensions = array<i32: 0>} : vector<512x512xi32>
    %iota3A_12 = tpu.iota {dimensions = array<i32: 1>} : vector<512x512xi32>
    %jit3A = arith.constant 16 : i32
    %div3A_13 = vector.broadcast %jit3A : i32 to vector<512x512xi32>
    %div3A_14 = arith.divsi %iota3A, %div3A_13 : vector<512x512xi32>
    %sign3A = arith.constant 0 : i32
    %sign3A_15 = vector.broadcast %sign3A : i32 to vector<512x512xi32>
    %sign3A_16 = arith.cmpi sgt, %iota3A, %sign3A_15 : vector<512x512xi32>
    %sign3A_17 = arith.extui %sign3A_16 : vector<512x512xi1> to vector<512x512xi32>
    %sign3A_18 = arith.constant 0 : i32
    %sign3A_19 = vector.broadcast %sign3A_18 : i32 to vector<512x512xi32>
    %sign3A_20 = arith.cmpi slt, %iota3A, %sign3A_19 : vector<512x512xi32>
    %sign3A_21 = arith.extui %sign3A_20 : vector<512x512xi1> to vector<512x512xi32>
    %sign3A_22 = arith.subi %sign3A_17, %sign3A_21 : vector<512x512xi32>
    %sign3A_23 = arith.constant 0 : i32
    %sign3A_24 = arith.cmpi sgt, %jit3A, %sign3A_23 : i32
    %sign3A_25 = arith.extui %sign3A_24 : i1 to i32
    %sign3A_26 = arith.constant 0 : i32
    %sign3A_27 = arith.cmpi slt, %jit3A, %sign3A_26 : i32
    %sign3A_28 = arith.extui %sign3A_27 : i1 to i32
    %sign3A_29 = arith.subi %sign3A_25, %sign3A_28 : i32
    %ne3A = vector.broadcast %sign3A_29 : i32 to vector<512x512xi32>
    %ne3A_30 = arith.cmpi ne, %sign3A_22, %ne3A : vector<512x512xi32>
    %rem3A = vector.broadcast %jit3A : i32 to vector<512x512xi32>
    %rem3A_31 = arith.remsi %iota3A, %rem3A : vector<512x512xi32>
    %ne3A_32 = arith.constant 0 : i32
    %ne3A_33 = vector.broadcast %ne3A_32 : i32 to vector<512x512xi32>
    %ne3A_34 = arith.cmpi ne, %rem3A_31, %ne3A_33 : vector<512x512xi32>
    %and3A = arith.andi %ne3A_30, %ne3A_34 : vector<512x512xi1>
    %sub3A = arith.constant 1 : i32
    %sub3A_35 = vector.broadcast %sub3A : i32 to vector<512x512xi32>
    %sub3A_36 = arith.subi %div3A_14, %sub3A_35 : vector<512x512xi32>
    %select_n3A = arith.select %and3A, %sub3A_36, %div3A_14 : vector<512x512xi1>, vector<512x512xi32>
    %jit3A_37 = arith.constant 16 : i32
    %div3A_38 = vector.broadcast %jit3A_37 : i32 to vector<512x512xi32>
    %div3A_39 = arith.divsi %iota3A_12, %div3A_38 : vector<512x512xi32>
    %sign3A_40 = arith.constant 0 : i32
    %sign3A_41 = vector.broadcast %sign3A_40 : i32 to vector<512x512xi32>
    %sign3A_42 = arith.cmpi sgt, %iota3A_12, %sign3A_41 : vector<512x512xi32>
    %sign3A_43 = arith.extui %sign3A_42 : vector<512x512xi1> to vector<512x512xi32>
    %sign3A_44 = arith.constant 0 : i32
    %sign3A_45 = vector.broadcast %sign3A_44 : i32 to vector<512x512xi32>
    %sign3A_46 = arith.cmpi slt, %iota3A_12, %sign3A_45 : vector<512x512xi32>
    %sign3A_47 = arith.extui %sign3A_46 : vector<512x512xi1> to vector<512x512xi32>
    %sign3A_48 = arith.subi %sign3A_43, %sign3A_47 : vector<512x512xi32>
    %sign3A_49 = arith.constant 0 : i32
    %sign3A_50 = arith.cmpi sgt, %jit3A_37, %sign3A_49 : i32
    %sign3A_51 = arith.extui %sign3A_50 : i1 to i32
    %sign3A_52 = arith.constant 0 : i32
    %sign3A_53 = arith.cmpi slt, %jit3A_37, %sign3A_52 : i32
    %sign3A_54 = arith.extui %sign3A_53 : i1 to i32
    %sign3A_55 = arith.subi %sign3A_51, %sign3A_54 : i32
    %ne3A_56 = vector.broadcast %sign3A_55 : i32 to vector<512x512xi32>
    %ne3A_57 = arith.cmpi ne, %sign3A_48, %ne3A_56 : vector<512x512xi32>
    %rem3A_58 = vector.broadcast %jit3A_37 : i32 to vector<512x512xi32>
    %rem3A_59 = arith.remsi %iota3A_12, %rem3A_58 : vector<512x512xi32>
    %ne3A_60 = arith.constant 0 : i32
    %ne3A_61 = vector.broadcast %ne3A_60 : i32 to vector<512x512xi32>
    %ne3A_62 = arith.cmpi ne, %rem3A_59, %ne3A_61 : vector<512x512xi32>
    %and3A_63 = arith.andi %ne3A_57, %ne3A_62 : vector<512x512xi1>
    %sub3A_64 = arith.constant 1 : i32
    %sub3A_65 = vector.broadcast %sub3A_64 : i32 to vector<512x512xi32>
    %sub3A_66 = arith.subi %div3A_39, %sub3A_65 : vector<512x512xi32>
    %select_n3A_67 = arith.select %and3A_63, %sub3A_66, %div3A_39 : vector<512x512xi1>, vector<512x512xi32>
    %eq3A_68 = arith.cmpi eq, %select_n3A, %select_n3A_67 : vector<512x512xi32>
    %gt3A = arith.cmpi sgt, %iota3A_12, %iota3A : vector<512x512xi32>
    %and3A_69 = arith.andi %eq3A_68, %gt3A : vector<512x512xi1>
    %iota3A_70 = tpu.iota {dimensions = array<i32: 0>} : vector<32x512xi32>
    %iota3A_71 = tpu.iota {dimensions = array<i32: 1>} : vector<32x512xi32>
    %jit3A_72 = arith.constant 16 : i32
    %div3A_73 = vector.broadcast %jit3A_72 : i32 to vector<32x512xi32>
    %div3A_74 = arith.divsi %iota3A_71, %div3A_73 : vector<32x512xi32>
    %sign3A_75 = arith.constant 0 : i32
    %sign3A_76 = vector.broadcast %sign3A_75 : i32 to vector<32x512xi32>
    %sign3A_77 = arith.cmpi sgt, %iota3A_71, %sign3A_76 : vector<32x512xi32>
    %sign3A_78 = arith.extui %sign3A_77 : vector<32x512xi1> to vector<32x512xi32>
    %sign3A_79 = arith.constant 0 : i32
    %sign3A_80 = vector.broadcast %sign3A_79 : i32 to vector<32x512xi32>
    %sign3A_81 = arith.cmpi slt, %iota3A_71, %sign3A_80 : vector<32x512xi32>
    %sign3A_82 = arith.extui %sign3A_81 : vector<32x512xi1> to vector<32x512xi32>
    %sign3A_83 = arith.subi %sign3A_78, %sign3A_82 : vector<32x512xi32>
    %sign3A_84 = arith.constant 0 : i32
    %sign3A_85 = arith.cmpi sgt, %jit3A_72, %sign3A_84 : i32
    %sign3A_86 = arith.extui %sign3A_85 : i1 to i32
    %sign3A_87 = arith.constant 0 : i32
    %sign3A_88 = arith.cmpi slt, %jit3A_72, %sign3A_87 : i32
    %sign3A_89 = arith.extui %sign3A_88 : i1 to i32
    %sign3A_90 = arith.subi %sign3A_86, %sign3A_89 : i32
    %ne3A_91 = vector.broadcast %sign3A_90 : i32 to vector<32x512xi32>
    %ne3A_92 = arith.cmpi ne, %sign3A_83, %ne3A_91 : vector<32x512xi32>
    %rem3A_93 = vector.broadcast %jit3A_72 : i32 to vector<32x512xi32>
    %rem3A_94 = arith.remsi %iota3A_71, %rem3A_93 : vector<32x512xi32>
    %ne3A_95 = arith.constant 0 : i32
    %ne3A_96 = vector.broadcast %ne3A_95 : i32 to vector<32x512xi32>
    %ne3A_97 = arith.cmpi ne, %rem3A_94, %ne3A_96 : vector<32x512xi32>
    %and3A_98 = arith.andi %ne3A_92, %ne3A_97 : vector<32x512xi1>
    %sub3A_99 = arith.constant 1 : i32
    %sub3A_100 = vector.broadcast %sub3A_99 : i32 to vector<32x512xi32>
    %sub3A_101 = arith.subi %div3A_74, %sub3A_100 : vector<32x512xi32>
    %select_n3A_102 = arith.select %and3A_98, %sub3A_101, %div3A_74 : vector<32x512xi1>, vector<32x512xi32>
    %eq3A_103 = arith.cmpi eq, %select_n3A_102, %iota3A_70 : vector<32x512xi32>
    %convert_element_type3A_104 = arith.extui %eq3A_103 : vector<32x512xi1> to vector<32x512xi32>
    %convert_element_type3A_105 = arith.sitofp %convert_element_type3A_104 : vector<32x512xi32> to vector<32x512xf32>
    %broadcast_in_dim3A_106 = arith.constant 1.000000e+00 : f32
    %broadcast_in_dim3A_107 = vector.broadcast %broadcast_in_dim3A_106 : f32 to vector<1x32xf32>
    %broadcast_in_dim3A_108 = arith.constant 0.000000e+00 : f32
    %broadcast_in_dim3A_109 = vector.broadcast %broadcast_in_dim3A_108 : f32 to vector<1x1xf32>
    %get3A_110 = arith.constant 0 : index
    %get3A_111 = arith.constant 0 : index
    %get3A_112 = vector.load %arg1[%get3A_110, %get3A_111] : memref<8192x128xf32, #tpu.memory_space<vmem>>, vector<512x32xf32>
    %mul3A = arith.mulf %get3A_112, %get3A_112 : vector<512x32xf32>
    %reduce_sum3A_113 = arith.constant dense<0.000000e+00> : vector<512xf32>
    %reduce_sum3A_114 = vector.multi_reduction <add>, %mul3A, %reduce_sum3A_113 [1] : vector<512x32xf32> to vector<512xf32>
    %broadcast_in_dim3A_115 = vector.shape_cast %reduce_sum3A_114 : vector<512xf32> to vector<512x1xf32>
    %dot_general3A = arith.constant dense<0.000000e+00> : vector<1x512xf32>
    %dot_general3A_116 = tpu.matmul %broadcast_in_dim3A_107, %mul3A, %dot_general3A {dimension_numbers = #tpu.dot_dimension_numbers<[1], [1], [0], [0], [0, 0, 1, 0], [], []>, transpose_lhs_hint = false} : vector<1x32xf32>, vector<512x32xf32>, vector<1x512xf32> -> vector<1x512xf32>
    %dot_general3A_117 = arith.constant dense<0.000000e+00> : vector<512x512xf32>
    %dot_general3A_118 = tpu.matmul %get3A_112, %get3A_112, %dot_general3A_117 {dimension_numbers = #tpu.dot_dimension_numbers<[1], [1], [0], [0], [0, 0, 1, 0], [], []>, transpose_lhs_hint = false} : vector<512x32xf32>, vector<512x32xf32>, vector<512x512xf32> -> vector<512x512xf32>
    %add3A_119 = vector.broadcast %broadcast_in_dim3A_115 : vector<512x1xf32> to vector<512x512xf32>
    %add3A_120 = vector.broadcast %dot_general3A_116 : vector<1x512xf32> to vector<512x512xf32>
    %add3A_121 = arith.addf %add3A_119, %add3A_120 : vector<512x512xf32>
    %mul3A_122 = arith.constant 2.000000e+00 : f32
    %mul3A_123 = vector.broadcast %mul3A_122 : f32 to vector<512x512xf32>
    %mul3A_124 = arith.mulf %mul3A_123, %dot_general3A_118 : vector<512x512xf32>
    %sub3A_125 = arith.subf %add3A_121, %mul3A_124 : vector<512x512xf32>
    %max3A = arith.constant 0.000000e+00 : f32
    %max3A_126 = vector.broadcast %max3A : f32 to vector<512x512xf32>
    %max3A_127 = arith.maximumf %sub3A_125, %max3A_126 : vector<512x512xf32>
    %add3A_128 = arith.constant 9.99999996E-13 : f32
    %add3A_129 = vector.broadcast %add3A_128 : f32 to vector<512x512xf32>
    %add3A_130 = arith.addf %max3A_127, %add3A_129 : vector<512x512xf32>
    %sqrt3A_131 = math.sqrt %add3A_130 : vector<512x512xf32>
    %jit3A_132 = arith.constant 0.000000e+00 : f32
    %broadcast_in_dim3A_133 = vector.broadcast %jit3A_132 : f32 to vector<512x512xf32>
    %select_n3A_134 = arith.select %and3A_69, %sqrt3A_131, %broadcast_in_dim3A_133 : vector<512x512xi1>, vector<512x512xf32>
    %reduce_sum3A_135 = arith.constant dense<0.000000e+00> : vector<512xf32>
    %reduce_sum3A_136 = vector.multi_reduction <add>, %select_n3A_134, %reduce_sum3A_135 [1] : vector<512x512xf32> to vector<512xf32>
    %broadcast_in_dim3A_137 = vector.shape_cast %reduce_sum3A_136 : vector<512xf32> to vector<512x1xf32>
    %dot_general3A_138 = arith.constant dense<0.000000e+00> : vector<32x1xf32>
    %dot_general3A_139 = tpu.matmul %convert_element_type3A_105, %broadcast_in_dim3A_137, %dot_general3A_138 {dimension_numbers = #tpu.dot_dimension_numbers<[1], [0], [0], [1], [0, 0, 1, 1], [], []>, transpose_lhs_hint = false} : vector<32x512xf32>, vector<512x1xf32>, vector<32x1xf32> -> vector<32x1xf32>
    %div3A_140 = arith.constant 1.200000e+02 : f32
    %div3A_141 = vector.broadcast %div3A_140 : f32 to vector<32x1xf32>
    %div3A_142 = arith.divf %dot_general3A_139, %div3A_141 : vector<32x1xf32>
    %slice3A = vector.extract_strided_slice %div3A_8 {offsets = [0, 0], sizes = [32, 1], strides = [1, 1]} : vector<512x1xf32> to vector<32x1xf32>
    %slice3A_143 = vector.extract_strided_slice %get3A_11 {offsets = [0, 0], sizes = [32, 1], strides = [1, 1]} : vector<512x1xf32> to vector<32x1xf32>
    %add3A_144 = arith.constant 9.99999993E-9 : f32
    %add3A_145 = vector.broadcast %add3A_144 : f32 to vector<32x1xf32>
    %add3A_146 = arith.addf %slice3A, %add3A_145 : vector<32x1xf32>
    %div3A_147 = arith.divf %div3A_142, %add3A_146 : vector<32x1xf32>
    %sub3A_148 = arith.subf %div3A_147, %slice3A_143 : vector<32x1xf32>
    %mul3A_149 = arith.mulf %sub3A_148, %sub3A_148 : vector<32x1xf32>
    %reduce_sum3A_150 = vector.shape_cast %mul3A_149 : vector<32x1xf32> to vector<1x32x1xf32>
    %reduce_sum3A_151 = arith.constant dense<0.000000e+00> : vector<1xf32>
    %reduce_sum3A_152 = vector.multi_reduction <add>, %reduce_sum3A_150, %reduce_sum3A_151 [1, 2] : vector<1x32x1xf32> to vector<1xf32>
    %reduce_sum3A_153 = vector.shape_cast %reduce_sum3A_152 : vector<1xf32> to vector<1x1x1xf32>
    %reduce_sum3A_154 = vector.extract %reduce_sum3A_153[0, 0, 0] : f32 from vector<1x1x1xf32>
    %broadcast_in_dim3A_155 = vector.broadcast %reduce_sum3A_154 : f32 to vector<1x1xf32>
    %add3A_156 = arith.addf %broadcast_in_dim3A_109, %broadcast_in_dim3A_155 : vector<1x1xf32>
    %get3A_157 = arith.constant 512 : index
    %get3A_158 = arith.constant 0 : index
    %get3A_159 = vector.load %arg1[%get3A_157, %get3A_158] : memref<8192x128xf32, #tpu.memory_space<vmem>>, vector<512x32xf32>
    %mul3A_160 = arith.mulf %get3A_159, %get3A_159 : vector<512x32xf32>
    %reduce_sum3A_161 = arith.constant dense<0.000000e+00> : vector<512xf32>
    %reduce_sum3A_162 = vector.multi_reduction <add>, %mul3A_160, %reduce_sum3A_161 [1] : vector<512x32xf32> to vector<512xf32>
    %broadcast_in_dim3A_163 = vector.shape_cast %reduce_sum3A_162 : vector<512xf32> to vector<512x1xf32>
    %dot_general3A_164 = arith.constant dense<0.000000e+00> : vector<1x512xf32>
    %dot_general3A_165 = tpu.matmul %broadcast_in_dim3A_107, %mul3A_160, %dot_general3A_164 {dimension_numbers = #tpu.dot_dimension_numbers<[1], [1], [0], [0], [0, 0, 1, 0], [], []>, transpose_lhs_hint = false} : vector<1x32xf32>, vector<512x32xf32>, vector<1x512xf32> -> vector<1x512xf32>
    %dot_general3A_166 = arith.constant dense<0.000000e+00> : vector<512x512xf32>
    %dot_general3A_167 = tpu.matmul %get3A_159, %get3A_159, %dot_general3A_166 {dimension_numbers = #tpu.dot_dimension_numbers<[1], [1], [0], [0], [0, 0, 1, 0], [], []>, transpose_lhs_hint = false} : vector<512x32xf32>, vector<512x32xf32>, vector<512x512xf32> -> vector<512x512xf32>
    %add3A_168 = vector.broadcast %broadcast_in_dim3A_163 : vector<512x1xf32> to vector<512x512xf32>
    %add3A_169 = vector.broadcast %dot_general3A_165 : vector<1x512xf32> to vector<512x512xf32>
    %add3A_170 = arith.addf %add3A_168, %add3A_169 : vector<512x512xf32>
    %mul3A_171 = arith.constant 2.000000e+00 : f32
    %mul3A_172 = vector.broadcast %mul3A_171 : f32 to vector<512x512xf32>
    %mul3A_173 = arith.mulf %mul3A_172, %dot_general3A_167 : vector<512x512xf32>
    %sub3A_174 = arith.subf %add3A_170, %mul3A_173 : vector<512x512xf32>
    %max3A_175 = arith.constant 0.000000e+00 : f32
    %max3A_176 = vector.broadcast %max3A_175 : f32 to vector<512x512xf32>
    %max3A_177 = arith.maximumf %sub3A_174, %max3A_176 : vector<512x512xf32>
    %add3A_178 = arith.constant 9.99999996E-13 : f32
    %add3A_179 = vector.broadcast %add3A_178 : f32 to vector<512x512xf32>
    %add3A_180 = arith.addf %max3A_177, %add3A_179 : vector<512x512xf32>
    %sqrt3A_181 = math.sqrt %add3A_180 : vector<512x512xf32>
    %jit3A_182 = arith.constant 0.000000e+00 : f32
    %broadcast_in_dim3A_183 = vector.broadcast %jit3A_182 : f32 to vector<512x512xf32>
    %select_n3A_184 = arith.select %and3A_69, %sqrt3A_181, %broadcast_in_dim3A_183 : vector<512x512xi1>, vector<512x512xf32>
    %reduce_sum3A_185 = arith.constant dense<0.000000e+00> : vector<512xf32>
    %reduce_sum3A_186 = vector.multi_reduction <add>, %select_n3A_184, %reduce_sum3A_185 [1] : vector<512x512xf32> to vector<512xf32>
    %broadcast_in_dim3A_187 = vector.shape_cast %reduce_sum3A_186 : vector<512xf32> to vector<512x1xf32>
    %dot_general3A_188 = arith.constant dense<0.000000e+00> : vector<32x1xf32>
    %dot_general3A_189 = tpu.matmul %convert_element_type3A_105, %broadcast_in_dim3A_187, %dot_general3A_188 {dimension_numbers = #tpu.dot_dimension_numbers<[1], [0], [0], [1], [0, 0, 1, 1], [], []>, transpose_lhs_hint = false} : vector<32x512xf32>, vector<512x1xf32>, vector<32x1xf32> -> vector<32x1xf32>
    %div3A_190 = arith.constant 1.200000e+02 : f32
    %div3A_191 = vector.broadcast %div3A_190 : f32 to vector<32x1xf32>
    %div3A_192 = arith.divf %dot_general3A_189, %div3A_191 : vector<32x1xf32>
    %slice3A_193 = vector.extract_strided_slice %div3A_8 {offsets = [32, 0], sizes = [32, 1], strides = [1, 1]} : vector<512x1xf32> to vector<32x1xf32>
    %slice3A_194 = vector.extract_strided_slice %get3A_11 {offsets = [32, 0], sizes = [32, 1], strides = [1, 1]} : vector<512x1xf32> to vector<32x1xf32>
    %add3A_195 = arith.constant 9.99999993E-9 : f32
    %add3A_196 = vector.broadcast %add3A_195 : f32 to vector<32x1xf32>
    %add3A_197 = arith.addf %slice3A_193, %add3A_196 : vector<32x1xf32>
    %div3A_198 = arith.divf %div3A_192, %add3A_197 : vector<32x1xf32>
    %sub3A_199 = arith.subf %div3A_198, %slice3A_194 : vector<32x1xf32>
    %mul3A_200 = arith.mulf %sub3A_199, %sub3A_199 : vector<32x1xf32>
    %reduce_sum3A_201 = vector.shape_cast %mul3A_200 : vector<32x1xf32> to vector<1x32x1xf32>
    %reduce_sum3A_202 = arith.constant dense<0.000000e+00> : vector<1xf32>
    %reduce_sum3A_203 = vector.multi_reduction <add>, %reduce_sum3A_201, %reduce_sum3A_202 [1, 2] : vector<1x32x1xf32> to vector<1xf32>
    %reduce_sum3A_204 = vector.shape_cast %reduce_sum3A_203 : vector<1xf32> to vector<1x1x1xf32>
    %reduce_sum3A_205 = vector.extract %reduce_sum3A_204[0, 0, 0] : f32 from vector<1x1x1xf32>
    %broadcast_in_dim3A_206 = vector.broadcast %reduce_sum3A_205 : f32 to vector<1x1xf32>
    %add3A_207 = arith.addf %add3A_156, %broadcast_in_dim3A_206 : vector<1x1xf32>
    %get3A_208 = arith.constant 1024 : index
    %get3A_209 = arith.constant 0 : index
    %get3A_210 = vector.load %arg1[%get3A_208, %get3A_209] : memref<8192x128xf32, #tpu.memory_space<vmem>>, vector<512x32xf32>
    %mul3A_211 = arith.mulf %get3A_210, %get3A_210 : vector<512x32xf32>
    %reduce_sum3A_212 = arith.constant dense<0.000000e+00> : vector<512xf32>
    %reduce_sum3A_213 = vector.multi_reduction <add>, %mul3A_211, %reduce_sum3A_212 [1] : vector<512x32xf32> to vector<512xf32>
    %broadcast_in_dim3A_214 = vector.shape_cast %reduce_sum3A_213 : vector<512xf32> to vector<512x1xf32>
    %dot_general3A_215 = arith.constant dense<0.000000e+00> : vector<1x512xf32>
    %dot_general3A_216 = tpu.matmul %broadcast_in_dim3A_107, %mul3A_211, %dot_general3A_215 {dimension_numbers = #tpu.dot_dimension_numbers<[1], [1], [0], [0], [0, 0, 1, 0], [], []>, transpose_lhs_hint = false} : vector<1x32xf32>, vector<512x32xf32>, vector<1x512xf32> -> vector<1x512xf32>
    %dot_general3A_217 = arith.constant dense<0.000000e+00> : vector<512x512xf32>
    %dot_general3A_218 = tpu.matmul %get3A_210, %get3A_210, %dot_general3A_217 {dimension_numbers = #tpu.dot_dimension_numbers<[1], [1], [0], [0], [0, 0, 1, 0], [], []>, transpose_lhs_hint = false} : vector<512x32xf32>, vector<512x32xf32>, vector<512x512xf32> -> vector<512x512xf32>
    %add3A_219 = vector.broadcast %broadcast_in_dim3A_214 : vector<512x1xf32> to vector<512x512xf32>
    %add3A_220 = vector.broadcast %dot_general3A_216 : vector<1x512xf32> to vector<512x512xf32>
    %add3A_221 = arith.addf %add3A_219, %add3A_220 : vector<512x512xf32>
    %mul3A_222 = arith.constant 2.000000e+00 : f32
    %mul3A_223 = vector.broadcast %mul3A_222 : f32 to vector<512x512xf32>
    %mul3A_224 = arith.mulf %mul3A_223, %dot_general3A_218 : vector<512x512xf32>
    %sub3A_225 = arith.subf %add3A_221, %mul3A_224 : vector<512x512xf32>
    %max3A_226 = arith.constant 0.000000e+00 : f32
    %max3A_227 = vector.broadcast %max3A_226 : f32 to vector<512x512xf32>
    %max3A_228 = arith.maximumf %sub3A_225, %max3A_227 : vector<512x512xf32>
    %add3A_229 = arith.constant 9.99999996E-13 : f32
    %add3A_230 = vector.broadcast %add3A_229 : f32 to vector<512x512xf32>
    %add3A_231 = arith.addf %max3A_228, %add3A_230 : vector<512x512xf32>
    %sqrt3A_232 = math.sqrt %add3A_231 : vector<512x512xf32>
    %jit3A_233 = arith.constant 0.000000e+00 : f32
    %broadcast_in_dim3A_234 = vector.broadcast %jit3A_233 : f32 to vector<512x512xf32>
    %select_n3A_235 = arith.select %and3A_69, %sqrt3A_232, %broadcast_in_dim3A_234 : vector<512x512xi1>, vector<512x512xf32>
    %reduce_sum3A_236 = arith.constant dense<0.000000e+00> : vector<512xf32>
    %reduce_sum3A_237 = vector.multi_reduction <add>, %select_n3A_235, %reduce_sum3A_236 [1] : vector<512x512xf32> to vector<512xf32>
    %broadcast_in_dim3A_238 = vector.shape_cast %reduce_sum3A_237 : vector<512xf32> to vector<512x1xf32>
    %dot_general3A_239 = arith.constant dense<0.000000e+00> : vector<32x1xf32>
    %dot_general3A_240 = tpu.matmul %convert_element_type3A_105, %broadcast_in_dim3A_238, %dot_general3A_239 {dimension_numbers = #tpu.dot_dimension_numbers<[1], [0], [0], [1], [0, 0, 1, 1], [], []>, transpose_lhs_hint = false} : vector<32x512xf32>, vector<512x1xf32>, vector<32x1xf32> -> vector<32x1xf32>
    %div3A_241 = arith.constant 1.200000e+02 : f32
    %div3A_242 = vector.broadcast %div3A_241 : f32 to vector<32x1xf32>
    %div3A_243 = arith.divf %dot_general3A_240, %div3A_242 : vector<32x1xf32>
    %slice3A_244 = vector.extract_strided_slice %div3A_8 {offsets = [64, 0], sizes = [32, 1], strides = [1, 1]} : vector<512x1xf32> to vector<32x1xf32>
    %slice3A_245 = vector.extract_strided_slice %get3A_11 {offsets = [64, 0], sizes = [32, 1], strides = [1, 1]} : vector<512x1xf32> to vector<32x1xf32>
    %add3A_246 = arith.constant 9.99999993E-9 : f32
    %add3A_247 = vector.broadcast %add3A_246 : f32 to vector<32x1xf32>
    %add3A_248 = arith.addf %slice3A_244, %add3A_247 : vector<32x1xf32>
    %div3A_249 = arith.divf %div3A_243, %add3A_248 : vector<32x1xf32>
    %sub3A_250 = arith.subf %div3A_249, %slice3A_245 : vector<32x1xf32>
    %mul3A_251 = arith.mulf %sub3A_250, %sub3A_250 : vector<32x1xf32>
    %reduce_sum3A_252 = vector.shape_cast %mul3A_251 : vector<32x1xf32> to vector<1x32x1xf32>
    %reduce_sum3A_253 = arith.constant dense<0.000000e+00> : vector<1xf32>
    %reduce_sum3A_254 = vector.multi_reduction <add>, %reduce_sum3A_252, %reduce_sum3A_253 [1, 2] : vector<1x32x1xf32> to vector<1xf32>
    %reduce_sum3A_255 = vector.shape_cast %reduce_sum3A_254 : vector<1xf32> to vector<1x1x1xf32>
    %reduce_sum3A_256 = vector.extract %reduce_sum3A_255[0, 0, 0] : f32 from vector<1x1x1xf32>
    %broadcast_in_dim3A_257 = vector.broadcast %reduce_sum3A_256 : f32 to vector<1x1xf32>
    %add3A_258 = arith.addf %add3A_207, %broadcast_in_dim3A_257 : vector<1x1xf32>
    %get3A_259 = arith.constant 1536 : index
    %get3A_260 = arith.constant 0 : index
    %get3A_261 = vector.load %arg1[%get3A_259, %get3A_260] : memref<8192x128xf32, #tpu.memory_space<vmem>>, vector<512x32xf32>
    %mul3A_262 = arith.mulf %get3A_261, %get3A_261 : vector<512x32xf32>
    %reduce_sum3A_263 = arith.constant dense<0.000000e+00> : vector<512xf32>
    %reduce_sum3A_264 = vector.multi_reduction <add>, %mul3A_262, %reduce_sum3A_263 [1] : vector<512x32xf32> to vector<512xf32>
    %broadcast_in_dim3A_265 = vector.shape_cast %reduce_sum3A_264 : vector<512xf32> to vector<512x1xf32>
    %dot_general3A_266 = arith.constant dense<0.000000e+00> : vector<1x512xf32>
    %dot_general3A_267 = tpu.matmul %broadcast_in_dim3A_107, %mul3A_262, %dot_general3A_266 {dimension_numbers = #tpu.dot_dimension_numbers<[1], [1], [0], [0], [0, 0, 1, 0], [], []>, transpose_lhs_hint = false} : vector<1x32xf32>, vector<512x32xf32>, vector<1x512xf32> -> vector<1x512xf32>
    %dot_general3A_268 = arith.constant dense<0.000000e+00> : vector<512x512xf32>
    %dot_general3A_269 = tpu.matmul %get3A_261, %get3A_261, %dot_general3A_268 {dimension_numbers = #tpu.dot_dimension_numbers<[1], [1], [0], [0], [0, 0, 1, 0], [], []>, transpose_lhs_hint = false} : vector<512x32xf32>, vector<512x32xf32>, vector<512x512xf32> -> vector<512x512xf32>
    %add3A_270 = vector.broadcast %broadcast_in_dim3A_265 : vector<512x1xf32> to vector<512x512xf32>
    %add3A_271 = vector.broadcast %dot_general3A_267 : vector<1x512xf32> to vector<512x512xf32>
    %add3A_272 = arith.addf %add3A_270, %add3A_271 : vector<512x512xf32>
    %mul3A_273 = arith.constant 2.000000e+00 : f32
    %mul3A_274 = vector.broadcast %mul3A_273 : f32 to vector<512x512xf32>
    %mul3A_275 = arith.mulf %mul3A_274, %dot_general3A_269 : vector<512x512xf32>
    %sub3A_276 = arith.subf %add3A_272, %mul3A_275 : vector<512x512xf32>
    %max3A_277 = arith.constant 0.000000e+00 : f32
    %max3A_278 = vector.broadcast %max3A_277 : f32 to vector<512x512xf32>
    %max3A_279 = arith.maximumf %sub3A_276, %max3A_278 : vector<512x512xf32>
    %add3A_280 = arith.constant 9.99999996E-13 : f32
    %add3A_281 = vector.broadcast %add3A_280 : f32 to vector<512x512xf32>
    %add3A_282 = arith.addf %max3A_279, %add3A_281 : vector<512x512xf32>
    %sqrt3A_283 = math.sqrt %add3A_282 : vector<512x512xf32>
    %jit3A_284 = arith.constant 0.000000e+00 : f32
    %broadcast_in_dim3A_285 = vector.broadcast %jit3A_284 : f32 to vector<512x512xf32>
    %select_n3A_286 = arith.select %and3A_69, %sqrt3A_283, %broadcast_in_dim3A_285 : vector<512x512xi1>, vector<512x512xf32>
    %reduce_sum3A_287 = arith.constant dense<0.000000e+00> : vector<512xf32>
    %reduce_sum3A_288 = vector.multi_reduction <add>, %select_n3A_286, %reduce_sum3A_287 [1] : vector<512x512xf32> to vector<512xf32>
    %broadcast_in_dim3A_289 = vector.shape_cast %reduce_sum3A_288 : vector<512xf32> to vector<512x1xf32>
    %dot_general3A_290 = arith.constant dense<0.000000e+00> : vector<32x1xf32>
    %dot_general3A_291 = tpu.matmul %convert_element_type3A_105, %broadcast_in_dim3A_289, %dot_general3A_290 {dimension_numbers = #tpu.dot_dimension_numbers<[1], [0], [0], [1], [0, 0, 1, 1], [], []>, transpose_lhs_hint = false} : vector<32x512xf32>, vector<512x1xf32>, vector<32x1xf32> -> vector<32x1xf32>
    %div3A_292 = arith.constant 1.200000e+02 : f32
    %div3A_293 = vector.broadcast %div3A_292 : f32 to vector<32x1xf32>
    %div3A_294 = arith.divf %dot_general3A_291, %div3A_293 : vector<32x1xf32>
    %slice3A_295 = vector.extract_strided_slice %div3A_8 {offsets = [96, 0], sizes = [32, 1], strides = [1, 1]} : vector<512x1xf32> to vector<32x1xf32>
    %slice3A_296 = vector.extract_strided_slice %get3A_11 {offsets = [96, 0], sizes = [32, 1], strides = [1, 1]} : vector<512x1xf32> to vector<32x1xf32>
    %add3A_297 = arith.constant 9.99999993E-9 : f32
    %add3A_298 = vector.broadcast %add3A_297 : f32 to vector<32x1xf32>
    %add3A_299 = arith.addf %slice3A_295, %add3A_298 : vector<32x1xf32>
    %div3A_300 = arith.divf %div3A_294, %add3A_299 : vector<32x1xf32>
    %sub3A_301 = arith.subf %div3A_300, %slice3A_296 : vector<32x1xf32>
    %mul3A_302 = arith.mulf %sub3A_301, %sub3A_301 : vector<32x1xf32>
    %reduce_sum3A_303 = vector.shape_cast %mul3A_302 : vector<32x1xf32> to vector<1x32x1xf32>
    %reduce_sum3A_304 = arith.constant dense<0.000000e+00> : vector<1xf32>
    %reduce_sum3A_305 = vector.multi_reduction <add>, %reduce_sum3A_303, %reduce_sum3A_304 [1, 2] : vector<1x32x1xf32> to vector<1xf32>
    %reduce_sum3A_306 = vector.shape_cast %reduce_sum3A_305 : vector<1xf32> to vector<1x1x1xf32>
    %reduce_sum3A_307 = vector.extract %reduce_sum3A_306[0, 0, 0] : f32 from vector<1x1x1xf32>
    %broadcast_in_dim3A_308 = vector.broadcast %reduce_sum3A_307 : f32 to vector<1x1xf32>
    %add3A_309 = arith.addf %add3A_258, %broadcast_in_dim3A_308 : vector<1x1xf32>
    %get3A_310 = arith.constant 2048 : index
    %get3A_311 = arith.constant 0 : index
    %get3A_312 = vector.load %arg1[%get3A_310, %get3A_311] : memref<8192x128xf32, #tpu.memory_space<vmem>>, vector<512x32xf32>
    %mul3A_313 = arith.mulf %get3A_312, %get3A_312 : vector<512x32xf32>
    %reduce_sum3A_314 = arith.constant dense<0.000000e+00> : vector<512xf32>
    %reduce_sum3A_315 = vector.multi_reduction <add>, %mul3A_313, %reduce_sum3A_314 [1] : vector<512x32xf32> to vector<512xf32>
    %broadcast_in_dim3A_316 = vector.shape_cast %reduce_sum3A_315 : vector<512xf32> to vector<512x1xf32>
    %dot_general3A_317 = arith.constant dense<0.000000e+00> : vector<1x512xf32>
    %dot_general3A_318 = tpu.matmul %broadcast_in_dim3A_107, %mul3A_313, %dot_general3A_317 {dimension_numbers = #tpu.dot_dimension_numbers<[1], [1], [0], [0], [0, 0, 1, 0], [], []>, transpose_lhs_hint = false} : vector<1x32xf32>, vector<512x32xf32>, vector<1x512xf32> -> vector<1x512xf32>
    %dot_general3A_319 = arith.constant dense<0.000000e+00> : vector<512x512xf32>
    %dot_general3A_320 = tpu.matmul %get3A_312, %get3A_312, %dot_general3A_319 {dimension_numbers = #tpu.dot_dimension_numbers<[1], [1], [0], [0], [0, 0, 1, 0], [], []>, transpose_lhs_hint = false} : vector<512x32xf32>, vector<512x32xf32>, vector<512x512xf32> -> vector<512x512xf32>
    %add3A_321 = vector.broadcast %broadcast_in_dim3A_316 : vector<512x1xf32> to vector<512x512xf32>
    %add3A_322 = vector.broadcast %dot_general3A_318 : vector<1x512xf32> to vector<512x512xf32>
    %add3A_323 = arith.addf %add3A_321, %add3A_322 : vector<512x512xf32>
    %mul3A_324 = arith.constant 2.000000e+00 : f32
    %mul3A_325 = vector.broadcast %mul3A_324 : f32 to vector<512x512xf32>
    %mul3A_326 = arith.mulf %mul3A_325, %dot_general3A_320 : vector<512x512xf32>
    %sub3A_327 = arith.subf %add3A_323, %mul3A_326 : vector<512x512xf32>
    %max3A_328 = arith.constant 0.000000e+00 : f32
    %max3A_329 = vector.broadcast %max3A_328 : f32 to vector<512x512xf32>
    %max3A_330 = arith.maximumf %sub3A_327, %max3A_329 : vector<512x512xf32>
    %add3A_331 = arith.constant 9.99999996E-13 : f32
    %add3A_332 = vector.broadcast %add3A_331 : f32 to vector<512x512xf32>
    %add3A_333 = arith.addf %max3A_330, %add3A_332 : vector<512x512xf32>
    %sqrt3A_334 = math.sqrt %add3A_333 : vector<512x512xf32>
    %jit3A_335 = arith.constant 0.000000e+00 : f32
    %broadcast_in_dim3A_336 = vector.broadcast %jit3A_335 : f32 to vector<512x512xf32>
    %select_n3A_337 = arith.select %and3A_69, %sqrt3A_334, %broadcast_in_dim3A_336 : vector<512x512xi1>, vector<512x512xf32>
    %reduce_sum3A_338 = arith.constant dense<0.000000e+00> : vector<512xf32>
    %reduce_sum3A_339 = vector.multi_reduction <add>, %select_n3A_337, %reduce_sum3A_338 [1] : vector<512x512xf32> to vector<512xf32>
    %broadcast_in_dim3A_340 = vector.shape_cast %reduce_sum3A_339 : vector<512xf32> to vector<512x1xf32>
    %dot_general3A_341 = arith.constant dense<0.000000e+00> : vector<32x1xf32>
    %dot_general3A_342 = tpu.matmul %convert_element_type3A_105, %broadcast_in_dim3A_340, %dot_general3A_341 {dimension_numbers = #tpu.dot_dimension_numbers<[1], [0], [0], [1], [0, 0, 1, 1], [], []>, transpose_lhs_hint = false} : vector<32x512xf32>, vector<512x1xf32>, vector<32x1xf32> -> vector<32x1xf32>
    %div3A_343 = arith.constant 1.200000e+02 : f32
    %div3A_344 = vector.broadcast %div3A_343 : f32 to vector<32x1xf32>
    %div3A_345 = arith.divf %dot_general3A_342, %div3A_344 : vector<32x1xf32>
    %slice3A_346 = vector.extract_strided_slice %div3A_8 {offsets = [128, 0], sizes = [32, 1], strides = [1, 1]} : vector<512x1xf32> to vector<32x1xf32>
    %slice3A_347 = vector.extract_strided_slice %get3A_11 {offsets = [128, 0], sizes = [32, 1], strides = [1, 1]} : vector<512x1xf32> to vector<32x1xf32>
    %add3A_348 = arith.constant 9.99999993E-9 : f32
    %add3A_349 = vector.broadcast %add3A_348 : f32 to vector<32x1xf32>
    %add3A_350 = arith.addf %slice3A_346, %add3A_349 : vector<32x1xf32>
    %div3A_351 = arith.divf %div3A_345, %add3A_350 : vector<32x1xf32>
    %sub3A_352 = arith.subf %div3A_351, %slice3A_347 : vector<32x1xf32>
    %mul3A_353 = arith.mulf %sub3A_352, %sub3A_352 : vector<32x1xf32>
    %reduce_sum3A_354 = vector.shape_cast %mul3A_353 : vector<32x1xf32> to vector<1x32x1xf32>
    %reduce_sum3A_355 = arith.constant dense<0.000000e+00> : vector<1xf32>
    %reduce_sum3A_356 = vector.multi_reduction <add>, %reduce_sum3A_354, %reduce_sum3A_355 [1, 2] : vector<1x32x1xf32> to vector<1xf32>
    %reduce_sum3A_357 = vector.shape_cast %reduce_sum3A_356 : vector<1xf32> to vector<1x1x1xf32>
    %reduce_sum3A_358 = vector.extract %reduce_sum3A_357[0, 0, 0] : f32 from vector<1x1x1xf32>
    %broadcast_in_dim3A_359 = vector.broadcast %reduce_sum3A_358 : f32 to vector<1x1xf32>
    %add3A_360 = arith.addf %add3A_309, %broadcast_in_dim3A_359 : vector<1x1xf32>
    %get3A_361 = arith.constant 2560 : index
    %get3A_362 = arith.constant 0 : index
    %get3A_363 = vector.load %arg1[%get3A_361, %get3A_362] : memref<8192x128xf32, #tpu.memory_space<vmem>>, vector<512x32xf32>
    %mul3A_364 = arith.mulf %get3A_363, %get3A_363 : vector<512x32xf32>
    %reduce_sum3A_365 = arith.constant dense<0.000000e+00> : vector<512xf32>
    %reduce_sum3A_366 = vector.multi_reduction <add>, %mul3A_364, %reduce_sum3A_365 [1] : vector<512x32xf32> to vector<512xf32>
    %broadcast_in_dim3A_367 = vector.shape_cast %reduce_sum3A_366 : vector<512xf32> to vector<512x1xf32>
    %dot_general3A_368 = arith.constant dense<0.000000e+00> : vector<1x512xf32>
    %dot_general3A_369 = tpu.matmul %broadcast_in_dim3A_107, %mul3A_364, %dot_general3A_368 {dimension_numbers = #tpu.dot_dimension_numbers<[1], [1], [0], [0], [0, 0, 1, 0], [], []>, transpose_lhs_hint = false} : vector<1x32xf32>, vector<512x32xf32>, vector<1x512xf32> -> vector<1x512xf32>
    %dot_general3A_370 = arith.constant dense<0.000000e+00> : vector<512x512xf32>
    %dot_general3A_371 = tpu.matmul %get3A_363, %get3A_363, %dot_general3A_370 {dimension_numbers = #tpu.dot_dimension_numbers<[1], [1], [0], [0], [0, 0, 1, 0], [], []>, transpose_lhs_hint = false} : vector<512x32xf32>, vector<512x32xf32>, vector<512x512xf32> -> vector<512x512xf32>
    %add3A_372 = vector.broadcast %broadcast_in_dim3A_367 : vector<512x1xf32> to vector<512x512xf32>
    %add3A_373 = vector.broadcast %dot_general3A_369 : vector<1x512xf32> to vector<512x512xf32>
    %add3A_374 = arith.addf %add3A_372, %add3A_373 : vector<512x512xf32>
    %mul3A_375 = arith.constant 2.000000e+00 : f32
    %mul3A_376 = vector.broadcast %mul3A_375 : f32 to vector<512x512xf32>
    %mul3A_377 = arith.mulf %mul3A_376, %dot_general3A_371 : vector<512x512xf32>
    %sub3A_378 = arith.subf %add3A_374, %mul3A_377 : vector<512x512xf32>
    %max3A_379 = arith.constant 0.000000e+00 : f32
    %max3A_380 = vector.broadcast %max3A_379 : f32 to vector<512x512xf32>
    %max3A_381 = arith.maximumf %sub3A_378, %max3A_380 : vector<512x512xf32>
    %add3A_382 = arith.constant 9.99999996E-13 : f32
    %add3A_383 = vector.broadcast %add3A_382 : f32 to vector<512x512xf32>
    %add3A_384 = arith.addf %max3A_381, %add3A_383 : vector<512x512xf32>
    %sqrt3A_385 = math.sqrt %add3A_384 : vector<512x512xf32>
    %jit3A_386 = arith.constant 0.000000e+00 : f32
    %broadcast_in_dim3A_387 = vector.broadcast %jit3A_386 : f32 to vector<512x512xf32>
    %select_n3A_388 = arith.select %and3A_69, %sqrt3A_385, %broadcast_in_dim3A_387 : vector<512x512xi1>, vector<512x512xf32>
    %reduce_sum3A_389 = arith.constant dense<0.000000e+00> : vector<512xf32>
    %reduce_sum3A_390 = vector.multi_reduction <add>, %select_n3A_388, %reduce_sum3A_389 [1] : vector<512x512xf32> to vector<512xf32>
    %broadcast_in_dim3A_391 = vector.shape_cast %reduce_sum3A_390 : vector<512xf32> to vector<512x1xf32>
    %dot_general3A_392 = arith.constant dense<0.000000e+00> : vector<32x1xf32>
    %dot_general3A_393 = tpu.matmul %convert_element_type3A_105, %broadcast_in_dim3A_391, %dot_general3A_392 {dimension_numbers = #tpu.dot_dimension_numbers<[1], [0], [0], [1], [0, 0, 1, 1], [], []>, transpose_lhs_hint = false} : vector<32x512xf32>, vector<512x1xf32>, vector<32x1xf32> -> vector<32x1xf32>
    %div3A_394 = arith.constant 1.200000e+02 : f32
    %div3A_395 = vector.broadcast %div3A_394 : f32 to vector<32x1xf32>
    %div3A_396 = arith.divf %dot_general3A_393, %div3A_395 : vector<32x1xf32>
    %slice3A_397 = vector.extract_strided_slice %div3A_8 {offsets = [160, 0], sizes = [32, 1], strides = [1, 1]} : vector<512x1xf32> to vector<32x1xf32>
    %slice3A_398 = vector.extract_strided_slice %get3A_11 {offsets = [160, 0], sizes = [32, 1], strides = [1, 1]} : vector<512x1xf32> to vector<32x1xf32>
    %add3A_399 = arith.constant 9.99999993E-9 : f32
    %add3A_400 = vector.broadcast %add3A_399 : f32 to vector<32x1xf32>
    %add3A_401 = arith.addf %slice3A_397, %add3A_400 : vector<32x1xf32>
    %div3A_402 = arith.divf %div3A_396, %add3A_401 : vector<32x1xf32>
    %sub3A_403 = arith.subf %div3A_402, %slice3A_398 : vector<32x1xf32>
    %mul3A_404 = arith.mulf %sub3A_403, %sub3A_403 : vector<32x1xf32>
    %reduce_sum3A_405 = vector.shape_cast %mul3A_404 : vector<32x1xf32> to vector<1x32x1xf32>
    %reduce_sum3A_406 = arith.constant dense<0.000000e+00> : vector<1xf32>
    %reduce_sum3A_407 = vector.multi_reduction <add>, %reduce_sum3A_405, %reduce_sum3A_406 [1, 2] : vector<1x32x1xf32> to vector<1xf32>
    %reduce_sum3A_408 = vector.shape_cast %reduce_sum3A_407 : vector<1xf32> to vector<1x1x1xf32>
    %reduce_sum3A_409 = vector.extract %reduce_sum3A_408[0, 0, 0] : f32 from vector<1x1x1xf32>
    %broadcast_in_dim3A_410 = vector.broadcast %reduce_sum3A_409 : f32 to vector<1x1xf32>
    %add3A_411 = arith.addf %add3A_360, %broadcast_in_dim3A_410 : vector<1x1xf32>
    %get3A_412 = arith.constant 3072 : index
    %get3A_413 = arith.constant 0 : index
    %get3A_414 = vector.load %arg1[%get3A_412, %get3A_413] : memref<8192x128xf32, #tpu.memory_space<vmem>>, vector<512x32xf32>
    %mul3A_415 = arith.mulf %get3A_414, %get3A_414 : vector<512x32xf32>
    %reduce_sum3A_416 = arith.constant dense<0.000000e+00> : vector<512xf32>
    %reduce_sum3A_417 = vector.multi_reduction <add>, %mul3A_415, %reduce_sum3A_416 [1] : vector<512x32xf32> to vector<512xf32>
    %broadcast_in_dim3A_418 = vector.shape_cast %reduce_sum3A_417 : vector<512xf32> to vector<512x1xf32>
    %dot_general3A_419 = arith.constant dense<0.000000e+00> : vector<1x512xf32>
    %dot_general3A_420 = tpu.matmul %broadcast_in_dim3A_107, %mul3A_415, %dot_general3A_419 {dimension_numbers = #tpu.dot_dimension_numbers<[1], [1], [0], [0], [0, 0, 1, 0], [], []>, transpose_lhs_hint = false} : vector<1x32xf32>, vector<512x32xf32>, vector<1x512xf32> -> vector<1x512xf32>
    %dot_general3A_421 = arith.constant dense<0.000000e+00> : vector<512x512xf32>
    %dot_general3A_422 = tpu.matmul %get3A_414, %get3A_414, %dot_general3A_421 {dimension_numbers = #tpu.dot_dimension_numbers<[1], [1], [0], [0], [0, 0, 1, 0], [], []>, transpose_lhs_hint = false} : vector<512x32xf32>, vector<512x32xf32>, vector<512x512xf32> -> vector<512x512xf32>
    %add3A_423 = vector.broadcast %broadcast_in_dim3A_418 : vector<512x1xf32> to vector<512x512xf32>
    %add3A_424 = vector.broadcast %dot_general3A_420 : vector<1x512xf32> to vector<512x512xf32>
    %add3A_425 = arith.addf %add3A_423, %add3A_424 : vector<512x512xf32>
    %mul3A_426 = arith.constant 2.000000e+00 : f32
    %mul3A_427 = vector.broadcast %mul3A_426 : f32 to vector<512x512xf32>
    %mul3A_428 = arith.mulf %mul3A_427, %dot_general3A_422 : vector<512x512xf32>
    %sub3A_429 = arith.subf %add3A_425, %mul3A_428 : vector<512x512xf32>
    %max3A_430 = arith.constant 0.000000e+00 : f32
    %max3A_431 = vector.broadcast %max3A_430 : f32 to vector<512x512xf32>
    %max3A_432 = arith.maximumf %sub3A_429, %max3A_431 : vector<512x512xf32>
    %add3A_433 = arith.constant 9.99999996E-13 : f32
    %add3A_434 = vector.broadcast %add3A_433 : f32 to vector<512x512xf32>
    %add3A_435 = arith.addf %max3A_432, %add3A_434 : vector<512x512xf32>
    %sqrt3A_436 = math.sqrt %add3A_435 : vector<512x512xf32>
    %jit3A_437 = arith.constant 0.000000e+00 : f32
    %broadcast_in_dim3A_438 = vector.broadcast %jit3A_437 : f32 to vector<512x512xf32>
    %select_n3A_439 = arith.select %and3A_69, %sqrt3A_436, %broadcast_in_dim3A_438 : vector<512x512xi1>, vector<512x512xf32>
    %reduce_sum3A_440 = arith.constant dense<0.000000e+00> : vector<512xf32>
    %reduce_sum3A_441 = vector.multi_reduction <add>, %select_n3A_439, %reduce_sum3A_440 [1] : vector<512x512xf32> to vector<512xf32>
    %broadcast_in_dim3A_442 = vector.shape_cast %reduce_sum3A_441 : vector<512xf32> to vector<512x1xf32>
    %dot_general3A_443 = arith.constant dense<0.000000e+00> : vector<32x1xf32>
    %dot_general3A_444 = tpu.matmul %convert_element_type3A_105, %broadcast_in_dim3A_442, %dot_general3A_443 {dimension_numbers = #tpu.dot_dimension_numbers<[1], [0], [0], [1], [0, 0, 1, 1], [], []>, transpose_lhs_hint = false} : vector<32x512xf32>, vector<512x1xf32>, vector<32x1xf32> -> vector<32x1xf32>
    %div3A_445 = arith.constant 1.200000e+02 : f32
    %div3A_446 = vector.broadcast %div3A_445 : f32 to vector<32x1xf32>
    %div3A_447 = arith.divf %dot_general3A_444, %div3A_446 : vector<32x1xf32>
    %slice3A_448 = vector.extract_strided_slice %div3A_8 {offsets = [192, 0], sizes = [32, 1], strides = [1, 1]} : vector<512x1xf32> to vector<32x1xf32>
    %slice3A_449 = vector.extract_strided_slice %get3A_11 {offsets = [192, 0], sizes = [32, 1], strides = [1, 1]} : vector<512x1xf32> to vector<32x1xf32>
    %add3A_450 = arith.constant 9.99999993E-9 : f32
    %add3A_451 = vector.broadcast %add3A_450 : f32 to vector<32x1xf32>
    %add3A_452 = arith.addf %slice3A_448, %add3A_451 : vector<32x1xf32>
    %div3A_453 = arith.divf %div3A_447, %add3A_452 : vector<32x1xf32>
    %sub3A_454 = arith.subf %div3A_453, %slice3A_449 : vector<32x1xf32>
    %mul3A_455 = arith.mulf %sub3A_454, %sub3A_454 : vector<32x1xf32>
    %reduce_sum3A_456 = vector.shape_cast %mul3A_455 : vector<32x1xf32> to vector<1x32x1xf32>
    %reduce_sum3A_457 = arith.constant dense<0.000000e+00> : vector<1xf32>
    %reduce_sum3A_458 = vector.multi_reduction <add>, %reduce_sum3A_456, %reduce_sum3A_457 [1, 2] : vector<1x32x1xf32> to vector<1xf32>
    %reduce_sum3A_459 = vector.shape_cast %reduce_sum3A_458 : vector<1xf32> to vector<1x1x1xf32>
    %reduce_sum3A_460 = vector.extract %reduce_sum3A_459[0, 0, 0] : f32 from vector<1x1x1xf32>
    %broadcast_in_dim3A_461 = vector.broadcast %reduce_sum3A_460 : f32 to vector<1x1xf32>
    %add3A_462 = arith.addf %add3A_411, %broadcast_in_dim3A_461 : vector<1x1xf32>
    %get3A_463 = arith.constant 3584 : index
    %get3A_464 = arith.constant 0 : index
    %get3A_465 = vector.load %arg1[%get3A_463, %get3A_464] : memref<8192x128xf32, #tpu.memory_space<vmem>>, vector<512x32xf32>
    %mul3A_466 = arith.mulf %get3A_465, %get3A_465 : vector<512x32xf32>
    %reduce_sum3A_467 = arith.constant dense<0.000000e+00> : vector<512xf32>
    %reduce_sum3A_468 = vector.multi_reduction <add>, %mul3A_466, %reduce_sum3A_467 [1] : vector<512x32xf32> to vector<512xf32>
    %broadcast_in_dim3A_469 = vector.shape_cast %reduce_sum3A_468 : vector<512xf32> to vector<512x1xf32>
    %dot_general3A_470 = arith.constant dense<0.000000e+00> : vector<1x512xf32>
    %dot_general3A_471 = tpu.matmul %broadcast_in_dim3A_107, %mul3A_466, %dot_general3A_470 {dimension_numbers = #tpu.dot_dimension_numbers<[1], [1], [0], [0], [0, 0, 1, 0], [], []>, transpose_lhs_hint = false} : vector<1x32xf32>, vector<512x32xf32>, vector<1x512xf32> -> vector<1x512xf32>
    %dot_general3A_472 = arith.constant dense<0.000000e+00> : vector<512x512xf32>
    %dot_general3A_473 = tpu.matmul %get3A_465, %get3A_465, %dot_general3A_472 {dimension_numbers = #tpu.dot_dimension_numbers<[1], [1], [0], [0], [0, 0, 1, 0], [], []>, transpose_lhs_hint = false} : vector<512x32xf32>, vector<512x32xf32>, vector<512x512xf32> -> vector<512x512xf32>
    %add3A_474 = vector.broadcast %broadcast_in_dim3A_469 : vector<512x1xf32> to vector<512x512xf32>
    %add3A_475 = vector.broadcast %dot_general3A_471 : vector<1x512xf32> to vector<512x512xf32>
    %add3A_476 = arith.addf %add3A_474, %add3A_475 : vector<512x512xf32>
    %mul3A_477 = arith.constant 2.000000e+00 : f32
    %mul3A_478 = vector.broadcast %mul3A_477 : f32 to vector<512x512xf32>
    %mul3A_479 = arith.mulf %mul3A_478, %dot_general3A_473 : vector<512x512xf32>
    %sub3A_480 = arith.subf %add3A_476, %mul3A_479 : vector<512x512xf32>
    %max3A_481 = arith.constant 0.000000e+00 : f32
    %max3A_482 = vector.broadcast %max3A_481 : f32 to vector<512x512xf32>
    %max3A_483 = arith.maximumf %sub3A_480, %max3A_482 : vector<512x512xf32>
    %add3A_484 = arith.constant 9.99999996E-13 : f32
    %add3A_485 = vector.broadcast %add3A_484 : f32 to vector<512x512xf32>
    %add3A_486 = arith.addf %max3A_483, %add3A_485 : vector<512x512xf32>
    %sqrt3A_487 = math.sqrt %add3A_486 : vector<512x512xf32>
    %jit3A_488 = arith.constant 0.000000e+00 : f32
    %broadcast_in_dim3A_489 = vector.broadcast %jit3A_488 : f32 to vector<512x512xf32>
    %select_n3A_490 = arith.select %and3A_69, %sqrt3A_487, %broadcast_in_dim3A_489 : vector<512x512xi1>, vector<512x512xf32>
    %reduce_sum3A_491 = arith.constant dense<0.000000e+00> : vector<512xf32>
    %reduce_sum3A_492 = vector.multi_reduction <add>, %select_n3A_490, %reduce_sum3A_491 [1] : vector<512x512xf32> to vector<512xf32>
    %broadcast_in_dim3A_493 = vector.shape_cast %reduce_sum3A_492 : vector<512xf32> to vector<512x1xf32>
    %dot_general3A_494 = arith.constant dense<0.000000e+00> : vector<32x1xf32>
    %dot_general3A_495 = tpu.matmul %convert_element_type3A_105, %broadcast_in_dim3A_493, %dot_general3A_494 {dimension_numbers = #tpu.dot_dimension_numbers<[1], [0], [0], [1], [0, 0, 1, 1], [], []>, transpose_lhs_hint = false} : vector<32x512xf32>, vector<512x1xf32>, vector<32x1xf32> -> vector<32x1xf32>
    %div3A_496 = arith.constant 1.200000e+02 : f32
    %div3A_497 = vector.broadcast %div3A_496 : f32 to vector<32x1xf32>
    %div3A_498 = arith.divf %dot_general3A_495, %div3A_497 : vector<32x1xf32>
    %slice3A_499 = vector.extract_strided_slice %div3A_8 {offsets = [224, 0], sizes = [32, 1], strides = [1, 1]} : vector<512x1xf32> to vector<32x1xf32>
    %slice3A_500 = vector.extract_strided_slice %get3A_11 {offsets = [224, 0], sizes = [32, 1], strides = [1, 1]} : vector<512x1xf32> to vector<32x1xf32>
    %add3A_501 = arith.constant 9.99999993E-9 : f32
    %add3A_502 = vector.broadcast %add3A_501 : f32 to vector<32x1xf32>
    %add3A_503 = arith.addf %slice3A_499, %add3A_502 : vector<32x1xf32>
    %div3A_504 = arith.divf %div3A_498, %add3A_503 : vector<32x1xf32>
    %sub3A_505 = arith.subf %div3A_504, %slice3A_500 : vector<32x1xf32>
    %mul3A_506 = arith.mulf %sub3A_505, %sub3A_505 : vector<32x1xf32>
    %reduce_sum3A_507 = vector.shape_cast %mul3A_506 : vector<32x1xf32> to vector<1x32x1xf32>
    %reduce_sum3A_508 = arith.constant dense<0.000000e+00> : vector<1xf32>
    %reduce_sum3A_509 = vector.multi_reduction <add>, %reduce_sum3A_507, %reduce_sum3A_508 [1, 2] : vector<1x32x1xf32> to vector<1xf32>
    %reduce_sum3A_510 = vector.shape_cast %reduce_sum3A_509 : vector<1xf32> to vector<1x1x1xf32>
    %reduce_sum3A_511 = vector.extract %reduce_sum3A_510[0, 0, 0] : f32 from vector<1x1x1xf32>
    %broadcast_in_dim3A_512 = vector.broadcast %reduce_sum3A_511 : f32 to vector<1x1xf32>
    %add3A_513 = arith.addf %add3A_462, %broadcast_in_dim3A_512 : vector<1x1xf32>
    %get3A_514 = arith.constant 4096 : index
    %get3A_515 = arith.constant 0 : index
    %get3A_516 = vector.load %arg1[%get3A_514, %get3A_515] : memref<8192x128xf32, #tpu.memory_space<vmem>>, vector<512x32xf32>
    %mul3A_517 = arith.mulf %get3A_516, %get3A_516 : vector<512x32xf32>
    %reduce_sum3A_518 = arith.constant dense<0.000000e+00> : vector<512xf32>
    %reduce_sum3A_519 = vector.multi_reduction <add>, %mul3A_517, %reduce_sum3A_518 [1] : vector<512x32xf32> to vector<512xf32>
    %broadcast_in_dim3A_520 = vector.shape_cast %reduce_sum3A_519 : vector<512xf32> to vector<512x1xf32>
    %dot_general3A_521 = arith.constant dense<0.000000e+00> : vector<1x512xf32>
    %dot_general3A_522 = tpu.matmul %broadcast_in_dim3A_107, %mul3A_517, %dot_general3A_521 {dimension_numbers = #tpu.dot_dimension_numbers<[1], [1], [0], [0], [0, 0, 1, 0], [], []>, transpose_lhs_hint = false} : vector<1x32xf32>, vector<512x32xf32>, vector<1x512xf32> -> vector<1x512xf32>
    %dot_general3A_523 = arith.constant dense<0.000000e+00> : vector<512x512xf32>
    %dot_general3A_524 = tpu.matmul %get3A_516, %get3A_516, %dot_general3A_523 {dimension_numbers = #tpu.dot_dimension_numbers<[1], [1], [0], [0], [0, 0, 1, 0], [], []>, transpose_lhs_hint = false} : vector<512x32xf32>, vector<512x32xf32>, vector<512x512xf32> -> vector<512x512xf32>
    %add3A_525 = vector.broadcast %broadcast_in_dim3A_520 : vector<512x1xf32> to vector<512x512xf32>
    %add3A_526 = vector.broadcast %dot_general3A_522 : vector<1x512xf32> to vector<512x512xf32>
    %add3A_527 = arith.addf %add3A_525, %add3A_526 : vector<512x512xf32>
    %mul3A_528 = arith.constant 2.000000e+00 : f32
    %mul3A_529 = vector.broadcast %mul3A_528 : f32 to vector<512x512xf32>
    %mul3A_530 = arith.mulf %mul3A_529, %dot_general3A_524 : vector<512x512xf32>
    %sub3A_531 = arith.subf %add3A_527, %mul3A_530 : vector<512x512xf32>
    %max3A_532 = arith.constant 0.000000e+00 : f32
    %max3A_533 = vector.broadcast %max3A_532 : f32 to vector<512x512xf32>
    %max3A_534 = arith.maximumf %sub3A_531, %max3A_533 : vector<512x512xf32>
    %add3A_535 = arith.constant 9.99999996E-13 : f32
    %add3A_536 = vector.broadcast %add3A_535 : f32 to vector<512x512xf32>
    %add3A_537 = arith.addf %max3A_534, %add3A_536 : vector<512x512xf32>
    %sqrt3A_538 = math.sqrt %add3A_537 : vector<512x512xf32>
    %jit3A_539 = arith.constant 0.000000e+00 : f32
    %broadcast_in_dim3A_540 = vector.broadcast %jit3A_539 : f32 to vector<512x512xf32>
    %select_n3A_541 = arith.select %and3A_69, %sqrt3A_538, %broadcast_in_dim3A_540 : vector<512x512xi1>, vector<512x512xf32>
    %reduce_sum3A_542 = arith.constant dense<0.000000e+00> : vector<512xf32>
    %reduce_sum3A_543 = vector.multi_reduction <add>, %select_n3A_541, %reduce_sum3A_542 [1] : vector<512x512xf32> to vector<512xf32>
    %broadcast_in_dim3A_544 = vector.shape_cast %reduce_sum3A_543 : vector<512xf32> to vector<512x1xf32>
    %dot_general3A_545 = arith.constant dense<0.000000e+00> : vector<32x1xf32>
    %dot_general3A_546 = tpu.matmul %convert_element_type3A_105, %broadcast_in_dim3A_544, %dot_general3A_545 {dimension_numbers = #tpu.dot_dimension_numbers<[1], [0], [0], [1], [0, 0, 1, 1], [], []>, transpose_lhs_hint = false} : vector<32x512xf32>, vector<512x1xf32>, vector<32x1xf32> -> vector<32x1xf32>
    %div3A_547 = arith.constant 1.200000e+02 : f32
    %div3A_548 = vector.broadcast %div3A_547 : f32 to vector<32x1xf32>
    %div3A_549 = arith.divf %dot_general3A_546, %div3A_548 : vector<32x1xf32>
    %slice3A_550 = vector.extract_strided_slice %div3A_8 {offsets = [256, 0], sizes = [32, 1], strides = [1, 1]} : vector<512x1xf32> to vector<32x1xf32>
    %slice3A_551 = vector.extract_strided_slice %get3A_11 {offsets = [256, 0], sizes = [32, 1], strides = [1, 1]} : vector<512x1xf32> to vector<32x1xf32>
    %add3A_552 = arith.constant 9.99999993E-9 : f32
    %add3A_553 = vector.broadcast %add3A_552 : f32 to vector<32x1xf32>
    %add3A_554 = arith.addf %slice3A_550, %add3A_553 : vector<32x1xf32>
    %div3A_555 = arith.divf %div3A_549, %add3A_554 : vector<32x1xf32>
    %sub3A_556 = arith.subf %div3A_555, %slice3A_551 : vector<32x1xf32>
    %mul3A_557 = arith.mulf %sub3A_556, %sub3A_556 : vector<32x1xf32>
    %reduce_sum3A_558 = vector.shape_cast %mul3A_557 : vector<32x1xf32> to vector<1x32x1xf32>
    %reduce_sum3A_559 = arith.constant dense<0.000000e+00> : vector<1xf32>
    %reduce_sum3A_560 = vector.multi_reduction <add>, %reduce_sum3A_558, %reduce_sum3A_559 [1, 2] : vector<1x32x1xf32> to vector<1xf32>
    %reduce_sum3A_561 = vector.shape_cast %reduce_sum3A_560 : vector<1xf32> to vector<1x1x1xf32>
    %reduce_sum3A_562 = vector.extract %reduce_sum3A_561[0, 0, 0] : f32 from vector<1x1x1xf32>
    %broadcast_in_dim3A_563 = vector.broadcast %reduce_sum3A_562 : f32 to vector<1x1xf32>
    %add3A_564 = arith.addf %add3A_513, %broadcast_in_dim3A_563 : vector<1x1xf32>
    %get3A_565 = arith.constant 4608 : index
    %get3A_566 = arith.constant 0 : index
    %get3A_567 = vector.load %arg1[%get3A_565, %get3A_566] : memref<8192x128xf32, #tpu.memory_space<vmem>>, vector<512x32xf32>
    %mul3A_568 = arith.mulf %get3A_567, %get3A_567 : vector<512x32xf32>
    %reduce_sum3A_569 = arith.constant dense<0.000000e+00> : vector<512xf32>
    %reduce_sum3A_570 = vector.multi_reduction <add>, %mul3A_568, %reduce_sum3A_569 [1] : vector<512x32xf32> to vector<512xf32>
    %broadcast_in_dim3A_571 = vector.shape_cast %reduce_sum3A_570 : vector<512xf32> to vector<512x1xf32>
    %dot_general3A_572 = arith.constant dense<0.000000e+00> : vector<1x512xf32>
    %dot_general3A_573 = tpu.matmul %broadcast_in_dim3A_107, %mul3A_568, %dot_general3A_572 {dimension_numbers = #tpu.dot_dimension_numbers<[1], [1], [0], [0], [0, 0, 1, 0], [], []>, transpose_lhs_hint = false} : vector<1x32xf32>, vector<512x32xf32>, vector<1x512xf32> -> vector<1x512xf32>
    %dot_general3A_574 = arith.constant dense<0.000000e+00> : vector<512x512xf32>
    %dot_general3A_575 = tpu.matmul %get3A_567, %get3A_567, %dot_general3A_574 {dimension_numbers = #tpu.dot_dimension_numbers<[1], [1], [0], [0], [0, 0, 1, 0], [], []>, transpose_lhs_hint = false} : vector<512x32xf32>, vector<512x32xf32>, vector<512x512xf32> -> vector<512x512xf32>
    %add3A_576 = vector.broadcast %broadcast_in_dim3A_571 : vector<512x1xf32> to vector<512x512xf32>
    %add3A_577 = vector.broadcast %dot_general3A_573 : vector<1x512xf32> to vector<512x512xf32>
    %add3A_578 = arith.addf %add3A_576, %add3A_577 : vector<512x512xf32>
    %mul3A_579 = arith.constant 2.000000e+00 : f32
    %mul3A_580 = vector.broadcast %mul3A_579 : f32 to vector<512x512xf32>
    %mul3A_581 = arith.mulf %mul3A_580, %dot_general3A_575 : vector<512x512xf32>
    %sub3A_582 = arith.subf %add3A_578, %mul3A_581 : vector<512x512xf32>
    %max3A_583 = arith.constant 0.000000e+00 : f32
    %max3A_584 = vector.broadcast %max3A_583 : f32 to vector<512x512xf32>
    %max3A_585 = arith.maximumf %sub3A_582, %max3A_584 : vector<512x512xf32>
    %add3A_586 = arith.constant 9.99999996E-13 : f32
    %add3A_587 = vector.broadcast %add3A_586 : f32 to vector<512x512xf32>
    %add3A_588 = arith.addf %max3A_585, %add3A_587 : vector<512x512xf32>
    %sqrt3A_589 = math.sqrt %add3A_588 : vector<512x512xf32>
    %jit3A_590 = arith.constant 0.000000e+00 : f32
    %broadcast_in_dim3A_591 = vector.broadcast %jit3A_590 : f32 to vector<512x512xf32>
    %select_n3A_592 = arith.select %and3A_69, %sqrt3A_589, %broadcast_in_dim3A_591 : vector<512x512xi1>, vector<512x512xf32>
    %reduce_sum3A_593 = arith.constant dense<0.000000e+00> : vector<512xf32>
    %reduce_sum3A_594 = vector.multi_reduction <add>, %select_n3A_592, %reduce_sum3A_593 [1] : vector<512x512xf32> to vector<512xf32>
    %broadcast_in_dim3A_595 = vector.shape_cast %reduce_sum3A_594 : vector<512xf32> to vector<512x1xf32>
    %dot_general3A_596 = arith.constant dense<0.000000e+00> : vector<32x1xf32>
    %dot_general3A_597 = tpu.matmul %convert_element_type3A_105, %broadcast_in_dim3A_595, %dot_general3A_596 {dimension_numbers = #tpu.dot_dimension_numbers<[1], [0], [0], [1], [0, 0, 1, 1], [], []>, transpose_lhs_hint = false} : vector<32x512xf32>, vector<512x1xf32>, vector<32x1xf32> -> vector<32x1xf32>
    %div3A_598 = arith.constant 1.200000e+02 : f32
    %div3A_599 = vector.broadcast %div3A_598 : f32 to vector<32x1xf32>
    %div3A_600 = arith.divf %dot_general3A_597, %div3A_599 : vector<32x1xf32>
    %slice3A_601 = vector.extract_strided_slice %div3A_8 {offsets = [288, 0], sizes = [32, 1], strides = [1, 1]} : vector<512x1xf32> to vector<32x1xf32>
    %slice3A_602 = vector.extract_strided_slice %get3A_11 {offsets = [288, 0], sizes = [32, 1], strides = [1, 1]} : vector<512x1xf32> to vector<32x1xf32>
    %add3A_603 = arith.constant 9.99999993E-9 : f32
    %add3A_604 = vector.broadcast %add3A_603 : f32 to vector<32x1xf32>
    %add3A_605 = arith.addf %slice3A_601, %add3A_604 : vector<32x1xf32>
    %div3A_606 = arith.divf %div3A_600, %add3A_605 : vector<32x1xf32>
    %sub3A_607 = arith.subf %div3A_606, %slice3A_602 : vector<32x1xf32>
    %mul3A_608 = arith.mulf %sub3A_607, %sub3A_607 : vector<32x1xf32>
    %reduce_sum3A_609 = vector.shape_cast %mul3A_608 : vector<32x1xf32> to vector<1x32x1xf32>
    %reduce_sum3A_610 = arith.constant dense<0.000000e+00> : vector<1xf32>
    %reduce_sum3A_611 = vector.multi_reduction <add>, %reduce_sum3A_609, %reduce_sum3A_610 [1, 2] : vector<1x32x1xf32> to vector<1xf32>
    %reduce_sum3A_612 = vector.shape_cast %reduce_sum3A_611 : vector<1xf32> to vector<1x1x1xf32>
    %reduce_sum3A_613 = vector.extract %reduce_sum3A_612[0, 0, 0] : f32 from vector<1x1x1xf32>
    %broadcast_in_dim3A_614 = vector.broadcast %reduce_sum3A_613 : f32 to vector<1x1xf32>
    %add3A_615 = arith.addf %add3A_564, %broadcast_in_dim3A_614 : vector<1x1xf32>
    %get3A_616 = arith.constant 5120 : index
    %get3A_617 = arith.constant 0 : index
    %get3A_618 = vector.load %arg1[%get3A_616, %get3A_617] : memref<8192x128xf32, #tpu.memory_space<vmem>>, vector<512x32xf32>
    %mul3A_619 = arith.mulf %get3A_618, %get3A_618 : vector<512x32xf32>
    %reduce_sum3A_620 = arith.constant dense<0.000000e+00> : vector<512xf32>
    %reduce_sum3A_621 = vector.multi_reduction <add>, %mul3A_619, %reduce_sum3A_620 [1] : vector<512x32xf32> to vector<512xf32>
    %broadcast_in_dim3A_622 = vector.shape_cast %reduce_sum3A_621 : vector<512xf32> to vector<512x1xf32>
    %dot_general3A_623 = arith.constant dense<0.000000e+00> : vector<1x512xf32>
    %dot_general3A_624 = tpu.matmul %broadcast_in_dim3A_107, %mul3A_619, %dot_general3A_623 {dimension_numbers = #tpu.dot_dimension_numbers<[1], [1], [0], [0], [0, 0, 1, 0], [], []>, transpose_lhs_hint = false} : vector<1x32xf32>, vector<512x32xf32>, vector<1x512xf32> -> vector<1x512xf32>
    %dot_general3A_625 = arith.constant dense<0.000000e+00> : vector<512x512xf32>
    %dot_general3A_626 = tpu.matmul %get3A_618, %get3A_618, %dot_general3A_625 {dimension_numbers = #tpu.dot_dimension_numbers<[1], [1], [0], [0], [0, 0, 1, 0], [], []>, transpose_lhs_hint = false} : vector<512x32xf32>, vector<512x32xf32>, vector<512x512xf32> -> vector<512x512xf32>
    %add3A_627 = vector.broadcast %broadcast_in_dim3A_622 : vector<512x1xf32> to vector<512x512xf32>
    %add3A_628 = vector.broadcast %dot_general3A_624 : vector<1x512xf32> to vector<512x512xf32>
    %add3A_629 = arith.addf %add3A_627, %add3A_628 : vector<512x512xf32>
    %mul3A_630 = arith.constant 2.000000e+00 : f32
    %mul3A_631 = vector.broadcast %mul3A_630 : f32 to vector<512x512xf32>
    %mul3A_632 = arith.mulf %mul3A_631, %dot_general3A_626 : vector<512x512xf32>
    %sub3A_633 = arith.subf %add3A_629, %mul3A_632 : vector<512x512xf32>
    %max3A_634 = arith.constant 0.000000e+00 : f32
    %max3A_635 = vector.broadcast %max3A_634 : f32 to vector<512x512xf32>
    %max3A_636 = arith.maximumf %sub3A_633, %max3A_635 : vector<512x512xf32>
    %add3A_637 = arith.constant 9.99999996E-13 : f32
    %add3A_638 = vector.broadcast %add3A_637 : f32 to vector<512x512xf32>
    %add3A_639 = arith.addf %max3A_636, %add3A_638 : vector<512x512xf32>
    %sqrt3A_640 = math.sqrt %add3A_639 : vector<512x512xf32>
    %jit3A_641 = arith.constant 0.000000e+00 : f32
    %broadcast_in_dim3A_642 = vector.broadcast %jit3A_641 : f32 to vector<512x512xf32>
    %select_n3A_643 = arith.select %and3A_69, %sqrt3A_640, %broadcast_in_dim3A_642 : vector<512x512xi1>, vector<512x512xf32>
    %reduce_sum3A_644 = arith.constant dense<0.000000e+00> : vector<512xf32>
    %reduce_sum3A_645 = vector.multi_reduction <add>, %select_n3A_643, %reduce_sum3A_644 [1] : vector<512x512xf32> to vector<512xf32>
    %broadcast_in_dim3A_646 = vector.shape_cast %reduce_sum3A_645 : vector<512xf32> to vector<512x1xf32>
    %dot_general3A_647 = arith.constant dense<0.000000e+00> : vector<32x1xf32>
    %dot_general3A_648 = tpu.matmul %convert_element_type3A_105, %broadcast_in_dim3A_646, %dot_general3A_647 {dimension_numbers = #tpu.dot_dimension_numbers<[1], [0], [0], [1], [0, 0, 1, 1], [], []>, transpose_lhs_hint = false} : vector<32x512xf32>, vector<512x1xf32>, vector<32x1xf32> -> vector<32x1xf32>
    %div3A_649 = arith.constant 1.200000e+02 : f32
    %div3A_650 = vector.broadcast %div3A_649 : f32 to vector<32x1xf32>
    %div3A_651 = arith.divf %dot_general3A_648, %div3A_650 : vector<32x1xf32>
    %slice3A_652 = vector.extract_strided_slice %div3A_8 {offsets = [320, 0], sizes = [32, 1], strides = [1, 1]} : vector<512x1xf32> to vector<32x1xf32>
    %slice3A_653 = vector.extract_strided_slice %get3A_11 {offsets = [320, 0], sizes = [32, 1], strides = [1, 1]} : vector<512x1xf32> to vector<32x1xf32>
    %add3A_654 = arith.constant 9.99999993E-9 : f32
    %add3A_655 = vector.broadcast %add3A_654 : f32 to vector<32x1xf32>
    %add3A_656 = arith.addf %slice3A_652, %add3A_655 : vector<32x1xf32>
    %div3A_657 = arith.divf %div3A_651, %add3A_656 : vector<32x1xf32>
    %sub3A_658 = arith.subf %div3A_657, %slice3A_653 : vector<32x1xf32>
    %mul3A_659 = arith.mulf %sub3A_658, %sub3A_658 : vector<32x1xf32>
    %reduce_sum3A_660 = vector.shape_cast %mul3A_659 : vector<32x1xf32> to vector<1x32x1xf32>
    %reduce_sum3A_661 = arith.constant dense<0.000000e+00> : vector<1xf32>
    %reduce_sum3A_662 = vector.multi_reduction <add>, %reduce_sum3A_660, %reduce_sum3A_661 [1, 2] : vector<1x32x1xf32> to vector<1xf32>
    %reduce_sum3A_663 = vector.shape_cast %reduce_sum3A_662 : vector<1xf32> to vector<1x1x1xf32>
    %reduce_sum3A_664 = vector.extract %reduce_sum3A_663[0, 0, 0] : f32 from vector<1x1x1xf32>
    %broadcast_in_dim3A_665 = vector.broadcast %reduce_sum3A_664 : f32 to vector<1x1xf32>
    %add3A_666 = arith.addf %add3A_615, %broadcast_in_dim3A_665 : vector<1x1xf32>
    %get3A_667 = arith.constant 5632 : index
    %get3A_668 = arith.constant 0 : index
    %get3A_669 = vector.load %arg1[%get3A_667, %get3A_668] : memref<8192x128xf32, #tpu.memory_space<vmem>>, vector<512x32xf32>
    %mul3A_670 = arith.mulf %get3A_669, %get3A_669 : vector<512x32xf32>
    %reduce_sum3A_671 = arith.constant dense<0.000000e+00> : vector<512xf32>
    %reduce_sum3A_672 = vector.multi_reduction <add>, %mul3A_670, %reduce_sum3A_671 [1] : vector<512x32xf32> to vector<512xf32>
    %broadcast_in_dim3A_673 = vector.shape_cast %reduce_sum3A_672 : vector<512xf32> to vector<512x1xf32>
    %dot_general3A_674 = arith.constant dense<0.000000e+00> : vector<1x512xf32>
    %dot_general3A_675 = tpu.matmul %broadcast_in_dim3A_107, %mul3A_670, %dot_general3A_674 {dimension_numbers = #tpu.dot_dimension_numbers<[1], [1], [0], [0], [0, 0, 1, 0], [], []>, transpose_lhs_hint = false} : vector<1x32xf32>, vector<512x32xf32>, vector<1x512xf32> -> vector<1x512xf32>
    %dot_general3A_676 = arith.constant dense<0.000000e+00> : vector<512x512xf32>
    %dot_general3A_677 = tpu.matmul %get3A_669, %get3A_669, %dot_general3A_676 {dimension_numbers = #tpu.dot_dimension_numbers<[1], [1], [0], [0], [0, 0, 1, 0], [], []>, transpose_lhs_hint = false} : vector<512x32xf32>, vector<512x32xf32>, vector<512x512xf32> -> vector<512x512xf32>
    %add3A_678 = vector.broadcast %broadcast_in_dim3A_673 : vector<512x1xf32> to vector<512x512xf32>
    %add3A_679 = vector.broadcast %dot_general3A_675 : vector<1x512xf32> to vector<512x512xf32>
    %add3A_680 = arith.addf %add3A_678, %add3A_679 : vector<512x512xf32>
    %mul3A_681 = arith.constant 2.000000e+00 : f32
    %mul3A_682 = vector.broadcast %mul3A_681 : f32 to vector<512x512xf32>
    %mul3A_683 = arith.mulf %mul3A_682, %dot_general3A_677 : vector<512x512xf32>
    %sub3A_684 = arith.subf %add3A_680, %mul3A_683 : vector<512x512xf32>
    %max3A_685 = arith.constant 0.000000e+00 : f32
    %max3A_686 = vector.broadcast %max3A_685 : f32 to vector<512x512xf32>
    %max3A_687 = arith.maximumf %sub3A_684, %max3A_686 : vector<512x512xf32>
    %add3A_688 = arith.constant 9.99999996E-13 : f32
    %add3A_689 = vector.broadcast %add3A_688 : f32 to vector<512x512xf32>
    %add3A_690 = arith.addf %max3A_687, %add3A_689 : vector<512x512xf32>
    %sqrt3A_691 = math.sqrt %add3A_690 : vector<512x512xf32>
    %jit3A_692 = arith.constant 0.000000e+00 : f32
    %broadcast_in_dim3A_693 = vector.broadcast %jit3A_692 : f32 to vector<512x512xf32>
    %select_n3A_694 = arith.select %and3A_69, %sqrt3A_691, %broadcast_in_dim3A_693 : vector<512x512xi1>, vector<512x512xf32>
    %reduce_sum3A_695 = arith.constant dense<0.000000e+00> : vector<512xf32>
    %reduce_sum3A_696 = vector.multi_reduction <add>, %select_n3A_694, %reduce_sum3A_695 [1] : vector<512x512xf32> to vector<512xf32>
    %broadcast_in_dim3A_697 = vector.shape_cast %reduce_sum3A_696 : vector<512xf32> to vector<512x1xf32>
    %dot_general3A_698 = arith.constant dense<0.000000e+00> : vector<32x1xf32>
    %dot_general3A_699 = tpu.matmul %convert_element_type3A_105, %broadcast_in_dim3A_697, %dot_general3A_698 {dimension_numbers = #tpu.dot_dimension_numbers<[1], [0], [0], [1], [0, 0, 1, 1], [], []>, transpose_lhs_hint = false} : vector<32x512xf32>, vector<512x1xf32>, vector<32x1xf32> -> vector<32x1xf32>
    %div3A_700 = arith.constant 1.200000e+02 : f32
    %div3A_701 = vector.broadcast %div3A_700 : f32 to vector<32x1xf32>
    %div3A_702 = arith.divf %dot_general3A_699, %div3A_701 : vector<32x1xf32>
    %slice3A_703 = vector.extract_strided_slice %div3A_8 {offsets = [352, 0], sizes = [32, 1], strides = [1, 1]} : vector<512x1xf32> to vector<32x1xf32>
    %slice3A_704 = vector.extract_strided_slice %get3A_11 {offsets = [352, 0], sizes = [32, 1], strides = [1, 1]} : vector<512x1xf32> to vector<32x1xf32>
    %add3A_705 = arith.constant 9.99999993E-9 : f32
    %add3A_706 = vector.broadcast %add3A_705 : f32 to vector<32x1xf32>
    %add3A_707 = arith.addf %slice3A_703, %add3A_706 : vector<32x1xf32>
    %div3A_708 = arith.divf %div3A_702, %add3A_707 : vector<32x1xf32>
    %sub3A_709 = arith.subf %div3A_708, %slice3A_704 : vector<32x1xf32>
    %mul3A_710 = arith.mulf %sub3A_709, %sub3A_709 : vector<32x1xf32>
    %reduce_sum3A_711 = vector.shape_cast %mul3A_710 : vector<32x1xf32> to vector<1x32x1xf32>
    %reduce_sum3A_712 = arith.constant dense<0.000000e+00> : vector<1xf32>
    %reduce_sum3A_713 = vector.multi_reduction <add>, %reduce_sum3A_711, %reduce_sum3A_712 [1, 2] : vector<1x32x1xf32> to vector<1xf32>
    %reduce_sum3A_714 = vector.shape_cast %reduce_sum3A_713 : vector<1xf32> to vector<1x1x1xf32>
    %reduce_sum3A_715 = vector.extract %reduce_sum3A_714[0, 0, 0] : f32 from vector<1x1x1xf32>
    %broadcast_in_dim3A_716 = vector.broadcast %reduce_sum3A_715 : f32 to vector<1x1xf32>
    %add3A_717 = arith.addf %add3A_666, %broadcast_in_dim3A_716 : vector<1x1xf32>
    %get3A_718 = arith.constant 6144 : index
    %get3A_719 = arith.constant 0 : index
    %get3A_720 = vector.load %arg1[%get3A_718, %get3A_719] : memref<8192x128xf32, #tpu.memory_space<vmem>>, vector<512x32xf32>
    %mul3A_721 = arith.mulf %get3A_720, %get3A_720 : vector<512x32xf32>
    %reduce_sum3A_722 = arith.constant dense<0.000000e+00> : vector<512xf32>
    %reduce_sum3A_723 = vector.multi_reduction <add>, %mul3A_721, %reduce_sum3A_722 [1] : vector<512x32xf32> to vector<512xf32>
    %broadcast_in_dim3A_724 = vector.shape_cast %reduce_sum3A_723 : vector<512xf32> to vector<512x1xf32>
    %dot_general3A_725 = arith.constant dense<0.000000e+00> : vector<1x512xf32>
    %dot_general3A_726 = tpu.matmul %broadcast_in_dim3A_107, %mul3A_721, %dot_general3A_725 {dimension_numbers = #tpu.dot_dimension_numbers<[1], [1], [0], [0], [0, 0, 1, 0], [], []>, transpose_lhs_hint = false} : vector<1x32xf32>, vector<512x32xf32>, vector<1x512xf32> -> vector<1x512xf32>
    %dot_general3A_727 = arith.constant dense<0.000000e+00> : vector<512x512xf32>
    %dot_general3A_728 = tpu.matmul %get3A_720, %get3A_720, %dot_general3A_727 {dimension_numbers = #tpu.dot_dimension_numbers<[1], [1], [0], [0], [0, 0, 1, 0], [], []>, transpose_lhs_hint = false} : vector<512x32xf32>, vector<512x32xf32>, vector<512x512xf32> -> vector<512x512xf32>
    %add3A_729 = vector.broadcast %broadcast_in_dim3A_724 : vector<512x1xf32> to vector<512x512xf32>
    %add3A_730 = vector.broadcast %dot_general3A_726 : vector<1x512xf32> to vector<512x512xf32>
    %add3A_731 = arith.addf %add3A_729, %add3A_730 : vector<512x512xf32>
    %mul3A_732 = arith.constant 2.000000e+00 : f32
    %mul3A_733 = vector.broadcast %mul3A_732 : f32 to vector<512x512xf32>
    %mul3A_734 = arith.mulf %mul3A_733, %dot_general3A_728 : vector<512x512xf32>
    %sub3A_735 = arith.subf %add3A_731, %mul3A_734 : vector<512x512xf32>
    %max3A_736 = arith.constant 0.000000e+00 : f32
    %max3A_737 = vector.broadcast %max3A_736 : f32 to vector<512x512xf32>
    %max3A_738 = arith.maximumf %sub3A_735, %max3A_737 : vector<512x512xf32>
    %add3A_739 = arith.constant 9.99999996E-13 : f32
    %add3A_740 = vector.broadcast %add3A_739 : f32 to vector<512x512xf32>
    %add3A_741 = arith.addf %max3A_738, %add3A_740 : vector<512x512xf32>
    %sqrt3A_742 = math.sqrt %add3A_741 : vector<512x512xf32>
    %jit3A_743 = arith.constant 0.000000e+00 : f32
    %broadcast_in_dim3A_744 = vector.broadcast %jit3A_743 : f32 to vector<512x512xf32>
    %select_n3A_745 = arith.select %and3A_69, %sqrt3A_742, %broadcast_in_dim3A_744 : vector<512x512xi1>, vector<512x512xf32>
    %reduce_sum3A_746 = arith.constant dense<0.000000e+00> : vector<512xf32>
    %reduce_sum3A_747 = vector.multi_reduction <add>, %select_n3A_745, %reduce_sum3A_746 [1] : vector<512x512xf32> to vector<512xf32>
    %broadcast_in_dim3A_748 = vector.shape_cast %reduce_sum3A_747 : vector<512xf32> to vector<512x1xf32>
    %dot_general3A_749 = arith.constant dense<0.000000e+00> : vector<32x1xf32>
    %dot_general3A_750 = tpu.matmul %convert_element_type3A_105, %broadcast_in_dim3A_748, %dot_general3A_749 {dimension_numbers = #tpu.dot_dimension_numbers<[1], [0], [0], [1], [0, 0, 1, 1], [], []>, transpose_lhs_hint = false} : vector<32x512xf32>, vector<512x1xf32>, vector<32x1xf32> -> vector<32x1xf32>
    %div3A_751 = arith.constant 1.200000e+02 : f32
    %div3A_752 = vector.broadcast %div3A_751 : f32 to vector<32x1xf32>
    %div3A_753 = arith.divf %dot_general3A_750, %div3A_752 : vector<32x1xf32>
    %slice3A_754 = vector.extract_strided_slice %div3A_8 {offsets = [384, 0], sizes = [32, 1], strides = [1, 1]} : vector<512x1xf32> to vector<32x1xf32>
    %slice3A_755 = vector.extract_strided_slice %get3A_11 {offsets = [384, 0], sizes = [32, 1], strides = [1, 1]} : vector<512x1xf32> to vector<32x1xf32>
    %add3A_756 = arith.constant 9.99999993E-9 : f32
    %add3A_757 = vector.broadcast %add3A_756 : f32 to vector<32x1xf32>
    %add3A_758 = arith.addf %slice3A_754, %add3A_757 : vector<32x1xf32>
    %div3A_759 = arith.divf %div3A_753, %add3A_758 : vector<32x1xf32>
    %sub3A_760 = arith.subf %div3A_759, %slice3A_755 : vector<32x1xf32>
    %mul3A_761 = arith.mulf %sub3A_760, %sub3A_760 : vector<32x1xf32>
    %reduce_sum3A_762 = vector.shape_cast %mul3A_761 : vector<32x1xf32> to vector<1x32x1xf32>
    %reduce_sum3A_763 = arith.constant dense<0.000000e+00> : vector<1xf32>
    %reduce_sum3A_764 = vector.multi_reduction <add>, %reduce_sum3A_762, %reduce_sum3A_763 [1, 2] : vector<1x32x1xf32> to vector<1xf32>
    %reduce_sum3A_765 = vector.shape_cast %reduce_sum3A_764 : vector<1xf32> to vector<1x1x1xf32>
    %reduce_sum3A_766 = vector.extract %reduce_sum3A_765[0, 0, 0] : f32 from vector<1x1x1xf32>
    %broadcast_in_dim3A_767 = vector.broadcast %reduce_sum3A_766 : f32 to vector<1x1xf32>
    %add3A_768 = arith.addf %add3A_717, %broadcast_in_dim3A_767 : vector<1x1xf32>
    %get3A_769 = arith.constant 6656 : index
    %get3A_770 = arith.constant 0 : index
    %get3A_771 = vector.load %arg1[%get3A_769, %get3A_770] : memref<8192x128xf32, #tpu.memory_space<vmem>>, vector<512x32xf32>
    %mul3A_772 = arith.mulf %get3A_771, %get3A_771 : vector<512x32xf32>
    %reduce_sum3A_773 = arith.constant dense<0.000000e+00> : vector<512xf32>
    %reduce_sum3A_774 = vector.multi_reduction <add>, %mul3A_772, %reduce_sum3A_773 [1] : vector<512x32xf32> to vector<512xf32>
    %broadcast_in_dim3A_775 = vector.shape_cast %reduce_sum3A_774 : vector<512xf32> to vector<512x1xf32>
    %dot_general3A_776 = arith.constant dense<0.000000e+00> : vector<1x512xf32>
    %dot_general3A_777 = tpu.matmul %broadcast_in_dim3A_107, %mul3A_772, %dot_general3A_776 {dimension_numbers = #tpu.dot_dimension_numbers<[1], [1], [0], [0], [0, 0, 1, 0], [], []>, transpose_lhs_hint = false} : vector<1x32xf32>, vector<512x32xf32>, vector<1x512xf32> -> vector<1x512xf32>
    %dot_general3A_778 = arith.constant dense<0.000000e+00> : vector<512x512xf32>
    %dot_general3A_779 = tpu.matmul %get3A_771, %get3A_771, %dot_general3A_778 {dimension_numbers = #tpu.dot_dimension_numbers<[1], [1], [0], [0], [0, 0, 1, 0], [], []>, transpose_lhs_hint = false} : vector<512x32xf32>, vector<512x32xf32>, vector<512x512xf32> -> vector<512x512xf32>
    %add3A_780 = vector.broadcast %broadcast_in_dim3A_775 : vector<512x1xf32> to vector<512x512xf32>
    %add3A_781 = vector.broadcast %dot_general3A_777 : vector<1x512xf32> to vector<512x512xf32>
    %add3A_782 = arith.addf %add3A_780, %add3A_781 : vector<512x512xf32>
    %mul3A_783 = arith.constant 2.000000e+00 : f32
    %mul3A_784 = vector.broadcast %mul3A_783 : f32 to vector<512x512xf32>
    %mul3A_785 = arith.mulf %mul3A_784, %dot_general3A_779 : vector<512x512xf32>
    %sub3A_786 = arith.subf %add3A_782, %mul3A_785 : vector<512x512xf32>
    %max3A_787 = arith.constant 0.000000e+00 : f32
    %max3A_788 = vector.broadcast %max3A_787 : f32 to vector<512x512xf32>
    %max3A_789 = arith.maximumf %sub3A_786, %max3A_788 : vector<512x512xf32>
    %add3A_790 = arith.constant 9.99999996E-13 : f32
    %add3A_791 = vector.broadcast %add3A_790 : f32 to vector<512x512xf32>
    %add3A_792 = arith.addf %max3A_789, %add3A_791 : vector<512x512xf32>
    %sqrt3A_793 = math.sqrt %add3A_792 : vector<512x512xf32>
    %jit3A_794 = arith.constant 0.000000e+00 : f32
    %broadcast_in_dim3A_795 = vector.broadcast %jit3A_794 : f32 to vector<512x512xf32>
    %select_n3A_796 = arith.select %and3A_69, %sqrt3A_793, %broadcast_in_dim3A_795 : vector<512x512xi1>, vector<512x512xf32>
    %reduce_sum3A_797 = arith.constant dense<0.000000e+00> : vector<512xf32>
    %reduce_sum3A_798 = vector.multi_reduction <add>, %select_n3A_796, %reduce_sum3A_797 [1] : vector<512x512xf32> to vector<512xf32>
    %broadcast_in_dim3A_799 = vector.shape_cast %reduce_sum3A_798 : vector<512xf32> to vector<512x1xf32>
    %dot_general3A_800 = arith.constant dense<0.000000e+00> : vector<32x1xf32>
    %dot_general3A_801 = tpu.matmul %convert_element_type3A_105, %broadcast_in_dim3A_799, %dot_general3A_800 {dimension_numbers = #tpu.dot_dimension_numbers<[1], [0], [0], [1], [0, 0, 1, 1], [], []>, transpose_lhs_hint = false} : vector<32x512xf32>, vector<512x1xf32>, vector<32x1xf32> -> vector<32x1xf32>
    %div3A_802 = arith.constant 1.200000e+02 : f32
    %div3A_803 = vector.broadcast %div3A_802 : f32 to vector<32x1xf32>
    %div3A_804 = arith.divf %dot_general3A_801, %div3A_803 : vector<32x1xf32>
    %slice3A_805 = vector.extract_strided_slice %div3A_8 {offsets = [416, 0], sizes = [32, 1], strides = [1, 1]} : vector<512x1xf32> to vector<32x1xf32>
    %slice3A_806 = vector.extract_strided_slice %get3A_11 {offsets = [416, 0], sizes = [32, 1], strides = [1, 1]} : vector<512x1xf32> to vector<32x1xf32>
    %add3A_807 = arith.constant 9.99999993E-9 : f32
    %add3A_808 = vector.broadcast %add3A_807 : f32 to vector<32x1xf32>
    %add3A_809 = arith.addf %slice3A_805, %add3A_808 : vector<32x1xf32>
    %div3A_810 = arith.divf %div3A_804, %add3A_809 : vector<32x1xf32>
    %sub3A_811 = arith.subf %div3A_810, %slice3A_806 : vector<32x1xf32>
    %mul3A_812 = arith.mulf %sub3A_811, %sub3A_811 : vector<32x1xf32>
    %reduce_sum3A_813 = vector.shape_cast %mul3A_812 : vector<32x1xf32> to vector<1x32x1xf32>
    %reduce_sum3A_814 = arith.constant dense<0.000000e+00> : vector<1xf32>
    %reduce_sum3A_815 = vector.multi_reduction <add>, %reduce_sum3A_813, %reduce_sum3A_814 [1, 2] : vector<1x32x1xf32> to vector<1xf32>
    %reduce_sum3A_816 = vector.shape_cast %reduce_sum3A_815 : vector<1xf32> to vector<1x1x1xf32>
    %reduce_sum3A_817 = vector.extract %reduce_sum3A_816[0, 0, 0] : f32 from vector<1x1x1xf32>
    %broadcast_in_dim3A_818 = vector.broadcast %reduce_sum3A_817 : f32 to vector<1x1xf32>
    %add3A_819 = arith.addf %add3A_768, %broadcast_in_dim3A_818 : vector<1x1xf32>
    %get3A_820 = arith.constant 7168 : index
    %get3A_821 = arith.constant 0 : index
    %get3A_822 = vector.load %arg1[%get3A_820, %get3A_821] : memref<8192x128xf32, #tpu.memory_space<vmem>>, vector<512x32xf32>
    %mul3A_823 = arith.mulf %get3A_822, %get3A_822 : vector<512x32xf32>
    %reduce_sum3A_824 = arith.constant dense<0.000000e+00> : vector<512xf32>
    %reduce_sum3A_825 = vector.multi_reduction <add>, %mul3A_823, %reduce_sum3A_824 [1] : vector<512x32xf32> to vector<512xf32>
    %broadcast_in_dim3A_826 = vector.shape_cast %reduce_sum3A_825 : vector<512xf32> to vector<512x1xf32>
    %dot_general3A_827 = arith.constant dense<0.000000e+00> : vector<1x512xf32>
    %dot_general3A_828 = tpu.matmul %broadcast_in_dim3A_107, %mul3A_823, %dot_general3A_827 {dimension_numbers = #tpu.dot_dimension_numbers<[1], [1], [0], [0], [0, 0, 1, 0], [], []>, transpose_lhs_hint = false} : vector<1x32xf32>, vector<512x32xf32>, vector<1x512xf32> -> vector<1x512xf32>
    %dot_general3A_829 = arith.constant dense<0.000000e+00> : vector<512x512xf32>
    %dot_general3A_830 = tpu.matmul %get3A_822, %get3A_822, %dot_general3A_829 {dimension_numbers = #tpu.dot_dimension_numbers<[1], [1], [0], [0], [0, 0, 1, 0], [], []>, transpose_lhs_hint = false} : vector<512x32xf32>, vector<512x32xf32>, vector<512x512xf32> -> vector<512x512xf32>
    %add3A_831 = vector.broadcast %broadcast_in_dim3A_826 : vector<512x1xf32> to vector<512x512xf32>
    %add3A_832 = vector.broadcast %dot_general3A_828 : vector<1x512xf32> to vector<512x512xf32>
    %add3A_833 = arith.addf %add3A_831, %add3A_832 : vector<512x512xf32>
    %mul3A_834 = arith.constant 2.000000e+00 : f32
    %mul3A_835 = vector.broadcast %mul3A_834 : f32 to vector<512x512xf32>
    %mul3A_836 = arith.mulf %mul3A_835, %dot_general3A_830 : vector<512x512xf32>
    %sub3A_837 = arith.subf %add3A_833, %mul3A_836 : vector<512x512xf32>
    %max3A_838 = arith.constant 0.000000e+00 : f32
    %max3A_839 = vector.broadcast %max3A_838 : f32 to vector<512x512xf32>
    %max3A_840 = arith.maximumf %sub3A_837, %max3A_839 : vector<512x512xf32>
    %add3A_841 = arith.constant 9.99999996E-13 : f32
    %add3A_842 = vector.broadcast %add3A_841 : f32 to vector<512x512xf32>
    %add3A_843 = arith.addf %max3A_840, %add3A_842 : vector<512x512xf32>
    %sqrt3A_844 = math.sqrt %add3A_843 : vector<512x512xf32>
    %jit3A_845 = arith.constant 0.000000e+00 : f32
    %broadcast_in_dim3A_846 = vector.broadcast %jit3A_845 : f32 to vector<512x512xf32>
    %select_n3A_847 = arith.select %and3A_69, %sqrt3A_844, %broadcast_in_dim3A_846 : vector<512x512xi1>, vector<512x512xf32>
    %reduce_sum3A_848 = arith.constant dense<0.000000e+00> : vector<512xf32>
    %reduce_sum3A_849 = vector.multi_reduction <add>, %select_n3A_847, %reduce_sum3A_848 [1] : vector<512x512xf32> to vector<512xf32>
    %broadcast_in_dim3A_850 = vector.shape_cast %reduce_sum3A_849 : vector<512xf32> to vector<512x1xf32>
    %dot_general3A_851 = arith.constant dense<0.000000e+00> : vector<32x1xf32>
    %dot_general3A_852 = tpu.matmul %convert_element_type3A_105, %broadcast_in_dim3A_850, %dot_general3A_851 {dimension_numbers = #tpu.dot_dimension_numbers<[1], [0], [0], [1], [0, 0, 1, 1], [], []>, transpose_lhs_hint = false} : vector<32x512xf32>, vector<512x1xf32>, vector<32x1xf32> -> vector<32x1xf32>
    %div3A_853 = arith.constant 1.200000e+02 : f32
    %div3A_854 = vector.broadcast %div3A_853 : f32 to vector<32x1xf32>
    %div3A_855 = arith.divf %dot_general3A_852, %div3A_854 : vector<32x1xf32>
    %slice3A_856 = vector.extract_strided_slice %div3A_8 {offsets = [448, 0], sizes = [32, 1], strides = [1, 1]} : vector<512x1xf32> to vector<32x1xf32>
    %slice3A_857 = vector.extract_strided_slice %get3A_11 {offsets = [448, 0], sizes = [32, 1], strides = [1, 1]} : vector<512x1xf32> to vector<32x1xf32>
    %add3A_858 = arith.constant 9.99999993E-9 : f32
    %add3A_859 = vector.broadcast %add3A_858 : f32 to vector<32x1xf32>
    %add3A_860 = arith.addf %slice3A_856, %add3A_859 : vector<32x1xf32>
    %div3A_861 = arith.divf %div3A_855, %add3A_860 : vector<32x1xf32>
    %sub3A_862 = arith.subf %div3A_861, %slice3A_857 : vector<32x1xf32>
    %mul3A_863 = arith.mulf %sub3A_862, %sub3A_862 : vector<32x1xf32>
    %reduce_sum3A_864 = vector.shape_cast %mul3A_863 : vector<32x1xf32> to vector<1x32x1xf32>
    %reduce_sum3A_865 = arith.constant dense<0.000000e+00> : vector<1xf32>
    %reduce_sum3A_866 = vector.multi_reduction <add>, %reduce_sum3A_864, %reduce_sum3A_865 [1, 2] : vector<1x32x1xf32> to vector<1xf32>
    %reduce_sum3A_867 = vector.shape_cast %reduce_sum3A_866 : vector<1xf32> to vector<1x1x1xf32>
    %reduce_sum3A_868 = vector.extract %reduce_sum3A_867[0, 0, 0] : f32 from vector<1x1x1xf32>
    %broadcast_in_dim3A_869 = vector.broadcast %reduce_sum3A_868 : f32 to vector<1x1xf32>
    %add3A_870 = arith.addf %add3A_819, %broadcast_in_dim3A_869 : vector<1x1xf32>
    %get3A_871 = arith.constant 7680 : index
    %get3A_872 = arith.constant 0 : index
    %get3A_873 = vector.load %arg1[%get3A_871, %get3A_872] : memref<8192x128xf32, #tpu.memory_space<vmem>>, vector<512x32xf32>
    %mul3A_874 = arith.mulf %get3A_873, %get3A_873 : vector<512x32xf32>
    %reduce_sum3A_875 = arith.constant dense<0.000000e+00> : vector<512xf32>
    %reduce_sum3A_876 = vector.multi_reduction <add>, %mul3A_874, %reduce_sum3A_875 [1] : vector<512x32xf32> to vector<512xf32>
    %broadcast_in_dim3A_877 = vector.shape_cast %reduce_sum3A_876 : vector<512xf32> to vector<512x1xf32>
    %dot_general3A_878 = arith.constant dense<0.000000e+00> : vector<1x512xf32>
    %dot_general3A_879 = tpu.matmul %broadcast_in_dim3A_107, %mul3A_874, %dot_general3A_878 {dimension_numbers = #tpu.dot_dimension_numbers<[1], [1], [0], [0], [0, 0, 1, 0], [], []>, transpose_lhs_hint = false} : vector<1x32xf32>, vector<512x32xf32>, vector<1x512xf32> -> vector<1x512xf32>
    %dot_general3A_880 = arith.constant dense<0.000000e+00> : vector<512x512xf32>
    %dot_general3A_881 = tpu.matmul %get3A_873, %get3A_873, %dot_general3A_880 {dimension_numbers = #tpu.dot_dimension_numbers<[1], [1], [0], [0], [0, 0, 1, 0], [], []>, transpose_lhs_hint = false} : vector<512x32xf32>, vector<512x32xf32>, vector<512x512xf32> -> vector<512x512xf32>
    %add3A_882 = vector.broadcast %broadcast_in_dim3A_877 : vector<512x1xf32> to vector<512x512xf32>
    %add3A_883 = vector.broadcast %dot_general3A_879 : vector<1x512xf32> to vector<512x512xf32>
    %add3A_884 = arith.addf %add3A_882, %add3A_883 : vector<512x512xf32>
    %mul3A_885 = arith.constant 2.000000e+00 : f32
    %mul3A_886 = vector.broadcast %mul3A_885 : f32 to vector<512x512xf32>
    %mul3A_887 = arith.mulf %mul3A_886, %dot_general3A_881 : vector<512x512xf32>
    %sub3A_888 = arith.subf %add3A_884, %mul3A_887 : vector<512x512xf32>
    %max3A_889 = arith.constant 0.000000e+00 : f32
    %max3A_890 = vector.broadcast %max3A_889 : f32 to vector<512x512xf32>
    %max3A_891 = arith.maximumf %sub3A_888, %max3A_890 : vector<512x512xf32>
    %add3A_892 = arith.constant 9.99999996E-13 : f32
    %add3A_893 = vector.broadcast %add3A_892 : f32 to vector<512x512xf32>
    %add3A_894 = arith.addf %max3A_891, %add3A_893 : vector<512x512xf32>
    %sqrt3A_895 = math.sqrt %add3A_894 : vector<512x512xf32>
    %jit3A_896 = arith.constant 0.000000e+00 : f32
    %broadcast_in_dim3A_897 = vector.broadcast %jit3A_896 : f32 to vector<512x512xf32>
    %select_n3A_898 = arith.select %and3A_69, %sqrt3A_895, %broadcast_in_dim3A_897 : vector<512x512xi1>, vector<512x512xf32>
    %reduce_sum3A_899 = arith.constant dense<0.000000e+00> : vector<512xf32>
    %reduce_sum3A_900 = vector.multi_reduction <add>, %select_n3A_898, %reduce_sum3A_899 [1] : vector<512x512xf32> to vector<512xf32>
    %broadcast_in_dim3A_901 = vector.shape_cast %reduce_sum3A_900 : vector<512xf32> to vector<512x1xf32>
    %dot_general3A_902 = arith.constant dense<0.000000e+00> : vector<32x1xf32>
    %dot_general3A_903 = tpu.matmul %convert_element_type3A_105, %broadcast_in_dim3A_901, %dot_general3A_902 {dimension_numbers = #tpu.dot_dimension_numbers<[1], [0], [0], [1], [0, 0, 1, 1], [], []>, transpose_lhs_hint = false} : vector<32x512xf32>, vector<512x1xf32>, vector<32x1xf32> -> vector<32x1xf32>
    %div3A_904 = arith.constant 1.200000e+02 : f32
    %div3A_905 = vector.broadcast %div3A_904 : f32 to vector<32x1xf32>
    %div3A_906 = arith.divf %dot_general3A_903, %div3A_905 : vector<32x1xf32>
    %slice3A_907 = vector.extract_strided_slice %div3A_8 {offsets = [480, 0], sizes = [32, 1], strides = [1, 1]} : vector<512x1xf32> to vector<32x1xf32>
    %slice3A_908 = vector.extract_strided_slice %get3A_11 {offsets = [480, 0], sizes = [32, 1], strides = [1, 1]} : vector<512x1xf32> to vector<32x1xf32>
    %add3A_909 = arith.constant 9.99999993E-9 : f32
    %add3A_910 = vector.broadcast %add3A_909 : f32 to vector<32x1xf32>
    %add3A_911 = arith.addf %slice3A_907, %add3A_910 : vector<32x1xf32>
    %div3A_912 = arith.divf %div3A_906, %add3A_911 : vector<32x1xf32>
    %sub3A_913 = arith.subf %div3A_912, %slice3A_908 : vector<32x1xf32>
    %mul3A_914 = arith.mulf %sub3A_913, %sub3A_913 : vector<32x1xf32>
    %reduce_sum3A_915 = vector.shape_cast %mul3A_914 : vector<32x1xf32> to vector<1x32x1xf32>
    %reduce_sum3A_916 = arith.constant dense<0.000000e+00> : vector<1xf32>
    %reduce_sum3A_917 = vector.multi_reduction <add>, %reduce_sum3A_915, %reduce_sum3A_916 [1, 2] : vector<1x32x1xf32> to vector<1xf32>
    %reduce_sum3A_918 = vector.shape_cast %reduce_sum3A_917 : vector<1xf32> to vector<1x1x1xf32>
    %reduce_sum3A_919 = vector.extract %reduce_sum3A_918[0, 0, 0] : f32 from vector<1x1x1xf32>
    %broadcast_in_dim3A_920 = vector.broadcast %reduce_sum3A_919 : f32 to vector<1x1xf32>
    %add3A_921 = arith.addf %add3A_870, %broadcast_in_dim3A_920 : vector<1x1xf32>
    %get3A_922 = arith.constant 0 : index
    %get3A_923 = arith.constant 0 : index
    %get3A_924 = vector.load %arg5[%get3A_922, %get3A_923] : memref<1x1xf32, #tpu.memory_space<vmem>>, vector<1x1xf32>
    %add3A_925 = arith.addf %get3A_924, %add3A_921 : vector<1x1xf32>
    %swap3A = arith.constant 0 : index
    %swap3A_926 = arith.constant 0 : index
    %swap3A_927 = vector.load %arg5[%swap3A, %swap3A_926] : memref<1x1xf32, #tpu.memory_space<vmem>>, vector<1x1xf32>
    tpu.vector_store %arg5[%swap3A, %swap3A_926], %add3A_925 {strides = array<i32>} : memref<1x1xf32, #tpu.memory_space<vmem>>, vector<1x1xf32>,
    %get3A_928 = arith.constant 0 : index
    %get3A_929 = arith.constant 0 : index
    %get3A_930 = vector.load %arg6[%get3A_928, %get3A_929] : memref<1x1xf32, #tpu.memory_space<vmem>>, vector<1x1xf32>
    %reduce_sum3A_931 = vector.shape_cast %sqrt3A : vector<512x16xf32> to vector<1x512x16xf32>
    %reduce_sum3A_932 = arith.constant dense<0.000000e+00> : vector<1xf32>
    %reduce_sum3A_933 = vector.multi_reduction <add>, %reduce_sum3A_931, %reduce_sum3A_932 [1, 2] : vector<1x512x16xf32> to vector<1xf32>
    %reduce_sum3A_934 = vector.shape_cast %reduce_sum3A_933 : vector<1xf32> to vector<1x1x1xf32>
    %reduce_sum3A_935 = vector.extract %reduce_sum3A_934[0, 0, 0] : f32 from vector<1x1x1xf32>
    %broadcast_in_dim3A_936 = vector.broadcast %reduce_sum3A_935 : f32 to vector<1x1xf32>
    %add3A_937 = arith.addf %get3A_930, %broadcast_in_dim3A_936 : vector<1x1xf32>
    %swap3A_938 = arith.constant 0 : index
    %swap3A_939 = arith.constant 0 : index
    %swap3A_940 = vector.load %arg6[%swap3A_938, %swap3A_939] : memref<1x1xf32, #tpu.memory_space<vmem>>, vector<1x1xf32>
    tpu.vector_store %arg6[%swap3A_938, %swap3A_939], %add3A_937 {strides = array<i32>} : memref<1x1xf32, #tpu.memory_space<vmem>>, vector<1x1xf32>,
    %get3A_941 = arith.constant 0 : index
    %get3A_942 = arith.constant 0 : index
    %get3A_943 = vector.load %arg7[%get3A_941, %get3A_942] : memref<1x1xf32, #tpu.memory_space<vmem>>, vector<1x1xf32>
    %get3A_944 = arith.constant 0 : index
    %get3A_945 = arith.constant 0 : index
    %get3A_946 = vector.load %arg4[%get3A_944, %get3A_945] : memref<512x16xf32, #tpu.memory_space<vmem>>, vector<512x16xf32>
    %reduce_sum3A_947 = vector.shape_cast %get3A_946 : vector<512x16xf32> to vector<1x512x16xf32>
    %reduce_sum3A_948 = arith.constant dense<0.000000e+00> : vector<1xf32>
    %reduce_sum3A_949 = vector.multi_reduction <add>, %reduce_sum3A_947, %reduce_sum3A_948 [1, 2] : vector<1x512x16xf32> to vector<1xf32>
    %reduce_sum3A_950 = vector.shape_cast %reduce_sum3A_949 : vector<1xf32> to vector<1x1x1xf32>
    %reduce_sum3A_951 = vector.extract %reduce_sum3A_950[0, 0, 0] : f32 from vector<1x1x1xf32>
    %broadcast_in_dim3A_952 = vector.broadcast %reduce_sum3A_951 : f32 to vector<1x1xf32>
    %add3A_953 = arith.addf %get3A_943, %broadcast_in_dim3A_952 : vector<1x1xf32>
    %swap3A_954 = arith.constant 0 : index
    %swap3A_955 = arith.constant 0 : index
    %swap3A_956 = vector.load %arg7[%swap3A_954, %swap3A_955] : memref<1x1xf32, #tpu.memory_space<vmem>>, vector<1x1xf32>
    tpu.vector_store %arg7[%swap3A_954, %swap3A_955], %add3A_953 {strides = array<i32>} : memref<1x1xf32, #tpu.memory_space<vmem>>, vector<1x1xf32>,
    return
  }
  func.func @transform_0(%arg0: i32) -> (i32, i32) {
    %c0_i32 = arith.constant 0 : i32
    %c0_i32_0 = arith.constant 0 : i32
    return %arg0, %c0_i32 : i32, i32
  }
  func.func @transform_1(%arg0: i32) -> (i32, i32) {
    %c0_i32 = arith.constant 0 : i32
    %c0_i32_0 = arith.constant 0 : i32
    return %arg0, %c0_i32 : i32, i32
  }
  func.func @transform_2(%arg0: i32) -> (i32, i32) {
    %c0_i32 = arith.constant 0 : i32
    %c0_i32_0 = arith.constant 0 : i32
    return %arg0, %c0_i32 : i32, i32
  }
  func.func @transform_3(%arg0: i32) -> (i32, i32) {
    %c0_i32 = arith.constant 0 : i32
    %c0_i32_0 = arith.constant 0 : i32
    return %arg0, %c0_i32 : i32, i32
  }
  func.func @transform_4(%arg0: i32) -> (i32, i32) {
    %c0_i32 = arith.constant 0 : i32
    %c0_i32_0 = arith.constant 0 : i32
    %c0_i32_1 = arith.constant 0 : i32
    return %c0_i32, %c0_i32_0 : i32, i32
  }
  func.func @transform_5(%arg0: i32) -> (i32, i32) {
    %c0_i32 = arith.constant 0 : i32
    %c0_i32_0 = arith.constant 0 : i32
    %c0_i32_1 = arith.constant 0 : i32
    return %c0_i32, %c0_i32_0 : i32, i32
  }
  func.func @transform_6(%arg0: i32) -> (i32, i32) {
    %c0_i32 = arith.constant 0 : i32
    %c0_i32_0 = arith.constant 0 : i32
    %c0_i32_1 = arith.constant 0 : i32
    return %c0_i32, %c0_i32_0 : i32, i32
  }
}

</mosaic_0001>

<sc_bundles>
// kernel: kernel.11.cloned.1.call-start
scs
__scs_entry_jumppad:
0x0: {  	(pc) =	sbr.rel $0x88, $3  }
0x1: {  	(tag) =	ssettag $0x0;
	lr =	simm.s32 $0x1  }
0x2: {  	[smem:$0x3F9E] =	sst lr;
	_ =	strace $0xD0000000  }
0x3: {  	_ = 	snop  }
0x4: {  	_ = 	snop  }
0x5: {  	_ = 	snop  }
0x6: {  	_ = 	snop  }
0x7: {  	_ = 	snop  }
__scs_overlays_trampoline_lowered:
0x8: {  	[smem:$0x3FAD] =	sst s0  }
0x9: {  	[smem:$0x3FAE] =	sst s1  }
0xa: {  	[smem:$0x3FAF] =	sst s2  }
0xb: {  	[smem:$0x3FB0] =	sst s3  }
0xc: {  	[smem:$0x3FB1] =	sst s4  }
0xd: {  	[smem:$0x3FB2] =	sst s5  }
0xe: {  	[smem:$0x3FB3] =	sst s6  }
0xf: {  	[smem:$0x3FB4] =	sst s7  }
0x10: {  	[smem:$0x3FB5] =	sst s8  }
0x11: {  	[smem:$0x3FB6] =	sst s9;
	s0 =	simm.s32 @!p0 $0x0  }
0x12: {  	s1 =	sld [smem:$0x3F9C];
	s0 =	simm.s32 @p0 $0x1  }
0x13: {  	[smem:$0x3FB7] =	sst s0;
	s0 =	simm.s32 @!p1 $0x0  }
0x14: {  	s2 =	sld [smem:$0x3F9B];
	s0 =	simm.s32 @p1 $0x1  }
0x15: {  	[smem:$0x3FB8] =	sst s0;
	s0 =	simm.s32 @!p2 $0x0  }
0x16: {  	s3 =	sld [smem:$0x3FDB];
	s0 =	simm.s32 @p2 $0x1  }
0x17: {  	s4 =	simm.s32 $0x1BF5;
	[smem:$0x3FBA] =	sst s0  }
0x18: {  	s0 =	sld [smem:$0x3F9D];
	_ =	swait.ge [sflag:s4], $0x0  }
0x19: {  	s7 =	sld [smem:$0x3F9E]  }
0x1a: {  	s8 =	sadd.s32 $0xFFFFE003, lr  }
0x1b: {  	s9 =	sadd.s32 $0xFFFFFEF7, lr;
	s5 =	simm.s32 $0xFFFFFFFF;
	p2 =	slt.u32 s8, $0xFFFFF086  }
0x1c: {  	p1 =	slt.u32 s9, $0xF7A;
	s5 =	simm.s32 @!p2 $0x0  }
0x1d: {  	s5 =	simm.s32 @p1 $0x1;
	p0 =	seq.s32 s7, s2  }
0x1e: {  	s7 =	smul.u32 @!p0 $0xF7A, s2;
	p2 =	seq.s32 @!p0 s5, $0x0  }
0x1f: {  	s9 =	smul.u32 $0xF7A, s1;
	s8 =	simm.s32 @!p0 $0x1BF5;
	p2 =	por !p2, p0  }
0x20: {  	[sflag:s8] =	ssyncset.s32 @!p0 $0xFFFFF086;
	s6 =	sadd.s32 @!p0 s3, s7;
	s7 =	simm.s32 @!p0 $0x108  }
0x21: {  	s3 =	sadd.s32 s3, s9;
	s6 =	sadd.s32 @!p0 $0x88, s6;
	s7 =	simm.s32 @p2 $0x1082  }
0x22: {  	[simem:s7], [sflag:s8] =	dma.local @!p0 [hbm:s6], $0xF7A  }
0x23: {  	s9 =	sor.u32 $0xD0000000, s2;
	s6 =	simm.s32 $0x108;
	_ =	swait.ge @!p0 [sflag:s8], $0x0  }
0x24: {  	s3 =	sadd.s32 $0x88, s3;
	s6 =	simm.s32 @!p1 $0x1082;
	[sflag:s4] =	ssyncset.s32 $0xFFFFF086  }
0x25: {  	[simem:s6], [sflag:s4] =	dma.local [hbm:s3], $0xF7A  }
0x26: {  	[smem:$0x3F9E] =	sst s1;
	(tag) =	ssettag s2;
	_ =	strace s9  }
0x27: {  	s1 =	sld [smem:$0x3FAE]  }
0x28: {  	s2 =	sld [smem:$0x3FAF]  }
0x29: {  	s4 =	sld [smem:$0x3FB1]  }
0x2a: {  	p0 =	seq.s32 s5, $0x0;
	s5 =	sld [smem:$0x3FB2]  }
0x2b: {  	s6 =	sld [smem:$0x3FB3]  }
0x2c: {  	s7 =	sld [smem:$0x3FB4]  }
0x2d: {  	s3 =	simm.s32 $0x108;
	s8 =	sld [smem:$0x3FB5]  }
0x2e: {  	s3 =	simm.s32 @!p0 $0x1082;
	s9 =	sld [smem:$0x3FB6]  }
0x2f: {  	lr =	sadd.s32 s0, s3;
	s0 =	sld [smem:$0x3FAD]  }
0x30: {  	s3 =	sld [smem:$0x3FB0]  }
0x31: {  	[smem:$0x3FB9] =	sst s10  }
0x32: {  	s10 =	sld [smem:$0x3FB7];
	_ =	sdelay $0x3  }
0x33: {  	p0 =	seq.s32 s10, $0x1;
	s10 =	sld [smem:$0x3FB9];
	_ =	sdelay $0x3  }
0x34: {  	[smem:$0x3FB9] =	sst s10  }
0x35: {  	s10 =	sld [smem:$0x3FB8];
	_ =	sdelay $0x3  }
0x36: {  	p1 =	seq.s32 s10, $0x1;
	s10 =	sld [smem:$0x3FB9];
	_ =	sdelay $0x3  }
0x37: {  	[smem:$0x3FB9] =	sst s10  }
0x38: {  	s10 =	sld [smem:$0x3FBA]  }
0x39: {  	_ = 	snop;
	(pc) =	sbr.ind lr, $3  }
0x3a: {  	_ = 	snop  }
0x3b: {  	_ = 	snop  }
0x3c: {  	p2 =	seq.s32 s10, $0x1;
	s10 =	sld [smem:$0x3FB9]  }
0x3d: {  	_ =	shalt  }
0x3e: {  	_ =	shalt  }
0x3f: {  	_ =	shalt  }
0x40: {  	_ =	shalt  }
0x41: {  	_ =	shalt  }
0x42: {  	_ =	shalt  }
0x43: {  	_ =	shalt  }
0x44: {  	_ =	shalt  }
0x45: {  	_ =	shalt  }
0x46: {  	_ =	shalt  }
0x47: {  	_ =	shalt  }
0x48: {  	_ =	shalt  }
0x49: {  	_ =	shalt  }
0x4a: {  	_ =	shalt  }
0x4b: {  	_ =	shalt  }
0x4c: {  	_ =	shalt  }
0x4d: {  	_ =	shalt  }
0x4e: {  	_ =	shalt  }
0x4f: {  	_ =	shalt  }
0x50: {  	_ =	shalt  }
0x51: {  	_ =	shalt  }
0x52: {  	_ =	shalt  }
0x53: {  	_ =	shalt  }
0x54: {  	_ =	shalt  }
0x55: {  	_ =	shalt  }
0x56: {  	_ =	shalt  }
0x57: {  	_ =	shalt  }
0x58: {  	_ =	shalt  }
0x59: {  	_ =	shalt  }
0x5a: {  	_ =	shalt  }
0x5b: {  	_ =	shalt  }
0x5c: {  	_ =	shalt  }
0x5d: {  	_ =	shalt  }
0x5e: {  	_ =	shalt  }
0x5f: {  	_ =	shalt  }
0x60: {  	_ =	shalt  }
0x61: {  	_ =	shalt  }
0x62: {  	_ =	shalt  }
0x63: {  	_ =	shalt  }
0x64: {  	_ =	shalt  }
0x65: {  	_ =	shalt  }
0x66: {  	_ =	shalt  }
0x67: {  	_ =	shalt  }
0x68: {  	_ =	shalt  }
0x69: {  	_ =	shalt  }
0x6a: {  	_ =	shalt  }
0x6b: {  	_ =	shalt  }
0x6c: {  	_ =	shalt  }
0x6d: {  	_ =	shalt  }
0x6e: {  	_ =	shalt  }
0x6f: {  	_ =	shalt  }
0x70: {  	_ =	shalt  }
0x71: {  	_ =	shalt  }
0x72: {  	_ =	shalt  }
0x73: {  	_ =	shalt  }
0x74: {  	_ =	shalt  }
0x75: {  	_ =	shalt  }
0x76: {  	_ =	shalt  }
0x77: {  	_ =	shalt  }
0x78: {  	_ =	shalt  }
0x79: {  	_ =	shalt  }
0x7a: {  	_ =	shalt  }
0x7b: {  	_ =	shalt  }
0x7c: {  	_ =	shalt  }
0x7d: {  	_ =	shalt  }
0x7e: {  	_ =	shalt  }
0x7f: {  	_ =	shalt  }
0x80: {  	_ =	shalt  }
0x81: {  	_ =	shalt  }
0x82: {  	_ =	shalt  }
0x83: {  	_ =	shalt  }
0x84: {  	_ =	shalt  }
0x85: {  	_ =	shalt  }
0x86: {  	_ =	shalt  }
0x87: {  	_ =	shalt  }
.Lfunc_end0:
.L_simem_size_0:
called_computation.1_lowered:
.L_overlay_start_0:
0x88: {  	s2 =	sld [smem:$0x3FD9]  }
0x89: {  	s3 =	sld [smem:$0x3FFE];
	_ =	sdelay $0x1  }
0x8a: {  	s1 =	srdreg.scid  }
0x8b: {  	s0 =	sand.u32 $0x1, s1  }
0x8c: {  	s16 =	sshll.u32 s0, $0xA;
	s2 =	sadd.s32 s3, s2  }
0x8d: {  	s2 =	sadd.s32 s2, s16  }
0x8e: {  	[smem:$0x3FC5] =	sst s2  }
0x8f: {  	_ = 	snop  }
0x90: {  	(tm) =	ssettm $0x1  }
0x91: {  	s17 =	sld [smem:$0x3FFB];
	_ =	sdelay $0x3  }
0x92: {  	_ =	strace s17  }
0x93: {  	s2 =	sld [smem:$0x3FFC];
	_ =	sdelay $0x3  }
0x94: {  	_ =	strace s2  }
0x95: {  	s2 =	sld [smem:$0x3FFD];
	_ =	sdelay $0x3  }
0x96: {  	_ =	strace s2  }
0x97: {  	_ =	strace $0x8FFFFFFF  }
0x98: {  	s18 =	sld [smem:$0x3FDB];
	_ =	sdelay $0x1  }
0x99: {  	s19 =	simm.s32 $_scs_section_size  }
0x9a: {  	s4 =	simm.s32 $_size__tile_overlayer_lowered;
	s5 =	simm.s32 $_tile_overlayer_lowered  }
0x9b: {  	s22 =	simm.s32 $0x1BFF;
	s21 =	sshll.u32 s5, $0x1;
	s2 =	sadd.s32 s19, s18  }
0x9c: {  	s6 =	simm.s32 $0x0;
	s20 =	sshll.u32 s4, $0x1;
	s4 =	sadd.s32 s21, s2  }
0x9d: {  	[timem:s6], [sflag:s22] =	dma.local [hbm:s4], s20  }
0x9e: {  	_ =	swait.ge [sflag:s22], s20  }
0x9f: {  	s3 =	ssub.s32 $0x0, s20;
	[sflag:s22] =	ssyncset.done $0x0  }
0xa0: {  	[sflag:s22] =	ssyncadd.s32 s3;
	_ =	sdelay $0x1  }
0xa1: {  	s23 =	simm.s32 $0x1B8B  }
0xa2: {  	_ =	swait.ge [sflag:s23], $0x1  }
0xa3: {  	[sflag:s23] =	ssyncset.done $0x0  }
0xa4: {  	s25 =	simm.s32 $0x1B8E;
	s24 =	sld [smem:$0x3FFE];
	[sflag:s23] =	ssyncadd.s32 $0xFFFFFFFF  }
0xa5: {  	s26 =	simm.s32 $execute0_lowered;
	[smem:$0x3FD2] =	sst s25  }
0xa6: {  	s4 =	sshll.u32 s26, $0x1;
	_ =	strace $0x80000046;
	[dreg:$0x1] =	wrdreg $0xFFFFFFFF  }
0xa7: {  	s28 =	simm.s32 $_size_execute0_lowered;
	s2 =	sadd.s32 s2, s4;
	[dreg:$0x0] =	wrdreg $0x0  }
0xa8: {  	s4 =	sshll.u32 s28, $0x1;
	[dreg:$0x2] =	wrdreg s2  }
0xa9: {  	[dreg:$0x3] =	wrdreg s4  }
0xaa: {  	[dreg:$0x4] =	wrdreg $0xC0  }
0xab: {  	_ =	task [dreg:s6], $0x5FFFF  }
0xac: {  	[dreg:$0x1] =	wrdreg $0xFFFFFFFF  }
0xad: {  	[dreg:$0x0] =	wrdreg $0x60  }
0xae: {  	[dreg:$0x2] =	wrdreg s24  }
0xaf: {  	[dreg:$0x3] =	wrdreg $0xA  }
0xb0: {  	_ =	task.clear_ibuf [dreg:s6], $0x4FFFF;
	_ =	strace $0x90000046  }
0xb1: {  	s29 =	simm.s32 $0xA;
	_ =	strace $0x8000004F  }
0xb2: {  	_ =	swait.ge [sflag:s29], $0x1  }
0xb3: {  	[sflag:s29] =	ssyncadd.s32 $0xFFFFFFFF  }
0xb4: {  	_ =	strace $0x9000004F  }
0xb5: {  	_ =	sfence  }
0xb6: {  	s30 =	sld [smem:$0x0];
	_ =	sdelay $0x2  }
0xb7: {  	s31 =	sshll.u32 s1, $0xD;
	s1 =	sshrl.u32 s1, $0x2  }
0xb8: {  	s3 =	sand.u32 $0x4000, s31;
	s1 =	sadd.s32 s1, s30  }
0xb9: {  	s0 =	sor.u32 s3, s0;
	s1 =	sshll.u32 s1, $0x11  }
0xba: {  	s0 =	sor.u32 s1, s0  }
0xbb: {  	s0 =	sadd.s32 $0x8F2B, s0  }
0xbc: {  	[sflag:s0] =	ssyncadd.remote.s32 $0x1  }
0xbd: {  	_ =	sfence.sel $0xFFFF  }
0xbe: {  	[dreg:$0x0] =	wrdreg $0xFFFFFFFF;
	(pc) =	sbr.abs _section_cstart, $3  }
0xbf: {  	[dreg:$0x1] =	wrdreg $0xFFFFFFFF  }
0xc0: {  	_ =	task.clear_ibuf [dreg:s6], $0x2FFFF;
	_ =	strace $0x9FFFFFFF  }
0xc1: {  	(tm) =	ssettm $0x7FFFFFFF  }
tec
execute0_lowered:
.L_overlay_start_1:
0x0: {  	(tag) =	ssettag $0x1  }
0x1: {  	s0 =	srdreg.scid  }
0x2: {  	s20 =	sand.u32 $0x1, s0  }
0x3: {  	s1 =	stileid.u32;
	s3 =	sshll.u32 s20, $0x4  }
0x4: {  	s10 =	rddreg [dreg:$0x0];
	s2 =	simm.s32 $0x0;
	s11 =	sor.u32 s1, s3  }
0x5: {  	[smem:$0x7FF] =	sst s2;
	s3 =	sshll.u32 s11, $0x7  }
0x6: {  	s0 =	rddreg [dreg:$0x1];
	_ =	strace $0x80000047;
	s16 =	sadd.s32 s3, s10  }
0x7: {  	_ =	strace $0x80000048;
	s3 =	sadd.s32 $0x1E00, s16  }
0x8: {  	[tilespmem:s2], [sflag:$0x1] =	stream.linear.gather [hbm4b:s3+s2], $0x100, $0x200038;
	[tilespmem:$0x10200] =	vst v63  }
0x9: {  	_ =	strace $0x90000048  }
0xa: {  	s5 =	simm.s32 $0x100;
	s4 =	sadd.s32 $0x1E20, s16;
	_ =	strace $0x80000049  }
0xb: {  	[tilespmem:s5], [sflag:$0x2] =	stream.linear.gather [hbm4b:s4+s2], $0x100, $0x200038;
	[tilespmem:$0x10200] =	vst v63  }
0xc: {  	_ =	strace $0x90000049  }
0xd: {  	s6 =	simm.s32 $0x1;
	_ =	strace $0x8000004A  }
0xe: {  	_ =	swait.ge [sflag:s6], $0x100  }
0xf: {  	[sflag:s6] =	ssyncset.done $0x0  }
0x10: {  	[sflag:s6] =	ssyncadd.s32 $0xFFFFFF00  }
0x11: {  	s8 =	simm.s32 $0x200;
	_ =	strace $0x9000004A  }
0x12: {  	s9 =	simm.s32 $0x5;
	s7 =	sadd.s32 $0x2E00, s10;
	_ =	strace $0x8000004B  }
0x13: {  	[tilespmem:s8], [sflag:$0x5] =	stream.indirect.gather [hbm4b:s7+s5], $0x80, s2, s5, $0x2000b8;
	[tilespmem:$0x10200] =	vst v63  }
0x14: {  	_ =	swait.ge [sflag:s9], $0x8000  }
0x15: {  	[sflag:s9] =	ssyncset.done $0x0  }
0x16: {  	s11 =	sshll.u32 s11, $0xE;
	[sflag:s9] =	ssyncadd.s32 $0xFFFF8000  }
0x17: {  	s19 =	sadd.s32 s11, s10;
	_ =	strace $0x9000004B  }
0x18: {  	s10 =	sadd.s32 $0x12E00, s19;
	_ =	strace $0x8000004C  }
0x19: {  	[hbm4b:s10+s2] =	stream.linear.scatter [tilespmem:s8], [sflag:$0x3], $0x8000, $0x200038;
	[tilespmem:$0x10200] =	vst v63  }
0x1a: {  	_ =	strace $0x9000004C  }
0x1b: {  	s11 =	sadd.s32 $0x1E40, s16;
	_ =	strace $0x80000049  }
0x1c: {  	[tilespmem:s2], [sflag:$0x1] =	stream.linear.gather [hbm4b:s11+s2], $0x100, $0x200038;
	[tilespmem:$0x10200] =	vst v63  }
0x1d: {  	_ =	strace $0x90000049  }
0x1e: {  	s12 =	simm.s32 $0x2;
	_ =	strace $0x8000004A  }
0x1f: {  	_ =	swait.ge [sflag:s12], $0x100  }
0x20: {  	[sflag:s12] =	ssyncset.done $0x0  }
0x21: {  	[sflag:s12] =	ssyncadd.s32 $0xFFFFFF00  }
0x22: {  	_ =	strace $0x9000004A  }
0x23: {  	s13 =	simm.s32 $0x8200;
	_ =	strace $0x8000004B  }
0x24: {  	[tilespmem:s13], [sflag:$0x5] =	stream.indirect.gather [hbm4b:s7+s5], $0x80, s5, s5, $0x2000b8;
	[tilespmem:$0x10200] =	vst v63  }
0x25: {  	_ =	swait.ge [sflag:s9], $0x8000  }
0x26: {  	[sflag:s9] =	ssyncset.done $0x0  }
0x27: {  	[sflag:s9] =	ssyncadd.s32 $0xFFFF8000  }
0x28: {  	_ =	strace $0x9000004B  }
0x29: {  	s14 =	sadd.s32 $0x13E00, s19;
	_ =	strace $0x8000004C  }
0x2a: {  	[hbm4b:s14+s2] =	stream.linear.scatter [tilespmem:s13], [sflag:$0x4], $0x8000, $0x200038;
	[tilespmem:$0x10200] =	vst v63  }
0x2b: {  	_ =	strace $0x9000004C  }
0x2c: {  	s15 =	simm.s32 $0x3;
	_ =	strace $0x8000004D  }
0x2d: {  	_ =	swait.ge [sflag:s15], $0x8000  }
0x2e: {  	[sflag:s15] =	ssyncset.done $0x0  }
0x2f: {  	[sflag:s15] =	ssyncadd.s32 $0xFFFF8000  }
0x30: {  	_ =	strace $0x9000004D  }
0x31: {  	s16 =	sadd.s32 $0x1E60, s16;
	_ =	strace $0x80000049  }
0x32: {  	[tilespmem:s5], [sflag:$0x2] =	stream.linear.gather [hbm4b:s16+s2], $0x100, $0x200038;
	[tilespmem:$0x10200] =	vst v63  }
0x33: {  	_ =	strace $0x90000049  }
0x34: {  	_ =	strace $0x8000004A  }
0x35: {  	_ =	swait.ge [sflag:s6], $0x100  }
0x36: {  	[sflag:s6] =	ssyncset.done $0x0  }
0x37: {  	[sflag:s6] =	ssyncadd.s32 $0xFFFFFF00  }
0x38: {  	_ =	strace $0x9000004A  }
0x39: {  	_ =	strace $0x8000004B  }
0x3a: {  	[tilespmem:s8], [sflag:$0x5] =	stream.indirect.gather [hbm4b:s7+s5], $0x80, s2, s5, $0x2000b8;
	[tilespmem:$0x10200] =	vst v63  }
0x3b: {  	_ =	swait.ge [sflag:s9], $0x8000  }
0x3c: {  	[sflag:s9] =	ssyncset.done $0x0  }
0x3d: {  	[sflag:s9] =	ssyncadd.s32 $0xFFFF8000  }
0x3e: {  	_ =	strace $0x9000004B  }
0x3f: {  	s17 =	sadd.s32 $0x14E00, s19;
	_ =	strace $0x8000004C  }
0x40: {  	[hbm4b:s17+s2] =	stream.linear.scatter [tilespmem:s8], [sflag:$0x3], $0x8000, $0x200038;
	[tilespmem:$0x10200] =	vst v63  }
0x41: {  	_ =	strace $0x9000004C  }
0x42: {  	s18 =	simm.s32 $0x4;
	_ =	strace $0x8000004D  }
0x43: {  	_ =	swait.ge [sflag:s18], $0x8000  }
0x44: {  	[sflag:s18] =	ssyncset.done $0x0  }
0x45: {  	[sflag:s18] =	ssyncadd.s32 $0xFFFF8000  }
0x46: {  	_ =	strace $0x9000004D  }
0x47: {  	_ =	strace $0x8000004A  }
0x48: {  	_ =	swait.ge [sflag:s12], $0x100  }
0x49: {  	[sflag:s12] =	ssyncset.done $0x0  }
0x4a: {  	[sflag:s12] =	ssyncadd.s32 $0xFFFFFF00  }
0x4b: {  	_ =	strace $0x9000004A  }
0x4c: {  	_ =	strace $0x8000004B  }
0x4d: {  	[tilespmem:s13], [sflag:$0x5] =	stream.indirect.gather [hbm4b:s7+s5], $0x80, s5, s5, $0x2000b8;
	[tilespmem:$0x10200] =	vst v63  }
0x4e: {  	_ =	swait.ge [sflag:s9], $0x8000  }
0x4f: {  	[sflag:s9] =	ssyncset.done $0x0  }
0x50: {  	[sflag:s9] =	ssyncadd.s32 $0xFFFF8000  }
0x51: {  	_ =	strace $0x9000004B  }
0x52: {  	s19 =	sadd.s32 $0x15E00, s19;
	_ =	strace $0x8000004C  }
0x53: {  	[hbm4b:s19+s2] =	stream.linear.scatter [tilespmem:s13], [sflag:$0x4], $0x8000, $0x200038;
	[tilespmem:$0x10200] =	vst v63  }
0x54: {  	s20 =	ssub.s32 $0x2, s20;
	_ =	strace $0x9000004C  }
0x55: {  	s21 =	sshrl.u32 s20, $0x1;
	_ =	strace $0x8000004D  }
0x56: {  	s20 =	ssub.s32 s20, s21;
	_ =	swait.ge [sflag:s15], $0x8000  }
0x57: {  	s20 =	smax.u32 s20, $0x1;
	[sflag:s15] =	ssyncset.done $0x0  }
0x58: {  	p0 =	sne.s32 s20, $0x1;
	[sflag:s15] =	ssyncadd.s32 $0xFFFF8000  }
.Ltmp0:
0x59: {  	_ =	strace $0x9000004D;
	(pc) =	sbr.rel @!p0 .LBB2_2-.Ltmp0, $4  }
0x5a: {  	_ =	strace $0x8000004E  }
0x5b: {  	_ =	swait.ge [sflag:s18], $0x8000  }
0x5c: {  	[sflag:s18] =	ssyncset.done $0x0  }
0x5d: {  	s20 =	sadd.s32 $0xFFFFFFFF, s20;
	[sflag:s18] =	ssyncadd.s32 $0xFFFF8000  }
.LBB2_1:
0x5e: {  	p0 =	sne.s32 s20, $0x1;
	s20 =	sadd.s32 $0xFFFFFFFF, s20;
	_ =	strace $0x9000004E  }
0x5f: {  	_ =	strace $0x80000048  }
0x60: {  	[tilespmem:s2], [sflag:$0x1] =	stream.linear.gather [hbm4b:s3+s2], $0x100, $0x200038;
	[tilespmem:$0x10200] =	vst v63  }
0x61: {  	_ =	strace $0x90000048  }
0x62: {  	_ =	strace $0x80000049  }
0x63: {  	[tilespmem:s5], [sflag:$0x2] =	stream.linear.gather [hbm4b:s4+s2], $0x100, $0x200038;
	[tilespmem:$0x10200] =	vst v63  }
0x64: {  	_ =	strace $0x90000049  }
0x65: {  	_ =	strace $0x8000004A  }
0x66: {  	_ =	swait.ge [sflag:s6], $0x100  }
0x67: {  	[sflag:s6] =	ssyncset.done $0x0  }
0x68: {  	[sflag:s6] =	ssyncadd.s32 $0xFFFFFF00  }
0x69: {  	_ =	strace $0x9000004A  }
0x6a: {  	_ =	strace $0x8000004B  }
0x6b: {  	[tilespmem:s8], [sflag:$0x5] =	stream.indirect.gather [hbm4b:s7+s5], $0x80, s2, s5, $0x2000b8;
	[tilespmem:$0x10200] =	vst v63  }
0x6c: {  	_ =	swait.ge [sflag:s9], $0x8000  }
0x6d: {  	[sflag:s9] =	ssyncset.done $0x0  }
0x6e: {  	[sflag:s9] =	ssyncadd.s32 $0xFFFF8000  }
0x6f: {  	_ =	strace $0x9000004B  }
0x70: {  	_ =	strace $0x8000004C  }
0x71: {  	[hbm4b:s10+s2] =	stream.linear.scatter [tilespmem:s8], [sflag:$0x3], $0x8000, $0x200038;
	[tilespmem:$0x10200] =	vst v63  }
0x72: {  	_ =	strace $0x9000004C  }
0x73: {  	_ =	strace $0x80000049  }
0x74: {  	[tilespmem:s2], [sflag:$0x1] =	stream.linear.gather [hbm4b:s11+s2], $0x100, $0x200038;
	[tilespmem:$0x10200] =	vst v63  }
0x75: {  	_ =	strace $0x90000049  }
0x76: {  	_ =	strace $0x8000004A  }
0x77: {  	_ =	swait.ge [sflag:s12], $0x100  }
0x78: {  	[sflag:s12] =	ssyncset.done $0x0  }
0x79: {  	[sflag:s12] =	ssyncadd.s32 $0xFFFFFF00  }
0x7a: {  	_ =	strace $0x9000004A  }
0x7b: {  	_ =	strace $0x8000004B  }
0x7c: {  	[tilespmem:s13], [sflag:$0x5] =	stream.indirect.gather [hbm4b:s7+s5], $0x80, s5, s5, $0x2000b8;
	[tilespmem:$0x10200] =	vst v63  }
0x7d: {  	_ =	swait.ge [sflag:s9], $0x8000  }
0x7e: {  	[sflag:s9] =	ssyncset.done $0x0  }
0x7f: {  	[sflag:s9] =	ssyncadd.s32 $0xFFFF8000  }
0x80: {  	_ =	strace $0x9000004B  }
0x81: {  	_ =	strace $0x8000004C  }
0x82: {  	[hbm4b:s14+s2] =	stream.linear.scatter [tilespmem:s13], [sflag:$0x4], $0x8000, $0x200038;
	[tilespmem:$0x10200] =	vst v63  }
0x83: {  	_ =	strace $0x9000004C  }
0x84: {  	_ =	strace $0x8000004D  }
0x85: {  	_ =	swait.ge [sflag:s15], $0x8000  }
0x86: {  	[sflag:s15] =	ssyncset.done $0x0  }
0x87: {  	[sflag:s15] =	ssyncadd.s32 $0xFFFF8000  }
0x88: {  	_ =	strace $0x9000004D  }
0x89: {  	_ =	strace $0x80000049  }
0x8a: {  	[tilespmem:s5], [sflag:$0x2] =	stream.linear.gather [hbm4b:s16+s2], $0x100, $0x200038;
	[tilespmem:$0x10200] =	vst v63  }
0x8b: {  	_ =	strace $0x90000049  }
0x8c: {  	_ =	strace $0x8000004A  }
0x8d: {  	_ =	swait.ge [sflag:s6], $0x100  }
0x8e: {  	[sflag:s6] =	ssyncset.done $0x0  }
0x8f: {  	[sflag:s6] =	ssyncadd.s32 $0xFFFFFF00  }
0x90: {  	_ =	strace $0x9000004A  }
0x91: {  	_ =	strace $0x8000004B  }
0x92: {  	[tilespmem:s8], [sflag:$0x5] =	stream.indirect.gather [hbm4b:s7+s5], $0x80, s2, s5, $0x2000b8;
	[tilespmem:$0x10200] =	vst v63  }
0x93: {  	_ =	swait.ge [sflag:s9], $0x8000  }
0x94: {  	[sflag:s9] =	ssyncset.done $0x0  }
0x95: {  	[sflag:s9] =	ssyncadd.s32 $0xFFFF8000  }
0x96: {  	_ =	strace $0x9000004B  }
0x97: {  	_ =	strace $0x8000004C  }
0x98: {  	[hbm4b:s17+s2] =	stream.linear.scatter [tilespmem:s8], [sflag:$0x3], $0x8000, $0x200038;
	[tilespmem:$0x10200] =	vst v63  }
0x99: {  	_ =	strace $0x9000004C  }
0x9a: {  	_ =	strace $0x8000004D  }
0x9b: {  	_ =	swait.ge [sflag:s18], $0x8000  }
0x9c: {  	[sflag:s18] =	ssyncset.done $0x0  }
0x9d: {  	[sflag:s18] =	ssyncadd.s32 $0xFFFF8000  }
0x9e: {  	_ =	strace $0x9000004D  }
0x9f: {  	_ =	strace $0x8000004A  }
0xa0: {  	_ =	swait.ge [sflag:s12], $0x100  }
0xa1: {  	[sflag:s12] =	ssyncset.done $0x0  }
0xa2: {  	[sflag:s12] =	ssyncadd.s32 $0xFFFFFF00  }
0xa3: {  	_ =	strace $0x9000004A  }
0xa4: {  	_ =	strace $0x8000004B  }
0xa5: {  	[tilespmem:s13], [sflag:$0x5] =	stream.indirect.gather [hbm4b:s7+s5], $0x80, s5, s5, $0x2000b8;
	[tilespmem:$0x10200] =	vst v63  }
0xa6: {  	_ =	swait.ge [sflag:s9], $0x8000  }
0xa7: {  	[sflag:s9] =	ssyncset.done $0x0  }
0xa8: {  	[sflag:s9] =	ssyncadd.s32 $0xFFFF8000  }
0xa9: {  	_ =	strace $0x9000004B  }
0xaa: {  	_ =	strace $0x8000004C  }
0xab: {  	[hbm4b:s19+s2] =	stream.linear.scatter [tilespmem:s13], [sflag:$0x4], $0x8000, $0x200038;
	[tilespmem:$0x10200] =	vst v63  }
0xac: {  	_ =	strace $0x9000004C  }
0xad: {  	_ =	strace $0x8000004D  }
0xae: {  	_ =	swait.ge [sflag:s15], $0x8000  }
0xaf: {  	[sflag:s15] =	ssyncset.done $0x0  }
0xb0: {  	[sflag:s15] =	ssyncadd.s32 $0xFFFF8000  }
.Ltmp1:
0xb1: {  	_ =	strace $0x9000004D;
	(pc) =	sbr.rel @p0 .LBB2_1-.Ltmp1, $4  }
0xb2: {  	_ =	strace $0x8000004E  }
0xb3: {  	_ =	swait.ge [sflag:s18], $0x8000  }
0xb4: {  	[sflag:s18] =	ssyncset.done $0x0  }
0xb5: {  	[sflag:s18] =	ssyncadd.s32 $0xFFFF8000  }
.LBB2_2:
0xb6: {  	_ =	strace $0x9000004E  }
0xb7: {  	_ =	sfence.sel $0x180000  }
0xb8: {  	[bflag:$0x0] =	sbarrier.arrive $0xFFFF  }
0xb9: {  	p0 =	sne.s32 s1, $0x0;
	_ =	strace $0x90000047  }
0xba: {  	s0 =	sadd.s32 @!p0 $0x100000, s0;
	[bflag:$0x2] =	sbarrier.arrive $0xFFFF  }
0xbb: {  	[sflag:s0] =	ssyncadd.tile.s32 @!p0 $0x1;
	_ =	shalt  }
.Lfunc_end2:
_tile_overlayer_lowered:
.L_overlay_start_2:
0xbc: {  	(tag) =	ssettag $0x2  }
0xbd: {  	s0 =	rddreg [dreg:$0x0];
	s2 =	stileid.u32  }
0xbe: {  	s1 =	rddreg [dreg:$0x1];
	p0 =	sne.s32 s2, $0x0  }
0xbf: {  	s3 =	rddreg [dreg:$0x2];
	[bflag:$0x3] =	sbarrier.arrive $0xFFFF;
	s2 =	simm.s32 @!p0 $0x1C01  }
0xc0: {  	[timem:s3], [sflag:s2] =	dma.local @!p0 [hbm:s0], s1  }
0xc1: {  	s0 =	simm.s32 @!p0 $0x1  }
0xc2: {  	_ =	swait.ge @!p0 [sflag:s0], s1  }
0xc3: {  	s1 =	ssub.s32 @!p0 $0x0, s1;
	[sflag:s0] =	ssyncset.done @!p0 $0x0  }
0xc4: {  	[sflag:s0] =	ssyncadd.s32 @!p0 s1  }
0xc5: {  	[bflag:$0x3] =	sbarrier.arrive $0xFFFF  }
0xc6: {  	_ =	shalt  }

// kernel: kernel.8.cloned.1.call-start
scs
__scs_entry_jumppad:
0x0: {  	(pc) =	sbr.rel $0x88, $3  }
0x1: {  	(tag) =	ssettag $0x0;
	lr =	simm.s32 $0x1  }
0x2: {  	[smem:$0x3F9E] =	sst lr;
	_ =	strace $0xD0000000  }
0x3: {  	_ = 	snop  }
0x4: {  	_ = 	snop  }
0x5: {  	_ = 	snop  }
0x6: {  	_ = 	snop  }
0x7: {  	_ = 	snop  }
__scs_overlays_trampoline_lowered:
0x8: {  	[smem:$0x3FAD] =	sst s0  }
0x9: {  	[smem:$0x3FAE] =	sst s1  }
0xa: {  	[smem:$0x3FAF] =	sst s2  }
0xb: {  	[smem:$0x3FB0] =	sst s3  }
0xc: {  	[smem:$0x3FB1] =	sst s4  }
0xd: {  	[smem:$0x3FB2] =	sst s5  }
0xe: {  	[smem:$0x3FB3] =	sst s6  }
0xf: {  	[smem:$0x3FB4] =	sst s7  }
0x10: {  	[smem:$0x3FB5] =	sst s8  }
0x11: {  	[smem:$0x3FB6] =	sst s9;
	s0 =	simm.s32 @!p0 $0x0  }
0x12: {  	s1 =	sld [smem:$0x3F9C];
	s0 =	simm.s32 @p0 $0x1  }
0x13: {  	[smem:$0x3FB7] =	sst s0;
	s0 =	simm.s32 @!p1 $0x0  }
0x14: {  	s2 =	sld [smem:$0x3F9B];
	s0 =	simm.s32 @p1 $0x1  }
0x15: {  	[smem:$0x3FB8] =	sst s0;
	s0 =	simm.s32 @!p2 $0x0  }
0x16: {  	s3 =	sld [smem:$0x3FDB];
	s0 =	simm.s32 @p2 $0x1  }
0x17: {  	s4 =	simm.s32 $0x1BF5;
	[smem:$0x3FBA] =	sst s0  }
0x18: {  	s0 =	sld [smem:$0x3F9D];
	_ =	swait.ge [sflag:s4], $0x0  }
0x19: {  	s7 =	sld [smem:$0x3F9E]  }
0x1a: {  	s8 =	sadd.s32 $0xFFFFE003, lr  }
0x1b: {  	s9 =	sadd.s32 $0xFFFFFEF7, lr;
	s5 =	simm.s32 $0xFFFFFFFF;
	p2 =	slt.u32 s8, $0xFFFFF086  }
0x1c: {  	p1 =	slt.u32 s9, $0xF7A;
	s5 =	simm.s32 @!p2 $0x0  }
0x1d: {  	s5 =	simm.s32 @p1 $0x1;
	p0 =	seq.s32 s7, s2  }
0x1e: {  	s7 =	smul.u32 @!p0 $0xF7A, s2;
	p2 =	seq.s32 @!p0 s5, $0x0  }
0x1f: {  	s9 =	smul.u32 $0xF7A, s1;
	s8 =	simm.s32 @!p0 $0x1BF5;
	p2 =	por !p2, p0  }
0x20: {  	[sflag:s8] =	ssyncset.s32 @!p0 $0xFFFFF086;
	s6 =	sadd.s32 @!p0 s3, s7;
	s7 =	simm.s32 @!p0 $0x108  }
0x21: {  	s3 =	sadd.s32 s3, s9;
	s6 =	sadd.s32 @!p0 $0x88, s6;
	s7 =	simm.s32 @p2 $0x1082  }
0x22: {  	[simem:s7], [sflag:s8] =	dma.local @!p0 [hbm:s6], $0xF7A  }
0x23: {  	s9 =	sor.u32 $0xD0000000, s2;
	s6 =	simm.s32 $0x108;
	_ =	swait.ge @!p0 [sflag:s8], $0x0  }
0x24: {  	s3 =	sadd.s32 $0x88, s3;
	s6 =	simm.s32 @!p1 $0x1082;
	[sflag:s4] =	ssyncset.s32 $0xFFFFF086  }
0x25: {  	[simem:s6], [sflag:s4] =	dma.local [hbm:s3], $0xF7A  }
0x26: {  	[smem:$0x3F9E] =	sst s1;
	(tag) =	ssettag s2;
	_ =	strace s9  }
0x27: {  	s1 =	sld [smem:$0x3FAE]  }
0x28: {  	s2 =	sld [smem:$0x3FAF]  }
0x29: {  	s4 =	sld [smem:$0x3FB1]  }
0x2a: {  	p0 =	seq.s32 s5, $0x0;
	s5 =	sld [smem:$0x3FB2]  }
0x2b: {  	s6 =	sld [smem:$0x3FB3]  }
0x2c: {  	s7 =	sld [smem:$0x3FB4]  }
0x2d: {  	s3 =	simm.s32 $0x108;
	s8 =	sld [smem:$0x3FB5]  }
0x2e: {  	s3 =	simm.s32 @!p0 $0x1082;
	s9 =	sld [smem:$0x3FB6]  }
0x2f: {  	lr =	sadd.s32 s0, s3;
	s0 =	sld [smem:$0x3FAD]  }
0x30: {  	s3 =	sld [smem:$0x3FB0]  }
0x31: {  	[smem:$0x3FB9] =	sst s10  }
0x32: {  	s10 =	sld [smem:$0x3FB7];
	_ =	sdelay $0x3  }
0x33: {  	p0 =	seq.s32 s10, $0x1;
	s10 =	sld [smem:$0x3FB9];
	_ =	sdelay $0x3  }
0x34: {  	[smem:$0x3FB9] =	sst s10  }
0x35: {  	s10 =	sld [smem:$0x3FB8];
	_ =	sdelay $0x3  }
0x36: {  	p1 =	seq.s32 s10, $0x1;
	s10 =	sld [smem:$0x3FB9];
	_ =	sdelay $0x3  }
0x37: {  	[smem:$0x3FB9] =	sst s10  }
0x38: {  	s10 =	sld [smem:$0x3FBA]  }
0x39: {  	_ = 	snop;
	(pc) =	sbr.ind lr, $3  }
0x3a: {  	_ = 	snop  }
0x3b: {  	_ = 	snop  }
0x3c: {  	p2 =	seq.s32 s10, $0x1;
	s10 =	sld [smem:$0x3FB9]  }
0x3d: {  	_ =	shalt  }
0x3e: {  	_ =	shalt  }
0x3f: {  	_ =	shalt  }
0x40: {  	_ =	shalt  }
0x41: {  	_ =	shalt  }
0x42: {  	_ =	shalt  }
0x43: {  	_ =	shalt  }
0x44: {  	_ =	shalt  }
0x45: {  	_ =	shalt  }
0x46: {  	_ =	shalt  }
0x47: {  	_ =	shalt  }
0x48: {  	_ =	shalt  }
0x49: {  	_ =	shalt  }
0x4a: {  	_ =	shalt  }
0x4b: {  	_ =	shalt  }
0x4c: {  	_ =	shalt  }
0x4d: {  	_ =	shalt  }
0x4e: {  	_ =	shalt  }
0x4f: {  	_ =	shalt  }
0x50: {  	_ =	shalt  }
0x51: {  	_ =	shalt  }
0x52: {  	_ =	shalt  }
0x53: {  	_ =	shalt  }
0x54: {  	_ =	shalt  }
0x55: {  	_ =	shalt  }
0x56: {  	_ =	shalt  }
0x57: {  	_ =	shalt  }
0x58: {  	_ =	shalt  }
0x59: {  	_ =	shalt  }
0x5a: {  	_ =	shalt  }
0x5b: {  	_ =	shalt  }
0x5c: {  	_ =	shalt  }
0x5d: {  	_ =	shalt  }
0x5e: {  	_ =	shalt  }
0x5f: {  	_ =	shalt  }
0x60: {  	_ =	shalt  }
0x61: {  	_ =	shalt  }
0x62: {  	_ =	shalt  }
0x63: {  	_ =	shalt  }
0x64: {  	_ =	shalt  }
0x65: {  	_ =	shalt  }
0x66: {  	_ =	shalt  }
0x67: {  	_ =	shalt  }
0x68: {  	_ =	shalt  }
0x69: {  	_ =	shalt  }
0x6a: {  	_ =	shalt  }
0x6b: {  	_ =	shalt  }
0x6c: {  	_ =	shalt  }
0x6d: {  	_ =	shalt  }
0x6e: {  	_ =	shalt  }
0x6f: {  	_ =	shalt  }
0x70: {  	_ =	shalt  }
0x71: {  	_ =	shalt  }
0x72: {  	_ =	shalt  }
0x73: {  	_ =	shalt  }
0x74: {  	_ =	shalt  }
0x75: {  	_ =	shalt  }
0x76: {  	_ =	shalt  }
0x77: {  	_ =	shalt  }
0x78: {  	_ =	shalt  }
0x79: {  	_ =	shalt  }
0x7a: {  	_ =	shalt  }
0x7b: {  	_ =	shalt  }
0x7c: {  	_ =	shalt  }
0x7d: {  	_ =	shalt  }
0x7e: {  	_ =	shalt  }
0x7f: {  	_ =	shalt  }
0x80: {  	_ =	shalt  }
0x81: {  	_ =	shalt  }
0x82: {  	_ =	shalt  }
0x83: {  	_ =	shalt  }
0x84: {  	_ =	shalt  }
0x85: {  	_ =	shalt  }
0x86: {  	_ =	shalt  }
0x87: {  	_ =	shalt  }
.Lfunc_end0:
.L_simem_size_0:
called_computation_lowered:
.L_overlay_start_0:
0x88: {  	s2 =	sld [smem:$0x3FD9]  }
0x89: {  	s3 =	sld [smem:$0x3FFE];
	_ =	sdelay $0x1  }
0x8a: {  	s1 =	srdreg.scid  }
0x8b: {  	s0 =	sand.u32 $0x1, s1  }
0x8c: {  	s17 =	sshll.u32 s0, $0xA;
	s2 =	sadd.s32 s3, s2  }
0x8d: {  	s2 =	sadd.s32 s2, s17  }
0x8e: {  	[smem:$0x3FC5] =	sst s2  }
0x8f: {  	_ = 	snop  }
0x90: {  	(tm) =	ssettm $0x1  }
0x91: {  	s18 =	sld [smem:$0x3FFB];
	_ =	sdelay $0x3  }
0x92: {  	_ =	strace s18  }
0x93: {  	s2 =	sld [smem:$0x3FFC];
	_ =	sdelay $0x3  }
0x94: {  	_ =	strace s2  }
0x95: {  	s2 =	sld [smem:$0x3FFD];
	_ =	sdelay $0x3  }
0x96: {  	_ =	strace s2  }
0x97: {  	_ =	strace $0x8FFFFFFF  }
0x98: {  	s19 =	sld [smem:$0x3FDB];
	_ =	sdelay $0x1  }
0x99: {  	s20 =	simm.s32 $_scs_section_size  }
0x9a: {  	s4 =	simm.s32 $_size__tile_overlayer_lowered;
	s5 =	simm.s32 $_tile_overlayer_lowered  }
0x9b: {  	s6 =	simm.s32 $0x1BFF;
	s21 =	sshll.u32 s5, $0x1;
	s3 =	sadd.s32 s20, s19  }
0x9c: {  	s22 =	simm.s32 $0x0;
	s4 =	sshll.u32 s4, $0x1;
	s5 =	sadd.s32 s21, s3  }
0x9d: {  	[timem:s22], [sflag:s6] =	dma.local [hbm:s5], s4  }
0x9e: {  	_ =	swait.ge [sflag:s6], s4  }
0x9f: {  	s4 =	ssub.s32 $0x0, s4;
	[sflag:s6] =	ssyncset.done $0x0  }
0xa0: {  	[sflag:s6] =	ssyncadd.s32 s4;
	_ =	sdelay $0x1  }
0xa1: {  	s23 =	simm.s32 $0x1B8B  }
0xa2: {  	_ =	swait.ge [sflag:s23], $0x1  }
0xa3: {  	[sflag:s23] =	ssyncset.done $0x0  }
0xa4: {  	[sflag:s23] =	ssyncadd.s32 $0xFFFFFFFF  }
0xa5: {  	s4 =	sld [smem:$0x0]  }
0xa6: {  	s5 =	sand.u32 $0xFFFFFFFE, s1  }
0xa7: {  	p0 =	sne.s32 s1, s5  }
0xa8: {  	s5 =	sshll.u32 @p0 s5, $0xE  }
0xa9: {  	s5 =	sadd.s32 @p0 $0x11B8D, s5;
	s6 =	sshll.u32 @p0 s4, $0x11  }
0xaa: {  	s5 =	sor.u32 @p0 s6, s5  }
0xab: {  	[sflag:s5] =	ssyncadd.remote.s32 @p0 $0x1;
	_ =	sdelay $0x1  }
0xac: {  	s5 =	simm.s32 @p0 $0x1B8D  }
0xad: {  	_ =	swait.eq @p0 [sflag:s5], $0x1  }
0xae: {  	[sflag:s5] =	ssyncadd.s32 @p0 $0xFFFFFFFF  }
0xaf: {  	s6 =	sshll.u32 @!p0 s1, $0xE  }
0xb0: {  	s6 =	sor.u32 @!p0 $0x4000, s6;
	s5 =	simm.s32 @!p0 $0x1B8D  }
0xb1: {  	s4 =	sshll.u32 @!p0 s4, $0x11;
	s6 =	sadd.s32 @!p0 $0x11B8D, s6;
	_ =	swait.eq @!p0 [sflag:s5], $0x1  }
0xb2: {  	s4 =	sor.u32 @!p0 s4, s6;
	[sflag:s5] =	ssyncadd.s32 @!p0 $0xFFFFFFFF  }
0xb3: {  	s25 =	simm.s32 $0x1B8E;
	s24 =	sld [smem:$0x3FFE];
	[sflag:s4] =	ssyncadd.remote.s32 @!p0 $0x1  }
0xb4: {  	s26 =	simm.s32 $execute0_lowered;
	[smem:$0x3FD2] =	sst s25  }
0xb5: {  	s5 =	sshll.u32 s26, $0x1;
	_ =	strace $0x80000050;
	[dreg:$0x1] =	wrdreg $0xFFFFFFFF  }
0xb6: {  	s28 =	simm.s32 $_size_execute0_lowered;
	s3 =	sadd.s32 s3, s5;
	[dreg:$0x0] =	wrdreg $0x0  }
0xb7: {  	s5 =	sshll.u32 s28, $0x1;
	[dreg:$0x2] =	wrdreg s3  }
0xb8: {  	[dreg:$0x3] =	wrdreg s5  }
0xb9: {  	[dreg:$0x4] =	wrdreg $0xC0  }
0xba: {  	_ =	task [dreg:s22], $0x5FFFF  }
0xbb: {  	[dreg:$0x1] =	wrdreg $0xFFFFFFFF  }
0xbc: {  	[dreg:$0x0] =	wrdreg $0x60  }
0xbd: {  	[dreg:$0x2] =	wrdreg s24  }
0xbe: {  	[dreg:$0x3] =	wrdreg $0x9  }
0xbf: {  	_ =	task.clear_ibuf [dreg:s22], $0x4FFFF;
	_ =	strace $0x90000050  }
0xc0: {  	s29 =	simm.s32 $0x9;
	_ =	strace $0x80000059  }
0xc1: {  	_ =	swait.ge [sflag:s29], $0x1  }
0xc2: {  	[sflag:s29] =	ssyncadd.s32 $0xFFFFFFFF  }
0xc3: {  	_ =	strace $0x90000059  }
0xc4: {  	_ =	sfence  }
0xc5: {  	s30 =	sld [smem:$0x0];
	_ =	sdelay $0x2  }
0xc6: {  	s31 =	sshll.u32 s1, $0xD;
	s1 =	sshrl.u32 s1, $0x2  }
0xc7: {  	s4 =	sand.u32 $0x4000, s31;
	s1 =	sadd.s32 s1, s30  }
0xc8: {  	s0 =	sor.u32 s4, s0;
	s1 =	sshll.u32 s1, $0x11  }
0xc9: {  	s0 =	sor.u32 s1, s0  }
0xca: {  	s0 =	sadd.s32 $0x8F2B, s0  }
0xcb: {  	[sflag:s0] =	ssyncadd.remote.s32 $0x1  }
0xcc: {  	_ =	sfence.sel $0xFFFF  }
0xcd: {  	[dreg:$0x0] =	wrdreg $0xFFFFFFFF;
	(pc) =	sbr.abs _section_cstart, $3  }
0xce: {  	[dreg:$0x1] =	wrdreg $0xFFFFFFFF  }
0xcf: {  	_ =	task.clear_ibuf [dreg:s22], $0x2FFFF;
	_ =	strace $0x9FFFFFFF  }
0xd0: {  	(tm) =	ssettm $0x7FFFFFFF  }
0xd1: {  	_ =	shalt  }
tec
execute0_lowered:
.L_overlay_start_1:
0x0: {  	(tag) =	ssettag $0x1  }
0x1: {  	s0 =	srdreg.scid  }
0x2: {  	s20 =	sand.u32 $0x1, s0  }
0x3: {  	s1 =	stileid.u32;
	s3 =	sshll.u32 s20, $0x4  }
0x4: {  	s10 =	rddreg [dreg:$0x0];
	s2 =	simm.s32 $0x0;
	s11 =	sor.u32 s1, s3  }
0x5: {  	[smem:$0x7FF] =	sst s2;
	s3 =	sshll.u32 s11, $0x7  }
0x6: {  	s0 =	rddreg [dreg:$0x1];
	_ =	strace $0x80000051;
	s16 =	sadd.s32 s3, s10  }
0x7: {  	_ =	strace $0x80000052;
	s3 =	sadd.s32 $0x92E00, s16  }
0x8: {  	[tilespmem:s2], [sflag:$0x1] =	stream.linear.gather [hbm4b:s3+s2], $0x100, $0x200038;
	[tilespmem:$0x10200] =	vst v63  }
0x9: {  	_ =	strace $0x90000052  }
0xa: {  	s5 =	simm.s32 $0x100;
	s4 =	sadd.s32 $0x92E20, s16;
	_ =	strace $0x80000053  }
0xb: {  	[tilespmem:s5], [sflag:$0x2] =	stream.linear.gather [hbm4b:s4+s2], $0x100, $0x200038;
	[tilespmem:$0x10200] =	vst v63  }
0xc: {  	_ =	strace $0x90000053  }
0xd: {  	s6 =	simm.s32 $0x1;
	_ =	strace $0x80000054  }
0xe: {  	_ =	swait.ge [sflag:s6], $0x100  }
0xf: {  	[sflag:s6] =	ssyncset.done $0x0  }
0x10: {  	[sflag:s6] =	ssyncadd.s32 $0xFFFFFF00  }
0x11: {  	s8 =	simm.s32 $0x200;
	_ =	strace $0x90000054  }
0x12: {  	s9 =	simm.s32 $0x5;
	s7 =	sadd.s32 $0x2E00, s10;
	_ =	strace $0x80000055  }
0x13: {  	[tilespmem:s8], [sflag:$0x5] =	stream.indirect.gather [hbm4b:s7+s5], $0x80, s2, s5, $0x2000b8;
	[tilespmem:$0x10200] =	vst v63  }
0x14: {  	_ =	swait.ge [sflag:s9], $0x8000  }
0x15: {  	[sflag:s9] =	ssyncset.done $0x0  }
0x16: {  	s11 =	sshll.u32 s11, $0xE;
	[sflag:s9] =	ssyncadd.s32 $0xFFFF8000  }
0x17: {  	s19 =	sadd.s32 s11, s10;
	_ =	strace $0x90000055  }
0x18: {  	s10 =	sadd.s32 $0x93E00, s19;
	_ =	strace $0x80000056  }
0x19: {  	[hbm4b:s10+s2] =	stream.linear.scatter [tilespmem:s8], [sflag:$0x3], $0x8000, $0x200038;
	[tilespmem:$0x10200] =	vst v63  }
0x1a: {  	_ =	strace $0x90000056  }
0x1b: {  	s11 =	sadd.s32 $0x92E40, s16;
	_ =	strace $0x80000053  }
0x1c: {  	[tilespmem:s2], [sflag:$0x1] =	stream.linear.gather [hbm4b:s11+s2], $0x100, $0x200038;
	[tilespmem:$0x10200] =	vst v63  }
0x1d: {  	_ =	strace $0x90000053  }
0x1e: {  	s12 =	simm.s32 $0x2;
	_ =	strace $0x80000054  }
0x1f: {  	_ =	swait.ge [sflag:s12], $0x100  }
0x20: {  	[sflag:s12] =	ssyncset.done $0x0  }
0x21: {  	[sflag:s12] =	ssyncadd.s32 $0xFFFFFF00  }
0x22: {  	_ =	strace $0x90000054  }
0x23: {  	s13 =	simm.s32 $0x8200;
	_ =	strace $0x80000055  }
0x24: {  	[tilespmem:s13], [sflag:$0x5] =	stream.indirect.gather [hbm4b:s7+s5], $0x80, s5, s5, $0x2000b8;
	[tilespmem:$0x10200] =	vst v63  }
0x25: {  	_ =	swait.ge [sflag:s9], $0x8000  }
0x26: {  	[sflag:s9] =	ssyncset.done $0x0  }
0x27: {  	[sflag:s9] =	ssyncadd.s32 $0xFFFF8000  }
0x28: {  	_ =	strace $0x90000055  }
0x29: {  	s14 =	sadd.s32 $0x94E00, s19;
	_ =	strace $0x80000056  }
0x2a: {  	[hbm4b:s14+s2] =	stream.linear.scatter [tilespmem:s13], [sflag:$0x4], $0x8000, $0x200038;
	[tilespmem:$0x10200] =	vst v63  }
0x2b: {  	_ =	strace $0x90000056  }
0x2c: {  	s15 =	simm.s32 $0x3;
	_ =	strace $0x80000057  }
0x2d: {  	_ =	swait.ge [sflag:s15], $0x8000  }
0x2e: {  	[sflag:s15] =	ssyncset.done $0x0  }
0x2f: {  	[sflag:s15] =	ssyncadd.s32 $0xFFFF8000  }
0x30: {  	_ =	strace $0x90000057  }
0x31: {  	s16 =	sadd.s32 $0x92E60, s16;
	_ =	strace $0x80000053  }
0x32: {  	[tilespmem:s5], [sflag:$0x2] =	stream.linear.gather [hbm4b:s16+s2], $0x100, $0x200038;
	[tilespmem:$0x10200] =	vst v63  }
0x33: {  	_ =	strace $0x90000053  }
0x34: {  	_ =	strace $0x80000054  }
0x35: {  	_ =	swait.ge [sflag:s6], $0x100  }
0x36: {  	[sflag:s6] =	ssyncset.done $0x0  }
0x37: {  	[sflag:s6] =	ssyncadd.s32 $0xFFFFFF00  }
0x38: {  	_ =	strace $0x90000054  }
0x39: {  	_ =	strace $0x80000055  }
0x3a: {  	[tilespmem:s8], [sflag:$0x5] =	stream.indirect.gather [hbm4b:s7+s5], $0x80, s2, s5, $0x2000b8;
	[tilespmem:$0x10200] =	vst v63  }
0x3b: {  	_ =	swait.ge [sflag:s9], $0x8000  }
0x3c: {  	[sflag:s9] =	ssyncset.done $0x0  }
0x3d: {  	[sflag:s9] =	ssyncadd.s32 $0xFFFF8000  }
0x3e: {  	_ =	strace $0x90000055  }
0x3f: {  	s17 =	sadd.s32 $0x95E00, s19;
	_ =	strace $0x80000056  }
0x40: {  	[hbm4b:s17+s2] =	stream.linear.scatter [tilespmem:s8], [sflag:$0x3], $0x8000, $0x200038;
	[tilespmem:$0x10200] =	vst v63  }
0x41: {  	_ =	strace $0x90000056  }
0x42: {  	s18 =	simm.s32 $0x4;
	_ =	strace $0x80000057  }
0x43: {  	_ =	swait.ge [sflag:s18], $0x8000  }
0x44: {  	[sflag:s18] =	ssyncset.done $0x0  }
0x45: {  	[sflag:s18] =	ssyncadd.s32 $0xFFFF8000  }
0x46: {  	_ =	strace $0x90000057  }
0x47: {  	_ =	strace $0x80000054  }
0x48: {  	_ =	swait.ge [sflag:s12], $0x100  }
0x49: {  	[sflag:s12] =	ssyncset.done $0x0  }
0x4a: {  	[sflag:s12] =	ssyncadd.s32 $0xFFFFFF00  }
0x4b: {  	_ =	strace $0x90000054  }
0x4c: {  	_ =	strace $0x80000055  }
0x4d: {  	[tilespmem:s13], [sflag:$0x5] =	stream.indirect.gather [hbm4b:s7+s5], $0x80, s5, s5, $0x2000b8;
	[tilespmem:$0x10200] =	vst v63  }
0x4e: {  	_ =	swait.ge [sflag:s9], $0x8000  }
0x4f: {  	[sflag:s9] =	ssyncset.done $0x0  }
0x50: {  	[sflag:s9] =	ssyncadd.s32 $0xFFFF8000  }
0x51: {  	_ =	strace $0x90000055  }
0x52: {  	s19 =	sadd.s32 $0x96E00, s19;
	_ =	strace $0x80000056  }
0x53: {  	[hbm4b:s19+s2] =	stream.linear.scatter [tilespmem:s13], [sflag:$0x4], $0x8000, $0x200038;
	[tilespmem:$0x10200] =	vst v63  }
0x54: {  	s20 =	ssub.s32 $0x2, s20;
	_ =	strace $0x90000056  }
0x55: {  	s21 =	sshrl.u32 s20, $0x1;
	_ =	strace $0x80000057  }
0x56: {  	s20 =	ssub.s32 s20, s21;
	_ =	swait.ge [sflag:s15], $0x8000  }
0x57: {  	s20 =	smax.u32 s20, $0x1;
	[sflag:s15] =	ssyncset.done $0x0  }
0x58: {  	p0 =	sne.s32 s20, $0x1;
	[sflag:s15] =	ssyncadd.s32 $0xFFFF8000  }
.Ltmp0:
0x59: {  	_ =	strace $0x90000057;
	(pc) =	sbr.rel @!p0 .LBB2_2-.Ltmp0, $4  }
0x5a: {  	_ =	strace $0x80000058  }
0x5b: {  	_ =	swait.ge [sflag:s18], $0x8000  }
0x5c: {  	[sflag:s18] =	ssyncset.done $0x0  }
0x5d: {  	s20 =	sadd.s32 $0xFFFFFFFF, s20;
	[sflag:s18] =	ssyncadd.s32 $0xFFFF8000  }
.LBB2_1:
0x5e: {  	p0 =	sne.s32 s20, $0x1;
	s20 =	sadd.s32 $0xFFFFFFFF, s20;
	_ =	strace $0x90000058  }
0x5f: {  	_ =	strace $0x80000052  }
0x60: {  	[tilespmem:s2], [sflag:$0x1] =	stream.linear.gather [hbm4b:s3+s2], $0x100, $0x200038;
	[tilespmem:$0x10200] =	vst v63  }
0x61: {  	_ =	strace $0x90000052  }
0x62: {  	_ =	strace $0x80000053  }
0x63: {  	[tilespmem:s5], [sflag:$0x2] =	stream.linear.gather [hbm4b:s4+s2], $0x100, $0x200038;
	[tilespmem:$0x10200] =	vst v63  }
0x64: {  	_ =	strace $0x90000053  }
0x65: {  	_ =	strace $0x80000054  }
0x66: {  	_ =	swait.ge [sflag:s6], $0x100  }
0x67: {  	[sflag:s6] =	ssyncset.done $0x0  }
0x68: {  	[sflag:s6] =	ssyncadd.s32 $0xFFFFFF00  }
0x69: {  	_ =	strace $0x90000054  }
0x6a: {  	_ =	strace $0x80000055  }
0x6b: {  	[tilespmem:s8], [sflag:$0x5] =	stream.indirect.gather [hbm4b:s7+s5], $0x80, s2, s5, $0x2000b8;
	[tilespmem:$0x10200] =	vst v63  }
0x6c: {  	_ =	swait.ge [sflag:s9], $0x8000  }
0x6d: {  	[sflag:s9] =	ssyncset.done $0x0  }
0x6e: {  	[sflag:s9] =	ssyncadd.s32 $0xFFFF8000  }
0x6f: {  	_ =	strace $0x90000055  }
0x70: {  	_ =	strace $0x80000056  }
0x71: {  	[hbm4b:s10+s2] =	stream.linear.scatter [tilespmem:s8], [sflag:$0x3], $0x8000, $0x200038;
	[tilespmem:$0x10200] =	vst v63  }
0x72: {  	_ =	strace $0x90000056  }
0x73: {  	_ =	strace $0x80000053  }
0x74: {  	[tilespmem:s2], [sflag:$0x1] =	stream.linear.gather [hbm4b:s11+s2], $0x100, $0x200038;
	[tilespmem:$0x10200] =	vst v63  }
0x75: {  	_ =	strace $0x90000053  }
0x76: {  	_ =	strace $0x80000054  }
0x77: {  	_ =	swait.ge [sflag:s12], $0x100  }
0x78: {  	[sflag:s12] =	ssyncset.done $0x0  }
0x79: {  	[sflag:s12] =	ssyncadd.s32 $0xFFFFFF00  }
0x7a: {  	_ =	strace $0x90000054  }
0x7b: {  	_ =	strace $0x80000055  }
0x7c: {  	[tilespmem:s13], [sflag:$0x5] =	stream.indirect.gather [hbm4b:s7+s5], $0x80, s5, s5, $0x2000b8;
	[tilespmem:$0x10200] =	vst v63  }
0x7d: {  	_ =	swait.ge [sflag:s9], $0x8000  }
0x7e: {  	[sflag:s9] =	ssyncset.done $0x0  }
0x7f: {  	[sflag:s9] =	ssyncadd.s32 $0xFFFF8000  }
0x80: {  	_ =	strace $0x90000055  }
0x81: {  	_ =	strace $0x80000056  }
0x82: {  	[hbm4b:s14+s2] =	stream.linear.scatter [tilespmem:s13], [sflag:$0x4], $0x8000, $0x200038;
	[tilespmem:$0x10200] =	vst v63  }
0x83: {  	_ =	strace $0x90000056  }
0x84: {  	_ =	strace $0x80000057  }
0x85: {  	_ =	swait.ge [sflag:s15], $0x8000  }
0x86: {  	[sflag:s15] =	ssyncset.done $0x0  }
0x87: {  	[sflag:s15] =	ssyncadd.s32 $0xFFFF8000  }
0x88: {  	_ =	strace $0x90000057  }
0x89: {  	_ =	strace $0x80000053  }
0x8a: {  	[tilespmem:s5], [sflag:$0x2] =	stream.linear.gather [hbm4b:s16+s2], $0x100, $0x200038;
	[tilespmem:$0x10200] =	vst v63  }
0x8b: {  	_ =	strace $0x90000053  }
0x8c: {  	_ =	strace $0x80000054  }
0x8d: {  	_ =	swait.ge [sflag:s6], $0x100  }
0x8e: {  	[sflag:s6] =	ssyncset.done $0x0  }
0x8f: {  	[sflag:s6] =	ssyncadd.s32 $0xFFFFFF00  }
0x90: {  	_ =	strace $0x90000054  }
0x91: {  	_ =	strace $0x80000055  }
0x92: {  	[tilespmem:s8], [sflag:$0x5] =	stream.indirect.gather [hbm4b:s7+s5], $0x80, s2, s5, $0x2000b8;
	[tilespmem:$0x10200] =	vst v63  }
0x93: {  	_ =	swait.ge [sflag:s9], $0x8000  }
0x94: {  	[sflag:s9] =	ssyncset.done $0x0  }
0x95: {  	[sflag:s9] =	ssyncadd.s32 $0xFFFF8000  }
0x96: {  	_ =	strace $0x90000055  }
0x97: {  	_ =	strace $0x80000056  }
0x98: {  	[hbm4b:s17+s2] =	stream.linear.scatter [tilespmem:s8], [sflag:$0x3], $0x8000, $0x200038;
	[tilespmem:$0x10200] =	vst v63  }
0x99: {  	_ =	strace $0x90000056  }
0x9a: {  	_ =	strace $0x80000057  }
0x9b: {  	_ =	swait.ge [sflag:s18], $0x8000  }
0x9c: {  	[sflag:s18] =	ssyncset.done $0x0  }
0x9d: {  	[sflag:s18] =	ssyncadd.s32 $0xFFFF8000  }
0x9e: {  	_ =	strace $0x90000057  }
0x9f: {  	_ =	strace $0x80000054  }
0xa0: {  	_ =	swait.ge [sflag:s12], $0x100  }
0xa1: {  	[sflag:s12] =	ssyncset.done $0x0  }
0xa2: {  	[sflag:s12] =	ssyncadd.s32 $0xFFFFFF00  }
0xa3: {  	_ =	strace $0x90000054  }
0xa4: {  	_ =	strace $0x80000055  }
0xa5: {  	[tilespmem:s13], [sflag:$0x5] =	stream.indirect.gather [hbm4b:s7+s5], $0x80, s5, s5, $0x2000b8;
	[tilespmem:$0x10200] =	vst v63  }
0xa6: {  	_ =	swait.ge [sflag:s9], $0x8000  }
0xa7: {  	[sflag:s9] =	ssyncset.done $0x0  }
0xa8: {  	[sflag:s9] =	ssyncadd.s32 $0xFFFF8000  }
0xa9: {  	_ =	strace $0x90000055  }
0xaa: {  	_ =	strace $0x80000056  }
0xab: {  	[hbm4b:s19+s2] =	stream.linear.scatter [tilespmem:s13], [sflag:$0x4], $0x8000, $0x200038;
	[tilespmem:$0x10200] =	vst v63  }
0xac: {  	_ =	strace $0x90000056  }
0xad: {  	_ =	strace $0x80000057  }
0xae: {  	_ =	swait.ge [sflag:s15], $0x8000  }
0xaf: {  	[sflag:s15] =	ssyncset.done $0x0  }
0xb0: {  	[sflag:s15] =	ssyncadd.s32 $0xFFFF8000  }
.Ltmp1:
0xb1: {  	_ =	strace $0x90000057;
	(pc) =	sbr.rel @p0 .LBB2_1-.Ltmp1, $4  }
0xb2: {  	_ =	strace $0x80000058  }
0xb3: {  	_ =	swait.ge [sflag:s18], $0x8000  }
0xb4: {  	[sflag:s18] =	ssyncset.done $0x0  }
0xb5: {  	[sflag:s18] =	ssyncadd.s32 $0xFFFF8000  }
.LBB2_2:
0xb6: {  	_ =	strace $0x90000058  }
0xb7: {  	_ =	sfence.sel $0x180000  }
0xb8: {  	[bflag:$0x0] =	sbarrier.arrive $0xFFFF  }
0xb9: {  	p0 =	sne.s32 s1, $0x0;
	_ =	strace $0x90000051  }
0xba: {  	s0 =	sadd.s32 @!p0 $0x100000, s0;
	[bflag:$0x2] =	sbarrier.arrive $0xFFFF  }
0xbb: {  	[sflag:s0] =	ssyncadd.tile.s32 @!p0 $0x1;
	_ =	shalt  }
.Lfunc_end2:
_tile_overlayer_lowered:
.L_overlay_start_2:
0xbc: {  	(tag) =	ssettag $0x2  }
0xbd: {  	s0 =	rddreg [dreg:$0x0];
	s2 =	stileid.u32  }
0xbe: {  	s1 =	rddreg [dreg:$0x1];
	p0 =	sne.s32 s2, $0x0  }
0xbf: {  	s3 =	rddreg [dreg:$0x2];
	[bflag:$0x3] =	sbarrier.arrive $0xFFFF;
	s2 =	simm.s32 @!p0 $0x1C01  }
0xc0: {  	[timem:s3], [sflag:s2] =	dma.local @!p0 [hbm:s0], s1  }
0xc1: {  	s0 =	simm.s32 @!p0 $0x1  }
0xc2: {  	_ =	swait.ge @!p0 [sflag:s0], s1  }
0xc3: {  	s1 =	ssub.s32 @!p0 $0x0, s1;
	[sflag:s0] =	ssyncset.done @!p0 $0x0  }
0xc4: {  	[sflag:s0] =	ssyncadd.s32 @!p0 s1  }
0xc5: {  	[bflag:$0x3] =	sbarrier.arrive $0xFFFF  }
0xc6: {  	_ =	shalt  }

</sc_bundles>
